<compile_context>
chip_gen: v7x
topology: tpu7x:2x2x1
jax: 0.10.2.dev20260603
libtpu: 0.0.44.dev20260713+nightly
codegen_flags: <defaults>
</compile_context>

<pallas_src>
import functools

import jax
import jax.numpy as jnp
from jax import lax
from jax.experimental import pallas as pl
from jax.experimental.pallas import tpu as pltpu
from jax.experimental.pallas import tpu_sc as plsc

_N_FACTORS = 32
_BATCH = 16384
_NC = 2
_NS = 16
_NW = _NC * _NS
_BPW = _BATCH // _NW
_CHUNK = _BPW // 2
_NSEM = 8

_BITREV4 = [0, 8, 4, 12, 2, 10, 6, 14, 1, 9, 5, 13, 3, 11, 7, 15]

_GDN = lax.GatherDimensionNumbers(
    offset_dims=(), collapsed_slice_dims=(0,), start_index_map=(0,))


def _perm(x, idx):
    return lax.gather(x, idx[:, None], _GDN, slice_sizes=(1,),
                      mode=lax.GatherScatterMode.PROMISE_IN_BOUNDS)


_mesh = plsc.VectorSubcoreMesh(core_axis_name="c", subcore_axis_name="s")


@functools.partial(
    pl.kernel,
    mesh=_mesh,
    out_type=jax.ShapeDtypeStruct((_BATCH,), jnp.float32),
    scratch_types=[
        pltpu.VMEM((_BPW,), jnp.int32),
        pltpu.VMEM((_BPW,), jnp.int32),
        pltpu.VMEM((_CHUNK, _N_FACTORS), jnp.float32),
        pltpu.VMEM((_CHUNK, _N_FACTORS), jnp.float32),
        pltpu.VMEM((_BPW,), jnp.float32),
        [pltpu.SemaphoreType.DMA] * _NSEM,
    ],
)
def _dot_gather(n1_hbm, n2_hbm, table_hbm, out_hbm,
                idx1_v, idx2_v, rows1_v, rows2_v, out_v, sems):
    wid = lax.axis_index("s") * _NC + lax.axis_index("c")
    base = wid * _BPW

    pltpu.sync_copy(n1_hbm.at[pl.ds(base, _BPW)], idx1_v)
    pltpu.sync_copy(n2_hbm.at[pl.ds(base, _BPW)], idx2_v)

    lanes = lax.iota(jnp.int32, 16)

    for half in range(2):
        h0 = half * _CHUNK

        def gather_body(c, _):
            i0 = c * 16
            vec1 = idx1_v[pl.ds(h0 + i0, 16)]
            vec2 = idx2_v[pl.ds(h0 + i0, 16)]
            for k in range(16):
                r1 = lax.squeeze(lax.slice(vec1, (k,), (k + 1,)), (0,))
                r2 = lax.squeeze(lax.slice(vec2, (k,), (k + 1,)), (0,))
                pltpu.async_copy(table_hbm.at[pl.ds(r1, 1), :],
                                 rows1_v.at[pl.ds(i0 + k, 1), :],
                                 sems[k % _NSEM])
                pltpu.async_copy(table_hbm.at[pl.ds(r2, 1), :],
                                 rows2_v.at[pl.ds(i0 + k, 1), :],
                                 sems[(k + 1) % _NSEM])
            return 0

        lax.fori_loop(0, _CHUNK // 16, gather_body, 0)

        per_sem = 2 * _CHUNK // _NSEM
        for k in range(_NSEM):
            pltpu.make_async_copy(
                table_hbm.at[pl.ds(0, per_sem), :],
                rows1_v.at[pl.ds(0, per_sem), :], sems[k]).wait()

        def blk_body(blk, _):
            i0 = blk * 16
            qs = []
            for ri in _BITREV4:
                r = i0 + ri
                a0 = rows1_v[r, pl.ds(0, 16)]
                a1 = rows1_v[r, pl.ds(16, 16)]
                b0 = rows2_v[r, pl.ds(0, 16)]
                b1 = rows2_v[r, pl.ds(16, 16)]
                qs.append(a0 * b0 + a1 * b1)
            vecs = qs
            for s in (8, 4, 2, 1):
                m = (lanes & s) == 0
                perm = lanes ^ s
                nxt = []
                for k in range(0, len(vecs), 2):
                    ta = vecs[k] + _perm(vecs[k], perm)
                    tb = vecs[k + 1] + _perm(vecs[k + 1], perm)
                    nxt.append(jnp.where(m, ta, tb))
                vecs = nxt
            out_v[pl.ds(h0 + i0, 16)] = vecs[0]
            return 0

        lax.fori_loop(0, _CHUNK // 16, blk_body, 0)

    pltpu.sync_copy(out_v, out_hbm.at[pl.ds(base, _BPW)])


def kernel(node1, node2, node_factors):
    return _dot_gather(node1, node2, node_factors)

# --- scband reference (transcript-rebuilt; emitter-appended) ---
"""Pipeline reference for scband-matrix-factorization-12876311953575 (READ-ONLY COPY).

The authoritative reference and input builder live on the scoring server;
editing this copy changes nothing except your own understanding.
"""

import jax, jax.numpy as jnp
import numpy as np

N_NODES = 1000000
N_FACTORS = 32
BATCH = 16384

def setup_inputs(seed: int = 0) -> dict:
    key = jax.random.key(seed)
    k1, k2, k3 = jax.random.split(key, 3)
    node1 = jax.random.randint(k1, (BATCH,), 0, N_NODES, dtype=jnp.int64 if jax.config.jax_enable_x64 else jnp.int32).astype(jnp.int32)
    node2 = jax.random.randint(k2, (BATCH,), 0, N_NODES, dtype=jnp.int64 if jax.config.jax_enable_x64 else jnp.int32).astype(jnp.int32)
    node_factors = jax.random.normal(k3, (N_NODES, N_FACTORS), dtype=jnp.float32)
    return {"node1": node1, "node2": node2, "node_factors": node_factors}

def reference(node1, node2, node_factors):
    # MatrixFactorization.forward: (emb(node1) * emb(node2)).sum(1)
    e1 = jnp.take(node_factors, node1, axis=0)
    e2 = jnp.take(node_factors, node2, axis=0)
    return (e1 * e2).sum(axis=1)

if __name__ == "__main__":
    import jax
    _d = setup_inputs()
    print(jax.jit(kernel)(*tuple(_d.values())))

</pallas_src>

<mosaic_0001>
#map = affine_map<(d0, d1) -> (0)>
#map1 = affine_map<(d0, d1) -> (0, 0)>
module attributes {stable_mosaic.version = 14 : i64} {
  func.func @_dot_gather(%arg0: i32, %arg1: i32, %arg2: memref<16384xi32, #tpu.memory_space<hbm>>, %arg3: memref<16384xi32, #tpu.memory_space<hbm>>, %arg4: memref<1000000x32xf32, #tpu.memory_space<hbm>>, %arg5: memref<16384xf32, #tpu.memory_space<hbm>>, %arg6: memref<512xi32, #tpu.memory_space<vmem>>, %arg7: memref<512xi32, #tpu.memory_space<vmem>>, %arg8: memref<256x32xf32, #tpu.memory_space<vmem>>, %arg9: memref<256x32xf32, #tpu.memory_space<vmem>>, %arg10: memref<512xf32, #tpu.memory_space<vmem>>, %arg11: memref<!tpu.dma_semaphore, #tpu.memory_space<semaphore_mem>>, %arg12: memref<!tpu.dma_semaphore, #tpu.memory_space<semaphore_mem>>, %arg13: memref<!tpu.dma_semaphore, #tpu.memory_space<semaphore_mem>>, %arg14: memref<!tpu.dma_semaphore, #tpu.memory_space<semaphore_mem>>, %arg15: memref<!tpu.dma_semaphore, #tpu.memory_space<semaphore_mem>>, %arg16: memref<!tpu.dma_semaphore, #tpu.memory_space<semaphore_mem>>, %arg17: memref<!tpu.dma_semaphore, #tpu.memory_space<semaphore_mem>>, %arg18: memref<!tpu.dma_semaphore, #tpu.memory_space<semaphore_mem>>) attributes {dimension_semantics = [#tpu.dimension_semantics<core_parallel>, #tpu.dimension_semantics<subcore_parallel>], iteration_bounds = array<i64: 2, 16>, scalar_prefetch = 0 : i64, scratch_operands = 13 : i64, tpu.core_type = #tpu.core_type<sc_vector_subcore>, window_params = [{transform_indices = #map}, {transform_indices = #map}, {transform_indices = #map1}, {transform_indices = #map}]} {
    %mul3A = arith.constant 2 : i32
    %mul3A_0 = arith.muli %arg1, %mul3A : i32
    %add3A = arith.addi %mul3A_0, %arg0 : i32
    %mul3A_1 = arith.constant 512 : i32
    %mul3A_2 = arith.muli %add3A, %mul3A_1 : i32
    "tpu.region"() ({
      %run_scoped3A = tpu.sem_alloc : memref<!tpu.dma_semaphore, #tpu.memory_space<semaphore_mem>>
      %dma_start3A = tpu.memref_slice %arg2[%mul3A_2] : memref<16384xi32, #tpu.memory_space<hbm>> -> memref<512xi32, #tpu.memory_space<hbm>>
      %dma_start3A_221 = tpu.memref_slice %arg2[%mul3A_2] : memref<16384xi32, #tpu.memory_space<hbm>> -> memref<512xi32, #tpu.memory_space<hbm>>
      tpu.enqueue_dma source(%dma_start3A_221 : memref<512xi32, #tpu.memory_space<hbm>>) target(%arg6 : memref<512xi32, #tpu.memory_space<vmem>>) target_semaphore(%run_scoped3A : memref<!tpu.dma_semaphore, #tpu.memory_space<semaphore_mem>>)
      %dma_wait3A_222 = tpu.memref_slice %arg2[%mul3A_2] : memref<16384xi32, #tpu.memory_space<hbm>> -> memref<512xi32, #tpu.memory_space<hbm>>
      %dma_wait3A_223 = tpu.memref_slice %arg2[%mul3A_2] : memref<16384xi32, #tpu.memory_space<hbm>> -> memref<512xi32, #tpu.memory_space<hbm>>
      tpu.wait_dma2 semaphore(%run_scoped3A : memref<!tpu.dma_semaphore, #tpu.memory_space<semaphore_mem>>) src(%dma_wait3A_223 : memref<512xi32, #tpu.memory_space<hbm>>) dst(%arg6 : memref<512xi32, #tpu.memory_space<vmem>>)
      tpu.yield
    }) : () -> ()
    "tpu.region"() ({
      %run_scoped3A = tpu.sem_alloc : memref<!tpu.dma_semaphore, #tpu.memory_space<semaphore_mem>>
      %dma_start3A = tpu.memref_slice %arg3[%mul3A_2] : memref<16384xi32, #tpu.memory_space<hbm>> -> memref<512xi32, #tpu.memory_space<hbm>>
      %dma_start3A_221 = tpu.memref_slice %arg3[%mul3A_2] : memref<16384xi32, #tpu.memory_space<hbm>> -> memref<512xi32, #tpu.memory_space<hbm>>
      tpu.enqueue_dma source(%dma_start3A_221 : memref<512xi32, #tpu.memory_space<hbm>>) target(%arg7 : memref<512xi32, #tpu.memory_space<vmem>>) target_semaphore(%run_scoped3A : memref<!tpu.dma_semaphore, #tpu.memory_space<semaphore_mem>>)
      %dma_wait3A_222 = tpu.memref_slice %arg3[%mul3A_2] : memref<16384xi32, #tpu.memory_space<hbm>> -> memref<512xi32, #tpu.memory_space<hbm>>
      %dma_wait3A_223 = tpu.memref_slice %arg3[%mul3A_2] : memref<16384xi32, #tpu.memory_space<hbm>> -> memref<512xi32, #tpu.memory_space<hbm>>
      tpu.wait_dma2 semaphore(%run_scoped3A : memref<!tpu.dma_semaphore, #tpu.memory_space<semaphore_mem>>) src(%dma_wait3A_223 : memref<512xi32, #tpu.memory_space<hbm>>) dst(%arg7 : memref<512xi32, #tpu.memory_space<vmem>>)
      tpu.yield
    }) : () -> ()
    %iota3A = tpu.iota {dimensions = array<i32: 0>} : vector<16xi32>
    %scan3A = arith.constant 0 : i32
    %scan3A_3 = arith.constant 0 : i32
    %scan3A_4 = arith.constant 16 : i32
    %scan3A_5 = arith.addi %scan3A_3, %scan3A_4 : i32
    %scan3A_6 = arith.constant 1 : i32
    %scan3A_7 = scf.for %scan3A_221 = %scan3A_3 to %scan3A_5 step %scan3A_6 iter_args(%scan3A_222 = %scan3A) -> (i32)  : i32 {
      %mul3A_223 = arith.constant 16 : i32
      %mul3A_224 = arith.muli %scan3A_221, %mul3A_223 : i32
      %add3A_225 = arith.constant 0 : i32
      %add3A_226 = arith.addi %add3A_225, %mul3A_224 : i32
      %get3A = arith.index_cast %add3A_226 : i32 to index
      %get3A_227 = tpu.vector_load %arg6[%get3A] {strides = array<i32>} : memref<512xi32, #tpu.memory_space<vmem>>, vector<16xi32>,
      %get3A_228 = vector.shape_cast %get3A_227 : vector<16xi32> to vector<16xi32>
      %add3A_229 = arith.constant 0 : i32
      %add3A_230 = arith.addi %add3A_229, %mul3A_224 : i32
      %get3A_231 = arith.index_cast %add3A_230 : i32 to index
      %get3A_232 = tpu.vector_load %arg7[%get3A_231] {strides = array<i32>} : memref<512xi32, #tpu.memory_space<vmem>>, vector<16xi32>,
      %get3A_233 = vector.shape_cast %get3A_232 : vector<16xi32> to vector<16xi32>
      %slice3A = vector.extract_strided_slice %get3A_228 {offsets = [0], sizes = [1], strides = [1]} : vector<16xi32> to vector<1xi32>
      %squeeze3A = vector.extract %slice3A[0] : i32 from vector<1xi32>
      %slice3A_234 = vector.extract_strided_slice %get3A_233 {offsets = [0], sizes = [1], strides = [1]} : vector<16xi32> to vector<1xi32>
      %squeeze3A_235 = vector.extract %slice3A_234[0] : i32 from vector<1xi32>
      %add3A_236 = arith.constant 0 : i32
      %add3A_237 = arith.addi %mul3A_224, %add3A_236 : i32
      %dma_start3A = arith.constant 0 : i32
      %dma_start3A_238 = tpu.memref_slice %arg8[%add3A_237, %dma_start3A] : memref<256x32xf32, #tpu.memory_space<vmem>> -> memref<1x32xf32, #tpu.memory_space<vmem>>
      %dma_start3A_239 = arith.constant 0 : i32
      %dma_start3A_240 = tpu.memref_slice %arg4[%squeeze3A, %dma_start3A_239] : memref<1000000x32xf32, #tpu.memory_space<hbm>> -> memref<1x32xf32, #tpu.memory_space<hbm>>
      %dma_start3A_241 = arith.constant 0 : i32
      %dma_start3A_242 = tpu.memref_slice %arg8[%add3A_237, %dma_start3A_241] : memref<256x32xf32, #tpu.memory_space<vmem>> -> memref<1x32xf32, #tpu.memory_space<vmem>>
      %dma_start3A_243 = arith.constant 0 : i32
      %dma_start3A_244 = tpu.memref_slice %arg4[%squeeze3A, %dma_start3A_243] : memref<1000000x32xf32, #tpu.memory_space<hbm>> -> memref<1x32xf32, #tpu.memory_space<hbm>>
      tpu.enqueue_dma source(%dma_start3A_244 : memref<1x32xf32, #tpu.memory_space<hbm>>) target(%dma_start3A_242 : memref<1x32xf32, #tpu.memory_space<vmem>>) target_semaphore(%arg11 : memref<!tpu.dma_semaphore, #tpu.memory_space<semaphore_mem>>)
      %add3A_245 = arith.constant 0 : i32
      %add3A_246 = arith.addi %mul3A_224, %add3A_245 : i32
      %dma_start3A_247 = arith.constant 0 : i32
      %dma_start3A_248 = tpu.memref_slice %arg9[%add3A_246, %dma_start3A_247] : memref<256x32xf32, #tpu.memory_space<vmem>> -> memref<1x32xf32, #tpu.memory_space<vmem>>
      %dma_start3A_249 = arith.constant 0 : i32
      %dma_start3A_250 = tpu.memref_slice %arg4[%squeeze3A_235, %dma_start3A_249] : memref<1000000x32xf32, #tpu.memory_space<hbm>> -> memref<1x32xf32, #tpu.memory_space<hbm>>
      %dma_start3A_251 = arith.constant 0 : i32
      %dma_start3A_252 = tpu.memref_slice %arg9[%add3A_246, %dma_start3A_251] : memref<256x32xf32, #tpu.memory_space<vmem>> -> memref<1x32xf32, #tpu.memory_space<vmem>>
      %dma_start3A_253 = arith.constant 0 : i32
      %dma_start3A_254 = tpu.memref_slice %arg4[%squeeze3A_235, %dma_start3A_253] : memref<1000000x32xf32, #tpu.memory_space<hbm>> -> memref<1x32xf32, #tpu.memory_space<hbm>>
      tpu.enqueue_dma source(%dma_start3A_254 : memref<1x32xf32, #tpu.memory_space<hbm>>) target(%dma_start3A_252 : memref<1x32xf32, #tpu.memory_space<vmem>>) target_semaphore(%arg12 : memref<!tpu.dma_semaphore, #tpu.memory_space<semaphore_mem>>)
      %slice3A_255 = vector.extract_strided_slice %get3A_228 {offsets = [1], sizes = [1], strides = [1]} : vector<16xi32> to vector<1xi32>
      %squeeze3A_256 = vector.extract %slice3A_255[0] : i32 from vector<1xi32>
      %slice3A_257 = vector.extract_strided_slice %get3A_233 {offsets = [1], sizes = [1], strides = [1]} : vector<16xi32> to vector<1xi32>
      %squeeze3A_258 = vector.extract %slice3A_257[0] : i32 from vector<1xi32>
      %add3A_259 = arith.constant 1 : i32
      %add3A_260 = arith.addi %mul3A_224, %add3A_259 : i32
      %dma_start3A_261 = arith.constant 0 : i32
      %dma_start3A_262 = tpu.memref_slice %arg8[%add3A_260, %dma_start3A_261] : memref<256x32xf32, #tpu.memory_space<vmem>> -> memref<1x32xf32, #tpu.memory_space<vmem>>
      %dma_start3A_263 = arith.constant 0 : i32
      %dma_start3A_264 = tpu.memref_slice %arg4[%squeeze3A_256, %dma_start3A_263] : memref<1000000x32xf32, #tpu.memory_space<hbm>> -> memref<1x32xf32, #tpu.memory_space<hbm>>
      %dma_start3A_265 = arith.constant 0 : i32
      %dma_start3A_266 = tpu.memref_slice %arg8[%add3A_260, %dma_start3A_265] : memref<256x32xf32, #tpu.memory_space<vmem>> -> memref<1x32xf32, #tpu.memory_space<vmem>>
      %dma_start3A_267 = arith.constant 0 : i32
      %dma_start3A_268 = tpu.memref_slice %arg4[%squeeze3A_256, %dma_start3A_267] : memref<1000000x32xf32, #tpu.memory_space<hbm>> -> memref<1x32xf32, #tpu.memory_space<hbm>>
      tpu.enqueue_dma source(%dma_start3A_268 : memref<1x32xf32, #tpu.memory_space<hbm>>) target(%dma_start3A_266 : memref<1x32xf32, #tpu.memory_space<vmem>>) target_semaphore(%arg12 : memref<!tpu.dma_semaphore, #tpu.memory_space<semaphore_mem>>)
      %add3A_269 = arith.constant 1 : i32
      %add3A_270 = arith.addi %mul3A_224, %add3A_269 : i32
      %dma_start3A_271 = arith.constant 0 : i32
      %dma_start3A_272 = tpu.memref_slice %arg9[%add3A_270, %dma_start3A_271] : memref<256x32xf32, #tpu.memory_space<vmem>> -> memref<1x32xf32, #tpu.memory_space<vmem>>
      %dma_start3A_273 = arith.constant 0 : i32
      %dma_start3A_274 = tpu.memref_slice %arg4[%squeeze3A_258, %dma_start3A_273] : memref<1000000x32xf32, #tpu.memory_space<hbm>> -> memref<1x32xf32, #tpu.memory_space<hbm>>
      %dma_start3A_275 = arith.constant 0 : i32
      %dma_start3A_276 = tpu.memref_slice %arg9[%add3A_270, %dma_start3A_275] : memref<256x32xf32, #tpu.memory_space<vmem>> -> memref<1x32xf32, #tpu.memory_space<vmem>>
      %dma_start3A_277 = arith.constant 0 : i32
      %dma_start3A_278 = tpu.memref_slice %arg4[%squeeze3A_258, %dma_start3A_277] : memref<1000000x32xf32, #tpu.memory_space<hbm>> -> memref<1x32xf32, #tpu.memory_space<hbm>>
      tpu.enqueue_dma source(%dma_start3A_278 : memref<1x32xf32, #tpu.memory_space<hbm>>) target(%dma_start3A_276 : memref<1x32xf32, #tpu.memory_space<vmem>>) target_semaphore(%arg13 : memref<!tpu.dma_semaphore, #tpu.memory_space<semaphore_mem>>)
      %slice3A_279 = vector.extract_strided_slice %get3A_228 {offsets = [2], sizes = [1], strides = [1]} : vector<16xi32> to vector<1xi32>
      %squeeze3A_280 = vector.extract %slice3A_279[0] : i32 from vector<1xi32>
      %slice3A_281 = vector.extract_strided_slice %get3A_233 {offsets = [2], sizes = [1], strides = [1]} : vector<16xi32> to vector<1xi32>
      %squeeze3A_282 = vector.extract %slice3A_281[0] : i32 from vector<1xi32>
      %add3A_283 = arith.constant 2 : i32
      %add3A_284 = arith.addi %mul3A_224, %add3A_283 : i32
      %dma_start3A_285 = arith.constant 0 : i32
      %dma_start3A_286 = tpu.memref_slice %arg8[%add3A_284, %dma_start3A_285] : memref<256x32xf32, #tpu.memory_space<vmem>> -> memref<1x32xf32, #tpu.memory_space<vmem>>
      %dma_start3A_287 = arith.constant 0 : i32
      %dma_start3A_288 = tpu.memref_slice %arg4[%squeeze3A_280, %dma_start3A_287] : memref<1000000x32xf32, #tpu.memory_space<hbm>> -> memref<1x32xf32, #tpu.memory_space<hbm>>
      %dma_start3A_289 = arith.constant 0 : i32
      %dma_start3A_290 = tpu.memref_slice %arg8[%add3A_284, %dma_start3A_289] : memref<256x32xf32, #tpu.memory_space<vmem>> -> memref<1x32xf32, #tpu.memory_space<vmem>>
      %dma_start3A_291 = arith.constant 0 : i32
      %dma_start3A_292 = tpu.memref_slice %arg4[%squeeze3A_280, %dma_start3A_291] : memref<1000000x32xf32, #tpu.memory_space<hbm>> -> memref<1x32xf32, #tpu.memory_space<hbm>>
      tpu.enqueue_dma source(%dma_start3A_292 : memref<1x32xf32, #tpu.memory_space<hbm>>) target(%dma_start3A_290 : memref<1x32xf32, #tpu.memory_space<vmem>>) target_semaphore(%arg13 : memref<!tpu.dma_semaphore, #tpu.memory_space<semaphore_mem>>)
      %add3A_293 = arith.constant 2 : i32
      %add3A_294 = arith.addi %mul3A_224, %add3A_293 : i32
      %dma_start3A_295 = arith.constant 0 : i32
      %dma_start3A_296 = tpu.memref_slice %arg9[%add3A_294, %dma_start3A_295] : memref<256x32xf32, #tpu.memory_space<vmem>> -> memref<1x32xf32, #tpu.memory_space<vmem>>
      %dma_start3A_297 = arith.constant 0 : i32
      %dma_start3A_298 = tpu.memref_slice %arg4[%squeeze3A_282, %dma_start3A_297] : memref<1000000x32xf32, #tpu.memory_space<hbm>> -> memref<1x32xf32, #tpu.memory_space<hbm>>
      %dma_start3A_299 = arith.constant 0 : i32
      %dma_start3A_300 = tpu.memref_slice %arg9[%add3A_294, %dma_start3A_299] : memref<256x32xf32, #tpu.memory_space<vmem>> -> memref<1x32xf32, #tpu.memory_space<vmem>>
      %dma_start3A_301 = arith.constant 0 : i32
      %dma_start3A_302 = tpu.memref_slice %arg4[%squeeze3A_282, %dma_start3A_301] : memref<1000000x32xf32, #tpu.memory_space<hbm>> -> memref<1x32xf32, #tpu.memory_space<hbm>>
      tpu.enqueue_dma source(%dma_start3A_302 : memref<1x32xf32, #tpu.memory_space<hbm>>) target(%dma_start3A_300 : memref<1x32xf32, #tpu.memory_space<vmem>>) target_semaphore(%arg14 : memref<!tpu.dma_semaphore, #tpu.memory_space<semaphore_mem>>)
      %slice3A_303 = vector.extract_strided_slice %get3A_228 {offsets = [3], sizes = [1], strides = [1]} : vector<16xi32> to vector<1xi32>
      %squeeze3A_304 = vector.extract %slice3A_303[0] : i32 from vector<1xi32>
      %slice3A_305 = vector.extract_strided_slice %get3A_233 {offsets = [3], sizes = [1], strides = [1]} : vector<16xi32> to vector<1xi32>
      %squeeze3A_306 = vector.extract %slice3A_305[0] : i32 from vector<1xi32>
      %add3A_307 = arith.constant 3 : i32
      %add3A_308 = arith.addi %mul3A_224, %add3A_307 : i32
      %dma_start3A_309 = arith.constant 0 : i32
      %dma_start3A_310 = tpu.memref_slice %arg8[%add3A_308, %dma_start3A_309] : memref<256x32xf32, #tpu.memory_space<vmem>> -> memref<1x32xf32, #tpu.memory_space<vmem>>
      %dma_start3A_311 = arith.constant 0 : i32
      %dma_start3A_312 = tpu.memref_slice %arg4[%squeeze3A_304, %dma_start3A_311] : memref<1000000x32xf32, #tpu.memory_space<hbm>> -> memref<1x32xf32, #tpu.memory_space<hbm>>
      %dma_start3A_313 = arith.constant 0 : i32
      %dma_start3A_314 = tpu.memref_slice %arg8[%add3A_308, %dma_start3A_313] : memref<256x32xf32, #tpu.memory_space<vmem>> -> memref<1x32xf32, #tpu.memory_space<vmem>>
      %dma_start3A_315 = arith.constant 0 : i32
      %dma_start3A_316 = tpu.memref_slice %arg4[%squeeze3A_304, %dma_start3A_315] : memref<1000000x32xf32, #tpu.memory_space<hbm>> -> memref<1x32xf32, #tpu.memory_space<hbm>>
      tpu.enqueue_dma source(%dma_start3A_316 : memref<1x32xf32, #tpu.memory_space<hbm>>) target(%dma_start3A_314 : memref<1x32xf32, #tpu.memory_space<vmem>>) target_semaphore(%arg14 : memref<!tpu.dma_semaphore, #tpu.memory_space<semaphore_mem>>)
      %add3A_317 = arith.constant 3 : i32
      %add3A_318 = arith.addi %mul3A_224, %add3A_317 : i32
      %dma_start3A_319 = arith.constant 0 : i32
      %dma_start3A_320 = tpu.memref_slice %arg9[%add3A_318, %dma_start3A_319] : memref<256x32xf32, #tpu.memory_space<vmem>> -> memref<1x32xf32, #tpu.memory_space<vmem>>
      %dma_start3A_321 = arith.constant 0 : i32
      %dma_start3A_322 = tpu.memref_slice %arg4[%squeeze3A_306, %dma_start3A_321] : memref<1000000x32xf32, #tpu.memory_space<hbm>> -> memref<1x32xf32, #tpu.memory_space<hbm>>
      %dma_start3A_323 = arith.constant 0 : i32
      %dma_start3A_324 = tpu.memref_slice %arg9[%add3A_318, %dma_start3A_323] : memref<256x32xf32, #tpu.memory_space<vmem>> -> memref<1x32xf32, #tpu.memory_space<vmem>>
      %dma_start3A_325 = arith.constant 0 : i32
      %dma_start3A_326 = tpu.memref_slice %arg4[%squeeze3A_306, %dma_start3A_325] : memref<1000000x32xf32, #tpu.memory_space<hbm>> -> memref<1x32xf32, #tpu.memory_space<hbm>>
      tpu.enqueue_dma source(%dma_start3A_326 : memref<1x32xf32, #tpu.memory_space<hbm>>) target(%dma_start3A_324 : memref<1x32xf32, #tpu.memory_space<vmem>>) target_semaphore(%arg15 : memref<!tpu.dma_semaphore, #tpu.memory_space<semaphore_mem>>)
      %slice3A_327 = vector.extract_strided_slice %get3A_228 {offsets = [4], sizes = [1], strides = [1]} : vector<16xi32> to vector<1xi32>
      %squeeze3A_328 = vector.extract %slice3A_327[0] : i32 from vector<1xi32>
      %slice3A_329 = vector.extract_strided_slice %get3A_233 {offsets = [4], sizes = [1], strides = [1]} : vector<16xi32> to vector<1xi32>
      %squeeze3A_330 = vector.extract %slice3A_329[0] : i32 from vector<1xi32>
      %add3A_331 = arith.constant 4 : i32
      %add3A_332 = arith.addi %mul3A_224, %add3A_331 : i32
      %dma_start3A_333 = arith.constant 0 : i32
      %dma_start3A_334 = tpu.memref_slice %arg8[%add3A_332, %dma_start3A_333] : memref<256x32xf32, #tpu.memory_space<vmem>> -> memref<1x32xf32, #tpu.memory_space<vmem>>
      %dma_start3A_335 = arith.constant 0 : i32
      %dma_start3A_336 = tpu.memref_slice %arg4[%squeeze3A_328, %dma_start3A_335] : memref<1000000x32xf32, #tpu.memory_space<hbm>> -> memref<1x32xf32, #tpu.memory_space<hbm>>
      %dma_start3A_337 = arith.constant 0 : i32
      %dma_start3A_338 = tpu.memref_slice %arg8[%add3A_332, %dma_start3A_337] : memref<256x32xf32, #tpu.memory_space<vmem>> -> memref<1x32xf32, #tpu.memory_space<vmem>>
      %dma_start3A_339 = arith.constant 0 : i32
      %dma_start3A_340 = tpu.memref_slice %arg4[%squeeze3A_328, %dma_start3A_339] : memref<1000000x32xf32, #tpu.memory_space<hbm>> -> memref<1x32xf32, #tpu.memory_space<hbm>>
      tpu.enqueue_dma source(%dma_start3A_340 : memref<1x32xf32, #tpu.memory_space<hbm>>) target(%dma_start3A_338 : memref<1x32xf32, #tpu.memory_space<vmem>>) target_semaphore(%arg15 : memref<!tpu.dma_semaphore, #tpu.memory_space<semaphore_mem>>)
      %add3A_341 = arith.constant 4 : i32
      %add3A_342 = arith.addi %mul3A_224, %add3A_341 : i32
      %dma_start3A_343 = arith.constant 0 : i32
      %dma_start3A_344 = tpu.memref_slice %arg9[%add3A_342, %dma_start3A_343] : memref<256x32xf32, #tpu.memory_space<vmem>> -> memref<1x32xf32, #tpu.memory_space<vmem>>
      %dma_start3A_345 = arith.constant 0 : i32
      %dma_start3A_346 = tpu.memref_slice %arg4[%squeeze3A_330, %dma_start3A_345] : memref<1000000x32xf32, #tpu.memory_space<hbm>> -> memref<1x32xf32, #tpu.memory_space<hbm>>
      %dma_start3A_347 = arith.constant 0 : i32
      %dma_start3A_348 = tpu.memref_slice %arg9[%add3A_342, %dma_start3A_347] : memref<256x32xf32, #tpu.memory_space<vmem>> -> memref<1x32xf32, #tpu.memory_space<vmem>>
      %dma_start3A_349 = arith.constant 0 : i32
      %dma_start3A_350 = tpu.memref_slice %arg4[%squeeze3A_330, %dma_start3A_349] : memref<1000000x32xf32, #tpu.memory_space<hbm>> -> memref<1x32xf32, #tpu.memory_space<hbm>>
      tpu.enqueue_dma source(%dma_start3A_350 : memref<1x32xf32, #tpu.memory_space<hbm>>) target(%dma_start3A_348 : memref<1x32xf32, #tpu.memory_space<vmem>>) target_semaphore(%arg16 : memref<!tpu.dma_semaphore, #tpu.memory_space<semaphore_mem>>)
      %slice3A_351 = vector.extract_strided_slice %get3A_228 {offsets = [5], sizes = [1], strides = [1]} : vector<16xi32> to vector<1xi32>
      %squeeze3A_352 = vector.extract %slice3A_351[0] : i32 from vector<1xi32>
      %slice3A_353 = vector.extract_strided_slice %get3A_233 {offsets = [5], sizes = [1], strides = [1]} : vector<16xi32> to vector<1xi32>
      %squeeze3A_354 = vector.extract %slice3A_353[0] : i32 from vector<1xi32>
      %add3A_355 = arith.constant 5 : i32
      %add3A_356 = arith.addi %mul3A_224, %add3A_355 : i32
      %dma_start3A_357 = arith.constant 0 : i32
      %dma_start3A_358 = tpu.memref_slice %arg8[%add3A_356, %dma_start3A_357] : memref<256x32xf32, #tpu.memory_space<vmem>> -> memref<1x32xf32, #tpu.memory_space<vmem>>
      %dma_start3A_359 = arith.constant 0 : i32
      %dma_start3A_360 = tpu.memref_slice %arg4[%squeeze3A_352, %dma_start3A_359] : memref<1000000x32xf32, #tpu.memory_space<hbm>> -> memref<1x32xf32, #tpu.memory_space<hbm>>
      %dma_start3A_361 = arith.constant 0 : i32
      %dma_start3A_362 = tpu.memref_slice %arg8[%add3A_356, %dma_start3A_361] : memref<256x32xf32, #tpu.memory_space<vmem>> -> memref<1x32xf32, #tpu.memory_space<vmem>>
      %dma_start3A_363 = arith.constant 0 : i32
      %dma_start3A_364 = tpu.memref_slice %arg4[%squeeze3A_352, %dma_start3A_363] : memref<1000000x32xf32, #tpu.memory_space<hbm>> -> memref<1x32xf32, #tpu.memory_space<hbm>>
      tpu.enqueue_dma source(%dma_start3A_364 : memref<1x32xf32, #tpu.memory_space<hbm>>) target(%dma_start3A_362 : memref<1x32xf32, #tpu.memory_space<vmem>>) target_semaphore(%arg16 : memref<!tpu.dma_semaphore, #tpu.memory_space<semaphore_mem>>)
      %add3A_365 = arith.constant 5 : i32
      %add3A_366 = arith.addi %mul3A_224, %add3A_365 : i32
      %dma_start3A_367 = arith.constant 0 : i32
      %dma_start3A_368 = tpu.memref_slice %arg9[%add3A_366, %dma_start3A_367] : memref<256x32xf32, #tpu.memory_space<vmem>> -> memref<1x32xf32, #tpu.memory_space<vmem>>
      %dma_start3A_369 = arith.constant 0 : i32
      %dma_start3A_370 = tpu.memref_slice %arg4[%squeeze3A_354, %dma_start3A_369] : memref<1000000x32xf32, #tpu.memory_space<hbm>> -> memref<1x32xf32, #tpu.memory_space<hbm>>
      %dma_start3A_371 = arith.constant 0 : i32
      %dma_start3A_372 = tpu.memref_slice %arg9[%add3A_366, %dma_start3A_371] : memref<256x32xf32, #tpu.memory_space<vmem>> -> memref<1x32xf32, #tpu.memory_space<vmem>>
      %dma_start3A_373 = arith.constant 0 : i32
      %dma_start3A_374 = tpu.memref_slice %arg4[%squeeze3A_354, %dma_start3A_373] : memref<1000000x32xf32, #tpu.memory_space<hbm>> -> memref<1x32xf32, #tpu.memory_space<hbm>>
      tpu.enqueue_dma source(%dma_start3A_374 : memref<1x32xf32, #tpu.memory_space<hbm>>) target(%dma_start3A_372 : memref<1x32xf32, #tpu.memory_space<vmem>>) target_semaphore(%arg17 : memref<!tpu.dma_semaphore, #tpu.memory_space<semaphore_mem>>)
      %slice3A_375 = vector.extract_strided_slice %get3A_228 {offsets = [6], sizes = [1], strides = [1]} : vector<16xi32> to vector<1xi32>
      %squeeze3A_376 = vector.extract %slice3A_375[0] : i32 from vector<1xi32>
      %slice3A_377 = vector.extract_strided_slice %get3A_233 {offsets = [6], sizes = [1], strides = [1]} : vector<16xi32> to vector<1xi32>
      %squeeze3A_378 = vector.extract %slice3A_377[0] : i32 from vector<1xi32>
      %add3A_379 = arith.constant 6 : i32
      %add3A_380 = arith.addi %mul3A_224, %add3A_379 : i32
      %dma_start3A_381 = arith.constant 0 : i32
      %dma_start3A_382 = tpu.memref_slice %arg8[%add3A_380, %dma_start3A_381] : memref<256x32xf32, #tpu.memory_space<vmem>> -> memref<1x32xf32, #tpu.memory_space<vmem>>
      %dma_start3A_383 = arith.constant 0 : i32
      %dma_start3A_384 = tpu.memref_slice %arg4[%squeeze3A_376, %dma_start3A_383] : memref<1000000x32xf32, #tpu.memory_space<hbm>> -> memref<1x32xf32, #tpu.memory_space<hbm>>
      %dma_start3A_385 = arith.constant 0 : i32
      %dma_start3A_386 = tpu.memref_slice %arg8[%add3A_380, %dma_start3A_385] : memref<256x32xf32, #tpu.memory_space<vmem>> -> memref<1x32xf32, #tpu.memory_space<vmem>>
      %dma_start3A_387 = arith.constant 0 : i32
      %dma_start3A_388 = tpu.memref_slice %arg4[%squeeze3A_376, %dma_start3A_387] : memref<1000000x32xf32, #tpu.memory_space<hbm>> -> memref<1x32xf32, #tpu.memory_space<hbm>>
      tpu.enqueue_dma source(%dma_start3A_388 : memref<1x32xf32, #tpu.memory_space<hbm>>) target(%dma_start3A_386 : memref<1x32xf32, #tpu.memory_space<vmem>>) target_semaphore(%arg17 : memref<!tpu.dma_semaphore, #tpu.memory_space<semaphore_mem>>)
      %add3A_389 = arith.constant 6 : i32
      %add3A_390 = arith.addi %mul3A_224, %add3A_389 : i32
      %dma_start3A_391 = arith.constant 0 : i32
      %dma_start3A_392 = tpu.memref_slice %arg9[%add3A_390, %dma_start3A_391] : memref<256x32xf32, #tpu.memory_space<vmem>> -> memref<1x32xf32, #tpu.memory_space<vmem>>
      %dma_start3A_393 = arith.constant 0 : i32
      %dma_start3A_394 = tpu.memref_slice %arg4[%squeeze3A_378, %dma_start3A_393] : memref<1000000x32xf32, #tpu.memory_space<hbm>> -> memref<1x32xf32, #tpu.memory_space<hbm>>
      %dma_start3A_395 = arith.constant 0 : i32
      %dma_start3A_396 = tpu.memref_slice %arg9[%add3A_390, %dma_start3A_395] : memref<256x32xf32, #tpu.memory_space<vmem>> -> memref<1x32xf32, #tpu.memory_space<vmem>>
      %dma_start3A_397 = arith.constant 0 : i32
      %dma_start3A_398 = tpu.memref_slice %arg4[%squeeze3A_378, %dma_start3A_397] : memref<1000000x32xf32, #tpu.memory_space<hbm>> -> memref<1x32xf32, #tpu.memory_space<hbm>>
      tpu.enqueue_dma source(%dma_start3A_398 : memref<1x32xf32, #tpu.memory_space<hbm>>) target(%dma_start3A_396 : memref<1x32xf32, #tpu.memory_space<vmem>>) target_semaphore(%arg18 : memref<!tpu.dma_semaphore, #tpu.memory_space<semaphore_mem>>)
      %slice3A_399 = vector.extract_strided_slice %get3A_228 {offsets = [7], sizes = [1], strides = [1]} : vector<16xi32> to vector<1xi32>
      %squeeze3A_400 = vector.extract %slice3A_399[0] : i32 from vector<1xi32>
      %slice3A_401 = vector.extract_strided_slice %get3A_233 {offsets = [7], sizes = [1], strides = [1]} : vector<16xi32> to vector<1xi32>
      %squeeze3A_402 = vector.extract %slice3A_401[0] : i32 from vector<1xi32>
      %add3A_403 = arith.constant 7 : i32
      %add3A_404 = arith.addi %mul3A_224, %add3A_403 : i32
      %dma_start3A_405 = arith.constant 0 : i32
      %dma_start3A_406 = tpu.memref_slice %arg8[%add3A_404, %dma_start3A_405] : memref<256x32xf32, #tpu.memory_space<vmem>> -> memref<1x32xf32, #tpu.memory_space<vmem>>
      %dma_start3A_407 = arith.constant 0 : i32
      %dma_start3A_408 = tpu.memref_slice %arg4[%squeeze3A_400, %dma_start3A_407] : memref<1000000x32xf32, #tpu.memory_space<hbm>> -> memref<1x32xf32, #tpu.memory_space<hbm>>
      %dma_start3A_409 = arith.constant 0 : i32
      %dma_start3A_410 = tpu.memref_slice %arg8[%add3A_404, %dma_start3A_409] : memref<256x32xf32, #tpu.memory_space<vmem>> -> memref<1x32xf32, #tpu.memory_space<vmem>>
      %dma_start3A_411 = arith.constant 0 : i32
      %dma_start3A_412 = tpu.memref_slice %arg4[%squeeze3A_400, %dma_start3A_411] : memref<1000000x32xf32, #tpu.memory_space<hbm>> -> memref<1x32xf32, #tpu.memory_space<hbm>>
      tpu.enqueue_dma source(%dma_start3A_412 : memref<1x32xf32, #tpu.memory_space<hbm>>) target(%dma_start3A_410 : memref<1x32xf32, #tpu.memory_space<vmem>>) target_semaphore(%arg18 : memref<!tpu.dma_semaphore, #tpu.memory_space<semaphore_mem>>)
      %add3A_413 = arith.constant 7 : i32
      %add3A_414 = arith.addi %mul3A_224, %add3A_413 : i32
      %dma_start3A_415 = arith.constant 0 : i32
      %dma_start3A_416 = tpu.memref_slice %arg9[%add3A_414, %dma_start3A_415] : memref<256x32xf32, #tpu.memory_space<vmem>> -> memref<1x32xf32, #tpu.memory_space<vmem>>
      %dma_start3A_417 = arith.constant 0 : i32
      %dma_start3A_418 = tpu.memref_slice %arg4[%squeeze3A_402, %dma_start3A_417] : memref<1000000x32xf32, #tpu.memory_space<hbm>> -> memref<1x32xf32, #tpu.memory_space<hbm>>
      %dma_start3A_419 = arith.constant 0 : i32
      %dma_start3A_420 = tpu.memref_slice %arg9[%add3A_414, %dma_start3A_419] : memref<256x32xf32, #tpu.memory_space<vmem>> -> memref<1x32xf32, #tpu.memory_space<vmem>>
      %dma_start3A_421 = arith.constant 0 : i32
      %dma_start3A_422 = tpu.memref_slice %arg4[%squeeze3A_402, %dma_start3A_421] : memref<1000000x32xf32, #tpu.memory_space<hbm>> -> memref<1x32xf32, #tpu.memory_space<hbm>>
      tpu.enqueue_dma source(%dma_start3A_422 : memref<1x32xf32, #tpu.memory_space<hbm>>) target(%dma_start3A_420 : memref<1x32xf32, #tpu.memory_space<vmem>>) target_semaphore(%arg11 : memref<!tpu.dma_semaphore, #tpu.memory_space<semaphore_mem>>)
      %slice3A_423 = vector.extract_strided_slice %get3A_228 {offsets = [8], sizes = [1], strides = [1]} : vector<16xi32> to vector<1xi32>
      %squeeze3A_424 = vector.extract %slice3A_423[0] : i32 from vector<1xi32>
      %slice3A_425 = vector.extract_strided_slice %get3A_233 {offsets = [8], sizes = [1], strides = [1]} : vector<16xi32> to vector<1xi32>
      %squeeze3A_426 = vector.extract %slice3A_425[0] : i32 from vector<1xi32>
      %add3A_427 = arith.constant 8 : i32
      %add3A_428 = arith.addi %mul3A_224, %add3A_427 : i32
      %dma_start3A_429 = arith.constant 0 : i32
      %dma_start3A_430 = tpu.memref_slice %arg8[%add3A_428, %dma_start3A_429] : memref<256x32xf32, #tpu.memory_space<vmem>> -> memref<1x32xf32, #tpu.memory_space<vmem>>
      %dma_start3A_431 = arith.constant 0 : i32
      %dma_start3A_432 = tpu.memref_slice %arg4[%squeeze3A_424, %dma_start3A_431] : memref<1000000x32xf32, #tpu.memory_space<hbm>> -> memref<1x32xf32, #tpu.memory_space<hbm>>
      %dma_start3A_433 = arith.constant 0 : i32
      %dma_start3A_434 = tpu.memref_slice %arg8[%add3A_428, %dma_start3A_433] : memref<256x32xf32, #tpu.memory_space<vmem>> -> memref<1x32xf32, #tpu.memory_space<vmem>>
      %dma_start3A_435 = arith.constant 0 : i32
      %dma_start3A_436 = tpu.memref_slice %arg4[%squeeze3A_424, %dma_start3A_435] : memref<1000000x32xf32, #tpu.memory_space<hbm>> -> memref<1x32xf32, #tpu.memory_space<hbm>>
      tpu.enqueue_dma source(%dma_start3A_436 : memref<1x32xf32, #tpu.memory_space<hbm>>) target(%dma_start3A_434 : memref<1x32xf32, #tpu.memory_space<vmem>>) target_semaphore(%arg11 : memref<!tpu.dma_semaphore, #tpu.memory_space<semaphore_mem>>)
      %add3A_437 = arith.constant 8 : i32
      %add3A_438 = arith.addi %mul3A_224, %add3A_437 : i32
      %dma_start3A_439 = arith.constant 0 : i32
      %dma_start3A_440 = tpu.memref_slice %arg9[%add3A_438, %dma_start3A_439] : memref<256x32xf32, #tpu.memory_space<vmem>> -> memref<1x32xf32, #tpu.memory_space<vmem>>
      %dma_start3A_441 = arith.constant 0 : i32
      %dma_start3A_442 = tpu.memref_slice %arg4[%squeeze3A_426, %dma_start3A_441] : memref<1000000x32xf32, #tpu.memory_space<hbm>> -> memref<1x32xf32, #tpu.memory_space<hbm>>
      %dma_start3A_443 = arith.constant 0 : i32
      %dma_start3A_444 = tpu.memref_slice %arg9[%add3A_438, %dma_start3A_443] : memref<256x32xf32, #tpu.memory_space<vmem>> -> memref<1x32xf32, #tpu.memory_space<vmem>>
      %dma_start3A_445 = arith.constant 0 : i32
      %dma_start3A_446 = tpu.memref_slice %arg4[%squeeze3A_426, %dma_start3A_445] : memref<1000000x32xf32, #tpu.memory_space<hbm>> -> memref<1x32xf32, #tpu.memory_space<hbm>>
      tpu.enqueue_dma source(%dma_start3A_446 : memref<1x32xf32, #tpu.memory_space<hbm>>) target(%dma_start3A_444 : memref<1x32xf32, #tpu.memory_space<vmem>>) target_semaphore(%arg12 : memref<!tpu.dma_semaphore, #tpu.memory_space<semaphore_mem>>)
      %slice3A_447 = vector.extract_strided_slice %get3A_228 {offsets = [9], sizes = [1], strides = [1]} : vector<16xi32> to vector<1xi32>
      %squeeze3A_448 = vector.extract %slice3A_447[0] : i32 from vector<1xi32>
      %slice3A_449 = vector.extract_strided_slice %get3A_233 {offsets = [9], sizes = [1], strides = [1]} : vector<16xi32> to vector<1xi32>
      %squeeze3A_450 = vector.extract %slice3A_449[0] : i32 from vector<1xi32>
      %add3A_451 = arith.constant 9 : i32
      %add3A_452 = arith.addi %mul3A_224, %add3A_451 : i32
      %dma_start3A_453 = arith.constant 0 : i32
      %dma_start3A_454 = tpu.memref_slice %arg8[%add3A_452, %dma_start3A_453] : memref<256x32xf32, #tpu.memory_space<vmem>> -> memref<1x32xf32, #tpu.memory_space<vmem>>
      %dma_start3A_455 = arith.constant 0 : i32
      %dma_start3A_456 = tpu.memref_slice %arg4[%squeeze3A_448, %dma_start3A_455] : memref<1000000x32xf32, #tpu.memory_space<hbm>> -> memref<1x32xf32, #tpu.memory_space<hbm>>
      %dma_start3A_457 = arith.constant 0 : i32
      %dma_start3A_458 = tpu.memref_slice %arg8[%add3A_452, %dma_start3A_457] : memref<256x32xf32, #tpu.memory_space<vmem>> -> memref<1x32xf32, #tpu.memory_space<vmem>>
      %dma_start3A_459 = arith.constant 0 : i32
      %dma_start3A_460 = tpu.memref_slice %arg4[%squeeze3A_448, %dma_start3A_459] : memref<1000000x32xf32, #tpu.memory_space<hbm>> -> memref<1x32xf32, #tpu.memory_space<hbm>>
      tpu.enqueue_dma source(%dma_start3A_460 : memref<1x32xf32, #tpu.memory_space<hbm>>) target(%dma_start3A_458 : memref<1x32xf32, #tpu.memory_space<vmem>>) target_semaphore(%arg12 : memref<!tpu.dma_semaphore, #tpu.memory_space<semaphore_mem>>)
      %add3A_461 = arith.constant 9 : i32
      %add3A_462 = arith.addi %mul3A_224, %add3A_461 : i32
      %dma_start3A_463 = arith.constant 0 : i32
      %dma_start3A_464 = tpu.memref_slice %arg9[%add3A_462, %dma_start3A_463] : memref<256x32xf32, #tpu.memory_space<vmem>> -> memref<1x32xf32, #tpu.memory_space<vmem>>
      %dma_start3A_465 = arith.constant 0 : i32
      %dma_start3A_466 = tpu.memref_slice %arg4[%squeeze3A_450, %dma_start3A_465] : memref<1000000x32xf32, #tpu.memory_space<hbm>> -> memref<1x32xf32, #tpu.memory_space<hbm>>
      %dma_start3A_467 = arith.constant 0 : i32
      %dma_start3A_468 = tpu.memref_slice %arg9[%add3A_462, %dma_start3A_467] : memref<256x32xf32, #tpu.memory_space<vmem>> -> memref<1x32xf32, #tpu.memory_space<vmem>>
      %dma_start3A_469 = arith.constant 0 : i32
      %dma_start3A_470 = tpu.memref_slice %arg4[%squeeze3A_450, %dma_start3A_469] : memref<1000000x32xf32, #tpu.memory_space<hbm>> -> memref<1x32xf32, #tpu.memory_space<hbm>>
      tpu.enqueue_dma source(%dma_start3A_470 : memref<1x32xf32, #tpu.memory_space<hbm>>) target(%dma_start3A_468 : memref<1x32xf32, #tpu.memory_space<vmem>>) target_semaphore(%arg13 : memref<!tpu.dma_semaphore, #tpu.memory_space<semaphore_mem>>)
      %slice3A_471 = vector.extract_strided_slice %get3A_228 {offsets = [10], sizes = [1], strides = [1]} : vector<16xi32> to vector<1xi32>
      %squeeze3A_472 = vector.extract %slice3A_471[0] : i32 from vector<1xi32>
      %slice3A_473 = vector.extract_strided_slice %get3A_233 {offsets = [10], sizes = [1], strides = [1]} : vector<16xi32> to vector<1xi32>
      %squeeze3A_474 = vector.extract %slice3A_473[0] : i32 from vector<1xi32>
      %add3A_475 = arith.constant 10 : i32
      %add3A_476 = arith.addi %mul3A_224, %add3A_475 : i32
      %dma_start3A_477 = arith.constant 0 : i32
      %dma_start3A_478 = tpu.memref_slice %arg8[%add3A_476, %dma_start3A_477] : memref<256x32xf32, #tpu.memory_space<vmem>> -> memref<1x32xf32, #tpu.memory_space<vmem>>
      %dma_start3A_479 = arith.constant 0 : i32
      %dma_start3A_480 = tpu.memref_slice %arg4[%squeeze3A_472, %dma_start3A_479] : memref<1000000x32xf32, #tpu.memory_space<hbm>> -> memref<1x32xf32, #tpu.memory_space<hbm>>
      %dma_start3A_481 = arith.constant 0 : i32
      %dma_start3A_482 = tpu.memref_slice %arg8[%add3A_476, %dma_start3A_481] : memref<256x32xf32, #tpu.memory_space<vmem>> -> memref<1x32xf32, #tpu.memory_space<vmem>>
      %dma_start3A_483 = arith.constant 0 : i32
      %dma_start3A_484 = tpu.memref_slice %arg4[%squeeze3A_472, %dma_start3A_483] : memref<1000000x32xf32, #tpu.memory_space<hbm>> -> memref<1x32xf32, #tpu.memory_space<hbm>>
      tpu.enqueue_dma source(%dma_start3A_484 : memref<1x32xf32, #tpu.memory_space<hbm>>) target(%dma_start3A_482 : memref<1x32xf32, #tpu.memory_space<vmem>>) target_semaphore(%arg13 : memref<!tpu.dma_semaphore, #tpu.memory_space<semaphore_mem>>)
      %add3A_485 = arith.constant 10 : i32
      %add3A_486 = arith.addi %mul3A_224, %add3A_485 : i32
      %dma_start3A_487 = arith.constant 0 : i32
      %dma_start3A_488 = tpu.memref_slice %arg9[%add3A_486, %dma_start3A_487] : memref<256x32xf32, #tpu.memory_space<vmem>> -> memref<1x32xf32, #tpu.memory_space<vmem>>
      %dma_start3A_489 = arith.constant 0 : i32
      %dma_start3A_490 = tpu.memref_slice %arg4[%squeeze3A_474, %dma_start3A_489] : memref<1000000x32xf32, #tpu.memory_space<hbm>> -> memref<1x32xf32, #tpu.memory_space<hbm>>
      %dma_start3A_491 = arith.constant 0 : i32
      %dma_start3A_492 = tpu.memref_slice %arg9[%add3A_486, %dma_start3A_491] : memref<256x32xf32, #tpu.memory_space<vmem>> -> memref<1x32xf32, #tpu.memory_space<vmem>>
      %dma_start3A_493 = arith.constant 0 : i32
      %dma_start3A_494 = tpu.memref_slice %arg4[%squeeze3A_474, %dma_start3A_493] : memref<1000000x32xf32, #tpu.memory_space<hbm>> -> memref<1x32xf32, #tpu.memory_space<hbm>>
      tpu.enqueue_dma source(%dma_start3A_494 : memref<1x32xf32, #tpu.memory_space<hbm>>) target(%dma_start3A_492 : memref<1x32xf32, #tpu.memory_space<vmem>>) target_semaphore(%arg14 : memref<!tpu.dma_semaphore, #tpu.memory_space<semaphore_mem>>)
      %slice3A_495 = vector.extract_strided_slice %get3A_228 {offsets = [11], sizes = [1], strides = [1]} : vector<16xi32> to vector<1xi32>
      %squeeze3A_496 = vector.extract %slice3A_495[0] : i32 from vector<1xi32>
      %slice3A_497 = vector.extract_strided_slice %get3A_233 {offsets = [11], sizes = [1], strides = [1]} : vector<16xi32> to vector<1xi32>
      %squeeze3A_498 = vector.extract %slice3A_497[0] : i32 from vector<1xi32>
      %add3A_499 = arith.constant 11 : i32
      %add3A_500 = arith.addi %mul3A_224, %add3A_499 : i32
      %dma_start3A_501 = arith.constant 0 : i32
      %dma_start3A_502 = tpu.memref_slice %arg8[%add3A_500, %dma_start3A_501] : memref<256x32xf32, #tpu.memory_space<vmem>> -> memref<1x32xf32, #tpu.memory_space<vmem>>
      %dma_start3A_503 = arith.constant 0 : i32
      %dma_start3A_504 = tpu.memref_slice %arg4[%squeeze3A_496, %dma_start3A_503] : memref<1000000x32xf32, #tpu.memory_space<hbm>> -> memref<1x32xf32, #tpu.memory_space<hbm>>
      %dma_start3A_505 = arith.constant 0 : i32
      %dma_start3A_506 = tpu.memref_slice %arg8[%add3A_500, %dma_start3A_505] : memref<256x32xf32, #tpu.memory_space<vmem>> -> memref<1x32xf32, #tpu.memory_space<vmem>>
      %dma_start3A_507 = arith.constant 0 : i32
      %dma_start3A_508 = tpu.memref_slice %arg4[%squeeze3A_496, %dma_start3A_507] : memref<1000000x32xf32, #tpu.memory_space<hbm>> -> memref<1x32xf32, #tpu.memory_space<hbm>>
      tpu.enqueue_dma source(%dma_start3A_508 : memref<1x32xf32, #tpu.memory_space<hbm>>) target(%dma_start3A_506 : memref<1x32xf32, #tpu.memory_space<vmem>>) target_semaphore(%arg14 : memref<!tpu.dma_semaphore, #tpu.memory_space<semaphore_mem>>)
      %add3A_509 = arith.constant 11 : i32
      %add3A_510 = arith.addi %mul3A_224, %add3A_509 : i32
      %dma_start3A_511 = arith.constant 0 : i32
      %dma_start3A_512 = tpu.memref_slice %arg9[%add3A_510, %dma_start3A_511] : memref<256x32xf32, #tpu.memory_space<vmem>> -> memref<1x32xf32, #tpu.memory_space<vmem>>
      %dma_start3A_513 = arith.constant 0 : i32
      %dma_start3A_514 = tpu.memref_slice %arg4[%squeeze3A_498, %dma_start3A_513] : memref<1000000x32xf32, #tpu.memory_space<hbm>> -> memref<1x32xf32, #tpu.memory_space<hbm>>
      %dma_start3A_515 = arith.constant 0 : i32
      %dma_start3A_516 = tpu.memref_slice %arg9[%add3A_510, %dma_start3A_515] : memref<256x32xf32, #tpu.memory_space<vmem>> -> memref<1x32xf32, #tpu.memory_space<vmem>>
      %dma_start3A_517 = arith.constant 0 : i32
      %dma_start3A_518 = tpu.memref_slice %arg4[%squeeze3A_498, %dma_start3A_517] : memref<1000000x32xf32, #tpu.memory_space<hbm>> -> memref<1x32xf32, #tpu.memory_space<hbm>>
      tpu.enqueue_dma source(%dma_start3A_518 : memref<1x32xf32, #tpu.memory_space<hbm>>) target(%dma_start3A_516 : memref<1x32xf32, #tpu.memory_space<vmem>>) target_semaphore(%arg15 : memref<!tpu.dma_semaphore, #tpu.memory_space<semaphore_mem>>)
      %slice3A_519 = vector.extract_strided_slice %get3A_228 {offsets = [12], sizes = [1], strides = [1]} : vector<16xi32> to vector<1xi32>
      %squeeze3A_520 = vector.extract %slice3A_519[0] : i32 from vector<1xi32>
      %slice3A_521 = vector.extract_strided_slice %get3A_233 {offsets = [12], sizes = [1], strides = [1]} : vector<16xi32> to vector<1xi32>
      %squeeze3A_522 = vector.extract %slice3A_521[0] : i32 from vector<1xi32>
      %add3A_523 = arith.constant 12 : i32
      %add3A_524 = arith.addi %mul3A_224, %add3A_523 : i32
      %dma_start3A_525 = arith.constant 0 : i32
      %dma_start3A_526 = tpu.memref_slice %arg8[%add3A_524, %dma_start3A_525] : memref<256x32xf32, #tpu.memory_space<vmem>> -> memref<1x32xf32, #tpu.memory_space<vmem>>
      %dma_start3A_527 = arith.constant 0 : i32
      %dma_start3A_528 = tpu.memref_slice %arg4[%squeeze3A_520, %dma_start3A_527] : memref<1000000x32xf32, #tpu.memory_space<hbm>> -> memref<1x32xf32, #tpu.memory_space<hbm>>
      %dma_start3A_529 = arith.constant 0 : i32
      %dma_start3A_530 = tpu.memref_slice %arg8[%add3A_524, %dma_start3A_529] : memref<256x32xf32, #tpu.memory_space<vmem>> -> memref<1x32xf32, #tpu.memory_space<vmem>>
      %dma_start3A_531 = arith.constant 0 : i32
      %dma_start3A_532 = tpu.memref_slice %arg4[%squeeze3A_520, %dma_start3A_531] : memref<1000000x32xf32, #tpu.memory_space<hbm>> -> memref<1x32xf32, #tpu.memory_space<hbm>>
      tpu.enqueue_dma source(%dma_start3A_532 : memref<1x32xf32, #tpu.memory_space<hbm>>) target(%dma_start3A_530 : memref<1x32xf32, #tpu.memory_space<vmem>>) target_semaphore(%arg15 : memref<!tpu.dma_semaphore, #tpu.memory_space<semaphore_mem>>)
      %add3A_533 = arith.constant 12 : i32
      %add3A_534 = arith.addi %mul3A_224, %add3A_533 : i32
      %dma_start3A_535 = arith.constant 0 : i32
      %dma_start3A_536 = tpu.memref_slice %arg9[%add3A_534, %dma_start3A_535] : memref<256x32xf32, #tpu.memory_space<vmem>> -> memref<1x32xf32, #tpu.memory_space<vmem>>
      %dma_start3A_537 = arith.constant 0 : i32
      %dma_start3A_538 = tpu.memref_slice %arg4[%squeeze3A_522, %dma_start3A_537] : memref<1000000x32xf32, #tpu.memory_space<hbm>> -> memref<1x32xf32, #tpu.memory_space<hbm>>
      %dma_start3A_539 = arith.constant 0 : i32
      %dma_start3A_540 = tpu.memref_slice %arg9[%add3A_534, %dma_start3A_539] : memref<256x32xf32, #tpu.memory_space<vmem>> -> memref<1x32xf32, #tpu.memory_space<vmem>>
      %dma_start3A_541 = arith.constant 0 : i32
      %dma_start3A_542 = tpu.memref_slice %arg4[%squeeze3A_522, %dma_start3A_541] : memref<1000000x32xf32, #tpu.memory_space<hbm>> -> memref<1x32xf32, #tpu.memory_space<hbm>>
      tpu.enqueue_dma source(%dma_start3A_542 : memref<1x32xf32, #tpu.memory_space<hbm>>) target(%dma_start3A_540 : memref<1x32xf32, #tpu.memory_space<vmem>>) target_semaphore(%arg16 : memref<!tpu.dma_semaphore, #tpu.memory_space<semaphore_mem>>)
      %slice3A_543 = vector.extract_strided_slice %get3A_228 {offsets = [13], sizes = [1], strides = [1]} : vector<16xi32> to vector<1xi32>
      %squeeze3A_544 = vector.extract %slice3A_543[0] : i32 from vector<1xi32>
      %slice3A_545 = vector.extract_strided_slice %get3A_233 {offsets = [13], sizes = [1], strides = [1]} : vector<16xi32> to vector<1xi32>
      %squeeze3A_546 = vector.extract %slice3A_545[0] : i32 from vector<1xi32>
      %add3A_547 = arith.constant 13 : i32
      %add3A_548 = arith.addi %mul3A_224, %add3A_547 : i32
      %dma_start3A_549 = arith.constant 0 : i32
      %dma_start3A_550 = tpu.memref_slice %arg8[%add3A_548, %dma_start3A_549] : memref<256x32xf32, #tpu.memory_space<vmem>> -> memref<1x32xf32, #tpu.memory_space<vmem>>
      %dma_start3A_551 = arith.constant 0 : i32
      %dma_start3A_552 = tpu.memref_slice %arg4[%squeeze3A_544, %dma_start3A_551] : memref<1000000x32xf32, #tpu.memory_space<hbm>> -> memref<1x32xf32, #tpu.memory_space<hbm>>
      %dma_start3A_553 = arith.constant 0 : i32
      %dma_start3A_554 = tpu.memref_slice %arg8[%add3A_548, %dma_start3A_553] : memref<256x32xf32, #tpu.memory_space<vmem>> -> memref<1x32xf32, #tpu.memory_space<vmem>>
      %dma_start3A_555 = arith.constant 0 : i32
      %dma_start3A_556 = tpu.memref_slice %arg4[%squeeze3A_544, %dma_start3A_555] : memref<1000000x32xf32, #tpu.memory_space<hbm>> -> memref<1x32xf32, #tpu.memory_space<hbm>>
      tpu.enqueue_dma source(%dma_start3A_556 : memref<1x32xf32, #tpu.memory_space<hbm>>) target(%dma_start3A_554 : memref<1x32xf32, #tpu.memory_space<vmem>>) target_semaphore(%arg16 : memref<!tpu.dma_semaphore, #tpu.memory_space<semaphore_mem>>)
      %add3A_557 = arith.constant 13 : i32
      %add3A_558 = arith.addi %mul3A_224, %add3A_557 : i32
      %dma_start3A_559 = arith.constant 0 : i32
      %dma_start3A_560 = tpu.memref_slice %arg9[%add3A_558, %dma_start3A_559] : memref<256x32xf32, #tpu.memory_space<vmem>> -> memref<1x32xf32, #tpu.memory_space<vmem>>
      %dma_start3A_561 = arith.constant 0 : i32
      %dma_start3A_562 = tpu.memref_slice %arg4[%squeeze3A_546, %dma_start3A_561] : memref<1000000x32xf32, #tpu.memory_space<hbm>> -> memref<1x32xf32, #tpu.memory_space<hbm>>
      %dma_start3A_563 = arith.constant 0 : i32
      %dma_start3A_564 = tpu.memref_slice %arg9[%add3A_558, %dma_start3A_563] : memref<256x32xf32, #tpu.memory_space<vmem>> -> memref<1x32xf32, #tpu.memory_space<vmem>>
      %dma_start3A_565 = arith.constant 0 : i32
      %dma_start3A_566 = tpu.memref_slice %arg4[%squeeze3A_546, %dma_start3A_565] : memref<1000000x32xf32, #tpu.memory_space<hbm>> -> memref<1x32xf32, #tpu.memory_space<hbm>>
      tpu.enqueue_dma source(%dma_start3A_566 : memref<1x32xf32, #tpu.memory_space<hbm>>) target(%dma_start3A_564 : memref<1x32xf32, #tpu.memory_space<vmem>>) target_semaphore(%arg17 : memref<!tpu.dma_semaphore, #tpu.memory_space<semaphore_mem>>)
      %slice3A_567 = vector.extract_strided_slice %get3A_228 {offsets = [14], sizes = [1], strides = [1]} : vector<16xi32> to vector<1xi32>
      %squeeze3A_568 = vector.extract %slice3A_567[0] : i32 from vector<1xi32>
      %slice3A_569 = vector.extract_strided_slice %get3A_233 {offsets = [14], sizes = [1], strides = [1]} : vector<16xi32> to vector<1xi32>
      %squeeze3A_570 = vector.extract %slice3A_569[0] : i32 from vector<1xi32>
      %add3A_571 = arith.constant 14 : i32
      %add3A_572 = arith.addi %mul3A_224, %add3A_571 : i32
      %dma_start3A_573 = arith.constant 0 : i32
      %dma_start3A_574 = tpu.memref_slice %arg8[%add3A_572, %dma_start3A_573] : memref<256x32xf32, #tpu.memory_space<vmem>> -> memref<1x32xf32, #tpu.memory_space<vmem>>
      %dma_start3A_575 = arith.constant 0 : i32
      %dma_start3A_576 = tpu.memref_slice %arg4[%squeeze3A_568, %dma_start3A_575] : memref<1000000x32xf32, #tpu.memory_space<hbm>> -> memref<1x32xf32, #tpu.memory_space<hbm>>
      %dma_start3A_577 = arith.constant 0 : i32
      %dma_start3A_578 = tpu.memref_slice %arg8[%add3A_572, %dma_start3A_577] : memref<256x32xf32, #tpu.memory_space<vmem>> -> memref<1x32xf32, #tpu.memory_space<vmem>>
      %dma_start3A_579 = arith.constant 0 : i32
      %dma_start3A_580 = tpu.memref_slice %arg4[%squeeze3A_568, %dma_start3A_579] : memref<1000000x32xf32, #tpu.memory_space<hbm>> -> memref<1x32xf32, #tpu.memory_space<hbm>>
      tpu.enqueue_dma source(%dma_start3A_580 : memref<1x32xf32, #tpu.memory_space<hbm>>) target(%dma_start3A_578 : memref<1x32xf32, #tpu.memory_space<vmem>>) target_semaphore(%arg17 : memref<!tpu.dma_semaphore, #tpu.memory_space<semaphore_mem>>)
      %add3A_581 = arith.constant 14 : i32
      %add3A_582 = arith.addi %mul3A_224, %add3A_581 : i32
      %dma_start3A_583 = arith.constant 0 : i32
      %dma_start3A_584 = tpu.memref_slice %arg9[%add3A_582, %dma_start3A_583] : memref<256x32xf32, #tpu.memory_space<vmem>> -> memref<1x32xf32, #tpu.memory_space<vmem>>
      %dma_start3A_585 = arith.constant 0 : i32
      %dma_start3A_586 = tpu.memref_slice %arg4[%squeeze3A_570, %dma_start3A_585] : memref<1000000x32xf32, #tpu.memory_space<hbm>> -> memref<1x32xf32, #tpu.memory_space<hbm>>
      %dma_start3A_587 = arith.constant 0 : i32
      %dma_start3A_588 = tpu.memref_slice %arg9[%add3A_582, %dma_start3A_587] : memref<256x32xf32, #tpu.memory_space<vmem>> -> memref<1x32xf32, #tpu.memory_space<vmem>>
      %dma_start3A_589 = arith.constant 0 : i32
      %dma_start3A_590 = tpu.memref_slice %arg4[%squeeze3A_570, %dma_start3A_589] : memref<1000000x32xf32, #tpu.memory_space<hbm>> -> memref<1x32xf32, #tpu.memory_space<hbm>>
      tpu.enqueue_dma source(%dma_start3A_590 : memref<1x32xf32, #tpu.memory_space<hbm>>) target(%dma_start3A_588 : memref<1x32xf32, #tpu.memory_space<vmem>>) target_semaphore(%arg18 : memref<!tpu.dma_semaphore, #tpu.memory_space<semaphore_mem>>)
      %slice3A_591 = vector.extract_strided_slice %get3A_228 {offsets = [15], sizes = [1], strides = [1]} : vector<16xi32> to vector<1xi32>
      %squeeze3A_592 = vector.extract %slice3A_591[0] : i32 from vector<1xi32>
      %slice3A_593 = vector.extract_strided_slice %get3A_233 {offsets = [15], sizes = [1], strides = [1]} : vector<16xi32> to vector<1xi32>
      %squeeze3A_594 = vector.extract %slice3A_593[0] : i32 from vector<1xi32>
      %add3A_595 = arith.constant 15 : i32
      %add3A_596 = arith.addi %mul3A_224, %add3A_595 : i32
      %dma_start3A_597 = arith.constant 0 : i32
      %dma_start3A_598 = tpu.memref_slice %arg8[%add3A_596, %dma_start3A_597] : memref<256x32xf32, #tpu.memory_space<vmem>> -> memref<1x32xf32, #tpu.memory_space<vmem>>
      %dma_start3A_599 = arith.constant 0 : i32
      %dma_start3A_600 = tpu.memref_slice %arg4[%squeeze3A_592, %dma_start3A_599] : memref<1000000x32xf32, #tpu.memory_space<hbm>> -> memref<1x32xf32, #tpu.memory_space<hbm>>
      %dma_start3A_601 = arith.constant 0 : i32
      %dma_start3A_602 = tpu.memref_slice %arg8[%add3A_596, %dma_start3A_601] : memref<256x32xf32, #tpu.memory_space<vmem>> -> memref<1x32xf32, #tpu.memory_space<vmem>>
      %dma_start3A_603 = arith.constant 0 : i32
      %dma_start3A_604 = tpu.memref_slice %arg4[%squeeze3A_592, %dma_start3A_603] : memref<1000000x32xf32, #tpu.memory_space<hbm>> -> memref<1x32xf32, #tpu.memory_space<hbm>>
      tpu.enqueue_dma source(%dma_start3A_604 : memref<1x32xf32, #tpu.memory_space<hbm>>) target(%dma_start3A_602 : memref<1x32xf32, #tpu.memory_space<vmem>>) target_semaphore(%arg18 : memref<!tpu.dma_semaphore, #tpu.memory_space<semaphore_mem>>)
      %add3A_605 = arith.constant 15 : i32
      %add3A_606 = arith.addi %mul3A_224, %add3A_605 : i32
      %dma_start3A_607 = arith.constant 0 : i32
      %dma_start3A_608 = tpu.memref_slice %arg9[%add3A_606, %dma_start3A_607] : memref<256x32xf32, #tpu.memory_space<vmem>> -> memref<1x32xf32, #tpu.memory_space<vmem>>
      %dma_start3A_609 = arith.constant 0 : i32
      %dma_start3A_610 = tpu.memref_slice %arg4[%squeeze3A_594, %dma_start3A_609] : memref<1000000x32xf32, #tpu.memory_space<hbm>> -> memref<1x32xf32, #tpu.memory_space<hbm>>
      %dma_start3A_611 = arith.constant 0 : i32
      %dma_start3A_612 = tpu.memref_slice %arg9[%add3A_606, %dma_start3A_611] : memref<256x32xf32, #tpu.memory_space<vmem>> -> memref<1x32xf32, #tpu.memory_space<vmem>>
      %dma_start3A_613 = arith.constant 0 : i32
      %dma_start3A_614 = tpu.memref_slice %arg4[%squeeze3A_594, %dma_start3A_613] : memref<1000000x32xf32, #tpu.memory_space<hbm>> -> memref<1x32xf32, #tpu.memory_space<hbm>>
      tpu.enqueue_dma source(%dma_start3A_614 : memref<1x32xf32, #tpu.memory_space<hbm>>) target(%dma_start3A_612 : memref<1x32xf32, #tpu.memory_space<vmem>>) target_semaphore(%arg11 : memref<!tpu.dma_semaphore, #tpu.memory_space<semaphore_mem>>)
      %scan3A_615 = arith.constant 0 : i32
      scf.yield %scan3A_615 : i32
    }
    %scan3A_8 = arith.constant 16 : i32
    %dma_wait3A = arith.constant 0 : i32
    %dma_wait3A_9 = arith.constant 0 : i32
    %dma_wait3A_10 = tpu.memref_slice %arg8[%dma_wait3A, %dma_wait3A_9] : memref<256x32xf32, #tpu.memory_space<vmem>> -> memref<64x32xf32, #tpu.memory_space<vmem>>
    %dma_wait3A_11 = arith.constant 0 : i32
    %dma_wait3A_12 = arith.constant 0 : i32
    %dma_wait3A_13 = tpu.memref_slice %arg4[%dma_wait3A_11, %dma_wait3A_12] : memref<1000000x32xf32, #tpu.memory_space<hbm>> -> memref<64x32xf32, #tpu.memory_space<hbm>>
    %dma_wait3A_14 = arith.constant 0 : i32
    %dma_wait3A_15 = arith.constant 0 : i32
    %dma_wait3A_16 = tpu.memref_slice %arg8[%dma_wait3A_14, %dma_wait3A_15] : memref<256x32xf32, #tpu.memory_space<vmem>> -> memref<64x32xf32, #tpu.memory_space<vmem>>
    %dma_wait3A_17 = arith.constant 0 : i32
    %dma_wait3A_18 = arith.constant 0 : i32
    %dma_wait3A_19 = tpu.memref_slice %arg4[%dma_wait3A_17, %dma_wait3A_18] : memref<1000000x32xf32, #tpu.memory_space<hbm>> -> memref<64x32xf32, #tpu.memory_space<hbm>>
    tpu.wait_dma2 semaphore(%arg11 : memref<!tpu.dma_semaphore, #tpu.memory_space<semaphore_mem>>) src(%dma_wait3A_19 : memref<64x32xf32, #tpu.memory_space<hbm>>) dst(%dma_wait3A_16 : memref<64x32xf32, #tpu.memory_space<vmem>>)
    %dma_wait3A_20 = arith.constant 0 : i32
    %dma_wait3A_21 = arith.constant 0 : i32
    %dma_wait3A_22 = tpu.memref_slice %arg8[%dma_wait3A_20, %dma_wait3A_21] : memref<256x32xf32, #tpu.memory_space<vmem>> -> memref<64x32xf32, #tpu.memory_space<vmem>>
    %dma_wait3A_23 = arith.constant 0 : i32
    %dma_wait3A_24 = arith.constant 0 : i32
    %dma_wait3A_25 = tpu.memref_slice %arg4[%dma_wait3A_23, %dma_wait3A_24] : memref<1000000x32xf32, #tpu.memory_space<hbm>> -> memref<64x32xf32, #tpu.memory_space<hbm>>
    %dma_wait3A_26 = arith.constant 0 : i32
    %dma_wait3A_27 = arith.constant 0 : i32
    %dma_wait3A_28 = tpu.memref_slice %arg8[%dma_wait3A_26, %dma_wait3A_27] : memref<256x32xf32, #tpu.memory_space<vmem>> -> memref<64x32xf32, #tpu.memory_space<vmem>>
    %dma_wait3A_29 = arith.constant 0 : i32
    %dma_wait3A_30 = arith.constant 0 : i32
    %dma_wait3A_31 = tpu.memref_slice %arg4[%dma_wait3A_29, %dma_wait3A_30] : memref<1000000x32xf32, #tpu.memory_space<hbm>> -> memref<64x32xf32, #tpu.memory_space<hbm>>
    tpu.wait_dma2 semaphore(%arg12 : memref<!tpu.dma_semaphore, #tpu.memory_space<semaphore_mem>>) src(%dma_wait3A_31 : memref<64x32xf32, #tpu.memory_space<hbm>>) dst(%dma_wait3A_28 : memref<64x32xf32, #tpu.memory_space<vmem>>)
    %dma_wait3A_32 = arith.constant 0 : i32
    %dma_wait3A_33 = arith.constant 0 : i32
    %dma_wait3A_34 = tpu.memref_slice %arg8[%dma_wait3A_32, %dma_wait3A_33] : memref<256x32xf32, #tpu.memory_space<vmem>> -> memref<64x32xf32, #tpu.memory_space<vmem>>
    %dma_wait3A_35 = arith.constant 0 : i32
    %dma_wait3A_36 = arith.constant 0 : i32
    %dma_wait3A_37 = tpu.memref_slice %arg4[%dma_wait3A_35, %dma_wait3A_36] : memref<1000000x32xf32, #tpu.memory_space<hbm>> -> memref<64x32xf32, #tpu.memory_space<hbm>>
    %dma_wait3A_38 = arith.constant 0 : i32
    %dma_wait3A_39 = arith.constant 0 : i32
    %dma_wait3A_40 = tpu.memref_slice %arg8[%dma_wait3A_38, %dma_wait3A_39] : memref<256x32xf32, #tpu.memory_space<vmem>> -> memref<64x32xf32, #tpu.memory_space<vmem>>
    %dma_wait3A_41 = arith.constant 0 : i32
    %dma_wait3A_42 = arith.constant 0 : i32
    %dma_wait3A_43 = tpu.memref_slice %arg4[%dma_wait3A_41, %dma_wait3A_42] : memref<1000000x32xf32, #tpu.memory_space<hbm>> -> memref<64x32xf32, #tpu.memory_space<hbm>>
    tpu.wait_dma2 semaphore(%arg13 : memref<!tpu.dma_semaphore, #tpu.memory_space<semaphore_mem>>) src(%dma_wait3A_43 : memref<64x32xf32, #tpu.memory_space<hbm>>) dst(%dma_wait3A_40 : memref<64x32xf32, #tpu.memory_space<vmem>>)
    %dma_wait3A_44 = arith.constant 0 : i32
    %dma_wait3A_45 = arith.constant 0 : i32
    %dma_wait3A_46 = tpu.memref_slice %arg8[%dma_wait3A_44, %dma_wait3A_45] : memref<256x32xf32, #tpu.memory_space<vmem>> -> memref<64x32xf32, #tpu.memory_space<vmem>>
    %dma_wait3A_47 = arith.constant 0 : i32
    %dma_wait3A_48 = arith.constant 0 : i32
    %dma_wait3A_49 = tpu.memref_slice %arg4[%dma_wait3A_47, %dma_wait3A_48] : memref<1000000x32xf32, #tpu.memory_space<hbm>> -> memref<64x32xf32, #tpu.memory_space<hbm>>
    %dma_wait3A_50 = arith.constant 0 : i32
    %dma_wait3A_51 = arith.constant 0 : i32
    %dma_wait3A_52 = tpu.memref_slice %arg8[%dma_wait3A_50, %dma_wait3A_51] : memref<256x32xf32, #tpu.memory_space<vmem>> -> memref<64x32xf32, #tpu.memory_space<vmem>>
    %dma_wait3A_53 = arith.constant 0 : i32
    %dma_wait3A_54 = arith.constant 0 : i32
    %dma_wait3A_55 = tpu.memref_slice %arg4[%dma_wait3A_53, %dma_wait3A_54] : memref<1000000x32xf32, #tpu.memory_space<hbm>> -> memref<64x32xf32, #tpu.memory_space<hbm>>
    tpu.wait_dma2 semaphore(%arg14 : memref<!tpu.dma_semaphore, #tpu.memory_space<semaphore_mem>>) src(%dma_wait3A_55 : memref<64x32xf32, #tpu.memory_space<hbm>>) dst(%dma_wait3A_52 : memref<64x32xf32, #tpu.memory_space<vmem>>)
    %dma_wait3A_56 = arith.constant 0 : i32
    %dma_wait3A_57 = arith.constant 0 : i32
    %dma_wait3A_58 = tpu.memref_slice %arg8[%dma_wait3A_56, %dma_wait3A_57] : memref<256x32xf32, #tpu.memory_space<vmem>> -> memref<64x32xf32, #tpu.memory_space<vmem>>
    %dma_wait3A_59 = arith.constant 0 : i32
    %dma_wait3A_60 = arith.constant 0 : i32
    %dma_wait3A_61 = tpu.memref_slice %arg4[%dma_wait3A_59, %dma_wait3A_60] : memref<1000000x32xf32, #tpu.memory_space<hbm>> -> memref<64x32xf32, #tpu.memory_space<hbm>>
    %dma_wait3A_62 = arith.constant 0 : i32
    %dma_wait3A_63 = arith.constant 0 : i32
    %dma_wait3A_64 = tpu.memref_slice %arg8[%dma_wait3A_62, %dma_wait3A_63] : memref<256x32xf32, #tpu.memory_space<vmem>> -> memref<64x32xf32, #tpu.memory_space<vmem>>
    %dma_wait3A_65 = arith.constant 0 : i32
    %dma_wait3A_66 = arith.constant 0 : i32
    %dma_wait3A_67 = tpu.memref_slice %arg4[%dma_wait3A_65, %dma_wait3A_66] : memref<1000000x32xf32, #tpu.memory_space<hbm>> -> memref<64x32xf32, #tpu.memory_space<hbm>>
    tpu.wait_dma2 semaphore(%arg15 : memref<!tpu.dma_semaphore, #tpu.memory_space<semaphore_mem>>) src(%dma_wait3A_67 : memref<64x32xf32, #tpu.memory_space<hbm>>) dst(%dma_wait3A_64 : memref<64x32xf32, #tpu.memory_space<vmem>>)
    %dma_wait3A_68 = arith.constant 0 : i32
    %dma_wait3A_69 = arith.constant 0 : i32
    %dma_wait3A_70 = tpu.memref_slice %arg8[%dma_wait3A_68, %dma_wait3A_69] : memref<256x32xf32, #tpu.memory_space<vmem>> -> memref<64x32xf32, #tpu.memory_space<vmem>>
    %dma_wait3A_71 = arith.constant 0 : i32
    %dma_wait3A_72 = arith.constant 0 : i32
    %dma_wait3A_73 = tpu.memref_slice %arg4[%dma_wait3A_71, %dma_wait3A_72] : memref<1000000x32xf32, #tpu.memory_space<hbm>> -> memref<64x32xf32, #tpu.memory_space<hbm>>
    %dma_wait3A_74 = arith.constant 0 : i32
    %dma_wait3A_75 = arith.constant 0 : i32
    %dma_wait3A_76 = tpu.memref_slice %arg8[%dma_wait3A_74, %dma_wait3A_75] : memref<256x32xf32, #tpu.memory_space<vmem>> -> memref<64x32xf32, #tpu.memory_space<vmem>>
    %dma_wait3A_77 = arith.constant 0 : i32
    %dma_wait3A_78 = arith.constant 0 : i32
    %dma_wait3A_79 = tpu.memref_slice %arg4[%dma_wait3A_77, %dma_wait3A_78] : memref<1000000x32xf32, #tpu.memory_space<hbm>> -> memref<64x32xf32, #tpu.memory_space<hbm>>
    tpu.wait_dma2 semaphore(%arg16 : memref<!tpu.dma_semaphore, #tpu.memory_space<semaphore_mem>>) src(%dma_wait3A_79 : memref<64x32xf32, #tpu.memory_space<hbm>>) dst(%dma_wait3A_76 : memref<64x32xf32, #tpu.memory_space<vmem>>)
    %dma_wait3A_80 = arith.constant 0 : i32
    %dma_wait3A_81 = arith.constant 0 : i32
    %dma_wait3A_82 = tpu.memref_slice %arg8[%dma_wait3A_80, %dma_wait3A_81] : memref<256x32xf32, #tpu.memory_space<vmem>> -> memref<64x32xf32, #tpu.memory_space<vmem>>
    %dma_wait3A_83 = arith.constant 0 : i32
    %dma_wait3A_84 = arith.constant 0 : i32
    %dma_wait3A_85 = tpu.memref_slice %arg4[%dma_wait3A_83, %dma_wait3A_84] : memref<1000000x32xf32, #tpu.memory_space<hbm>> -> memref<64x32xf32, #tpu.memory_space<hbm>>
    %dma_wait3A_86 = arith.constant 0 : i32
    %dma_wait3A_87 = arith.constant 0 : i32
    %dma_wait3A_88 = tpu.memref_slice %arg8[%dma_wait3A_86, %dma_wait3A_87] : memref<256x32xf32, #tpu.memory_space<vmem>> -> memref<64x32xf32, #tpu.memory_space<vmem>>
    %dma_wait3A_89 = arith.constant 0 : i32
    %dma_wait3A_90 = arith.constant 0 : i32
    %dma_wait3A_91 = tpu.memref_slice %arg4[%dma_wait3A_89, %dma_wait3A_90] : memref<1000000x32xf32, #tpu.memory_space<hbm>> -> memref<64x32xf32, #tpu.memory_space<hbm>>
    tpu.wait_dma2 semaphore(%arg17 : memref<!tpu.dma_semaphore, #tpu.memory_space<semaphore_mem>>) src(%dma_wait3A_91 : memref<64x32xf32, #tpu.memory_space<hbm>>) dst(%dma_wait3A_88 : memref<64x32xf32, #tpu.memory_space<vmem>>)
    %dma_wait3A_92 = arith.constant 0 : i32
    %dma_wait3A_93 = arith.constant 0 : i32
    %dma_wait3A_94 = tpu.memref_slice %arg8[%dma_wait3A_92, %dma_wait3A_93] : memref<256x32xf32, #tpu.memory_space<vmem>> -> memref<64x32xf32, #tpu.memory_space<vmem>>
    %dma_wait3A_95 = arith.constant 0 : i32
    %dma_wait3A_96 = arith.constant 0 : i32
    %dma_wait3A_97 = tpu.memref_slice %arg4[%dma_wait3A_95, %dma_wait3A_96] : memref<1000000x32xf32, #tpu.memory_space<hbm>> -> memref<64x32xf32, #tpu.memory_space<hbm>>
    %dma_wait3A_98 = arith.constant 0 : i32
    %dma_wait3A_99 = arith.constant 0 : i32
    %dma_wait3A_100 = tpu.memref_slice %arg8[%dma_wait3A_98, %dma_wait3A_99] : memref<256x32xf32, #tpu.memory_space<vmem>> -> memref<64x32xf32, #tpu.memory_space<vmem>>
    %dma_wait3A_101 = arith.constant 0 : i32
    %dma_wait3A_102 = arith.constant 0 : i32
    %dma_wait3A_103 = tpu.memref_slice %arg4[%dma_wait3A_101, %dma_wait3A_102] : memref<1000000x32xf32, #tpu.memory_space<hbm>> -> memref<64x32xf32, #tpu.memory_space<hbm>>
    tpu.wait_dma2 semaphore(%arg18 : memref<!tpu.dma_semaphore, #tpu.memory_space<semaphore_mem>>) src(%dma_wait3A_103 : memref<64x32xf32, #tpu.memory_space<hbm>>) dst(%dma_wait3A_100 : memref<64x32xf32, #tpu.memory_space<vmem>>)
    %scan3A_104 = arith.constant 0 : i32
    %scan3A_105 = arith.constant 0 : i32
    %scan3A_106 = arith.constant 16 : i32
    %scan3A_107 = arith.addi %scan3A_105, %scan3A_106 : i32
    %scan3A_108 = arith.constant 1 : i32
    %scan3A_109 = scf.for %scan3A_221 = %scan3A_105 to %scan3A_107 step %scan3A_108 iter_args(%scan3A_222 = %scan3A_104) -> (i32)  : i32 {
      %mul3A_223 = arith.constant 16 : i32
      %mul3A_224 = arith.muli %scan3A_221, %mul3A_223 : i32
      %add3A_225 = arith.constant 0 : i32
      %add3A_226 = arith.addi %mul3A_224, %add3A_225 : i32
      %get3A = arith.index_cast %add3A_226 : i32 to index
      %get3A_227 = arith.constant 0 : index
      %get3A_228 = tpu.vector_load %arg8[%get3A, %get3A_227] {strides = array<i32>} : memref<256x32xf32, #tpu.memory_space<vmem>>, vector<1x16xf32>,
      %get3A_229 = vector.shape_cast %get3A_228 : vector<1x16xf32> to vector<16xf32>
      %get3A_230 = arith.index_cast %add3A_226 : i32 to index
      %get3A_231 = arith.constant 16 : index
      %get3A_232 = tpu.vector_load %arg8[%get3A_230, %get3A_231] {strides = array<i32>} : memref<256x32xf32, #tpu.memory_space<vmem>>, vector<1x16xf32>,
      %get3A_233 = vector.shape_cast %get3A_232 : vector<1x16xf32> to vector<16xf32>
      %get3A_234 = arith.index_cast %add3A_226 : i32 to index
      %get3A_235 = arith.constant 0 : index
      %get3A_236 = tpu.vector_load %arg9[%get3A_234, %get3A_235] {strides = array<i32>} : memref<256x32xf32, #tpu.memory_space<vmem>>, vector<1x16xf32>,
      %get3A_237 = vector.shape_cast %get3A_236 : vector<1x16xf32> to vector<16xf32>
      %get3A_238 = arith.index_cast %add3A_226 : i32 to index
      %get3A_239 = arith.constant 16 : index
      %get3A_240 = tpu.vector_load %arg9[%get3A_238, %get3A_239] {strides = array<i32>} : memref<256x32xf32, #tpu.memory_space<vmem>>, vector<1x16xf32>,
      %get3A_241 = vector.shape_cast %get3A_240 : vector<1x16xf32> to vector<16xf32>
      %mul3A_242 = arith.mulf %get3A_229, %get3A_237 : vector<16xf32>
      %mul3A_243 = arith.mulf %get3A_233, %get3A_241 : vector<16xf32>
      %add3A_244 = arith.addf %mul3A_242, %mul3A_243 : vector<16xf32>
      %add3A_245 = arith.constant 8 : i32
      %add3A_246 = arith.addi %mul3A_224, %add3A_245 : i32
      %get3A_247 = arith.index_cast %add3A_246 : i32 to index
      %get3A_248 = arith.constant 0 : index
      %get3A_249 = tpu.vector_load %arg8[%get3A_247, %get3A_248] {strides = array<i32>} : memref<256x32xf32, #tpu.memory_space<vmem>>, vector<1x16xf32>,
      %get3A_250 = vector.shape_cast %get3A_249 : vector<1x16xf32> to vector<16xf32>
      %get3A_251 = arith.index_cast %add3A_246 : i32 to index
      %get3A_252 = arith.constant 16 : index
      %get3A_253 = tpu.vector_load %arg8[%get3A_251, %get3A_252] {strides = array<i32>} : memref<256x32xf32, #tpu.memory_space<vmem>>, vector<1x16xf32>,
      %get3A_254 = vector.shape_cast %get3A_253 : vector<1x16xf32> to vector<16xf32>
      %get3A_255 = arith.index_cast %add3A_246 : i32 to index
      %get3A_256 = arith.constant 0 : index
      %get3A_257 = tpu.vector_load %arg9[%get3A_255, %get3A_256] {strides = array<i32>} : memref<256x32xf32, #tpu.memory_space<vmem>>, vector<1x16xf32>,
      %get3A_258 = vector.shape_cast %get3A_257 : vector<1x16xf32> to vector<16xf32>
      %get3A_259 = arith.index_cast %add3A_246 : i32 to index
      %get3A_260 = arith.constant 16 : index
      %get3A_261 = tpu.vector_load %arg9[%get3A_259, %get3A_260] {strides = array<i32>} : memref<256x32xf32, #tpu.memory_space<vmem>>, vector<1x16xf32>,
      %get3A_262 = vector.shape_cast %get3A_261 : vector<1x16xf32> to vector<16xf32>
      %mul3A_263 = arith.mulf %get3A_250, %get3A_258 : vector<16xf32>
      %mul3A_264 = arith.mulf %get3A_254, %get3A_262 : vector<16xf32>
      %add3A_265 = arith.addf %mul3A_263, %mul3A_264 : vector<16xf32>
      %add3A_266 = arith.constant 4 : i32
      %add3A_267 = arith.addi %mul3A_224, %add3A_266 : i32
      %get3A_268 = arith.index_cast %add3A_267 : i32 to index
      %get3A_269 = arith.constant 0 : index
      %get3A_270 = tpu.vector_load %arg8[%get3A_268, %get3A_269] {strides = array<i32>} : memref<256x32xf32, #tpu.memory_space<vmem>>, vector<1x16xf32>,
      %get3A_271 = vector.shape_cast %get3A_270 : vector<1x16xf32> to vector<16xf32>
      %get3A_272 = arith.index_cast %add3A_267 : i32 to index
      %get3A_273 = arith.constant 16 : index
      %get3A_274 = tpu.vector_load %arg8[%get3A_272, %get3A_273] {strides = array<i32>} : memref<256x32xf32, #tpu.memory_space<vmem>>, vector<1x16xf32>,
      %get3A_275 = vector.shape_cast %get3A_274 : vector<1x16xf32> to vector<16xf32>
      %get3A_276 = arith.index_cast %add3A_267 : i32 to index
      %get3A_277 = arith.constant 0 : index
      %get3A_278 = tpu.vector_load %arg9[%get3A_276, %get3A_277] {strides = array<i32>} : memref<256x32xf32, #tpu.memory_space<vmem>>, vector<1x16xf32>,
      %get3A_279 = vector.shape_cast %get3A_278 : vector<1x16xf32> to vector<16xf32>
      %get3A_280 = arith.index_cast %add3A_267 : i32 to index
      %get3A_281 = arith.constant 16 : index
      %get3A_282 = tpu.vector_load %arg9[%get3A_280, %get3A_281] {strides = array<i32>} : memref<256x32xf32, #tpu.memory_space<vmem>>, vector<1x16xf32>,
      %get3A_283 = vector.shape_cast %get3A_282 : vector<1x16xf32> to vector<16xf32>
      %mul3A_284 = arith.mulf %get3A_271, %get3A_279 : vector<16xf32>
      %mul3A_285 = arith.mulf %get3A_275, %get3A_283 : vector<16xf32>
      %add3A_286 = arith.addf %mul3A_284, %mul3A_285 : vector<16xf32>
      %add3A_287 = arith.constant 12 : i32
      %add3A_288 = arith.addi %mul3A_224, %add3A_287 : i32
      %get3A_289 = arith.index_cast %add3A_288 : i32 to index
      %get3A_290 = arith.constant 0 : index
      %get3A_291 = tpu.vector_load %arg8[%get3A_289, %get3A_290] {strides = array<i32>} : memref<256x32xf32, #tpu.memory_space<vmem>>, vector<1x16xf32>,
      %get3A_292 = vector.shape_cast %get3A_291 : vector<1x16xf32> to vector<16xf32>
      %get3A_293 = arith.index_cast %add3A_288 : i32 to index
      %get3A_294 = arith.constant 16 : index
      %get3A_295 = tpu.vector_load %arg8[%get3A_293, %get3A_294] {strides = array<i32>} : memref<256x32xf32, #tpu.memory_space<vmem>>, vector<1x16xf32>,
      %get3A_296 = vector.shape_cast %get3A_295 : vector<1x16xf32> to vector<16xf32>
      %get3A_297 = arith.index_cast %add3A_288 : i32 to index
      %get3A_298 = arith.constant 0 : index
      %get3A_299 = tpu.vector_load %arg9[%get3A_297, %get3A_298] {strides = array<i32>} : memref<256x32xf32, #tpu.memory_space<vmem>>, vector<1x16xf32>,
      %get3A_300 = vector.shape_cast %get3A_299 : vector<1x16xf32> to vector<16xf32>
      %get3A_301 = arith.index_cast %add3A_288 : i32 to index
      %get3A_302 = arith.constant 16 : index
      %get3A_303 = tpu.vector_load %arg9[%get3A_301, %get3A_302] {strides = array<i32>} : memref<256x32xf32, #tpu.memory_space<vmem>>, vector<1x16xf32>,
      %get3A_304 = vector.shape_cast %get3A_303 : vector<1x16xf32> to vector<16xf32>
      %mul3A_305 = arith.mulf %get3A_292, %get3A_300 : vector<16xf32>
      %mul3A_306 = arith.mulf %get3A_296, %get3A_304 : vector<16xf32>
      %add3A_307 = arith.addf %mul3A_305, %mul3A_306 : vector<16xf32>
      %add3A_308 = arith.constant 2 : i32
      %add3A_309 = arith.addi %mul3A_224, %add3A_308 : i32
      %get3A_310 = arith.index_cast %add3A_309 : i32 to index
      %get3A_311 = arith.constant 0 : index
      %get3A_312 = tpu.vector_load %arg8[%get3A_310, %get3A_311] {strides = array<i32>} : memref<256x32xf32, #tpu.memory_space<vmem>>, vector<1x16xf32>,
      %get3A_313 = vector.shape_cast %get3A_312 : vector<1x16xf32> to vector<16xf32>
      %get3A_314 = arith.index_cast %add3A_309 : i32 to index
      %get3A_315 = arith.constant 16 : index
      %get3A_316 = tpu.vector_load %arg8[%get3A_314, %get3A_315] {strides = array<i32>} : memref<256x32xf32, #tpu.memory_space<vmem>>, vector<1x16xf32>,
      %get3A_317 = vector.shape_cast %get3A_316 : vector<1x16xf32> to vector<16xf32>
      %get3A_318 = arith.index_cast %add3A_309 : i32 to index
      %get3A_319 = arith.constant 0 : index
      %get3A_320 = tpu.vector_load %arg9[%get3A_318, %get3A_319] {strides = array<i32>} : memref<256x32xf32, #tpu.memory_space<vmem>>, vector<1x16xf32>,
      %get3A_321 = vector.shape_cast %get3A_320 : vector<1x16xf32> to vector<16xf32>
      %get3A_322 = arith.index_cast %add3A_309 : i32 to index
      %get3A_323 = arith.constant 16 : index
      %get3A_324 = tpu.vector_load %arg9[%get3A_322, %get3A_323] {strides = array<i32>} : memref<256x32xf32, #tpu.memory_space<vmem>>, vector<1x16xf32>,
      %get3A_325 = vector.shape_cast %get3A_324 : vector<1x16xf32> to vector<16xf32>
      %mul3A_326 = arith.mulf %get3A_313, %get3A_321 : vector<16xf32>
      %mul3A_327 = arith.mulf %get3A_317, %get3A_325 : vector<16xf32>
      %add3A_328 = arith.addf %mul3A_326, %mul3A_327 : vector<16xf32>
      %add3A_329 = arith.constant 10 : i32
      %add3A_330 = arith.addi %mul3A_224, %add3A_329 : i32
      %get3A_331 = arith.index_cast %add3A_330 : i32 to index
      %get3A_332 = arith.constant 0 : index
      %get3A_333 = tpu.vector_load %arg8[%get3A_331, %get3A_332] {strides = array<i32>} : memref<256x32xf32, #tpu.memory_space<vmem>>, vector<1x16xf32>,
      %get3A_334 = vector.shape_cast %get3A_333 : vector<1x16xf32> to vector<16xf32>
      %get3A_335 = arith.index_cast %add3A_330 : i32 to index
      %get3A_336 = arith.constant 16 : index
      %get3A_337 = tpu.vector_load %arg8[%get3A_335, %get3A_336] {strides = array<i32>} : memref<256x32xf32, #tpu.memory_space<vmem>>, vector<1x16xf32>,
      %get3A_338 = vector.shape_cast %get3A_337 : vector<1x16xf32> to vector<16xf32>
      %get3A_339 = arith.index_cast %add3A_330 : i32 to index
      %get3A_340 = arith.constant 0 : index
      %get3A_341 = tpu.vector_load %arg9[%get3A_339, %get3A_340] {strides = array<i32>} : memref<256x32xf32, #tpu.memory_space<vmem>>, vector<1x16xf32>,
      %get3A_342 = vector.shape_cast %get3A_341 : vector<1x16xf32> to vector<16xf32>
      %get3A_343 = arith.index_cast %add3A_330 : i32 to index
      %get3A_344 = arith.constant 16 : index
      %get3A_345 = tpu.vector_load %arg9[%get3A_343, %get3A_344] {strides = array<i32>} : memref<256x32xf32, #tpu.memory_space<vmem>>, vector<1x16xf32>,
      %get3A_346 = vector.shape_cast %get3A_345 : vector<1x16xf32> to vector<16xf32>
      %mul3A_347 = arith.mulf %get3A_334, %get3A_342 : vector<16xf32>
      %mul3A_348 = arith.mulf %get3A_338, %get3A_346 : vector<16xf32>
      %add3A_349 = arith.addf %mul3A_347, %mul3A_348 : vector<16xf32>
      %add3A_350 = arith.constant 6 : i32
      %add3A_351 = arith.addi %mul3A_224, %add3A_350 : i32
      %get3A_352 = arith.index_cast %add3A_351 : i32 to index
      %get3A_353 = arith.constant 0 : index
      %get3A_354 = tpu.vector_load %arg8[%get3A_352, %get3A_353] {strides = array<i32>} : memref<256x32xf32, #tpu.memory_space<vmem>>, vector<1x16xf32>,
      %get3A_355 = vector.shape_cast %get3A_354 : vector<1x16xf32> to vector<16xf32>
      %get3A_356 = arith.index_cast %add3A_351 : i32 to index
      %get3A_357 = arith.constant 16 : index
      %get3A_358 = tpu.vector_load %arg8[%get3A_356, %get3A_357] {strides = array<i32>} : memref<256x32xf32, #tpu.memory_space<vmem>>, vector<1x16xf32>,
      %get3A_359 = vector.shape_cast %get3A_358 : vector<1x16xf32> to vector<16xf32>
      %get3A_360 = arith.index_cast %add3A_351 : i32 to index
      %get3A_361 = arith.constant 0 : index
      %get3A_362 = tpu.vector_load %arg9[%get3A_360, %get3A_361] {strides = array<i32>} : memref<256x32xf32, #tpu.memory_space<vmem>>, vector<1x16xf32>,
      %get3A_363 = vector.shape_cast %get3A_362 : vector<1x16xf32> to vector<16xf32>
      %get3A_364 = arith.index_cast %add3A_351 : i32 to index
      %get3A_365 = arith.constant 16 : index
      %get3A_366 = tpu.vector_load %arg9[%get3A_364, %get3A_365] {strides = array<i32>} : memref<256x32xf32, #tpu.memory_space<vmem>>, vector<1x16xf32>,
      %get3A_367 = vector.shape_cast %get3A_366 : vector<1x16xf32> to vector<16xf32>
      %mul3A_368 = arith.mulf %get3A_355, %get3A_363 : vector<16xf32>
      %mul3A_369 = arith.mulf %get3A_359, %get3A_367 : vector<16xf32>
      %add3A_370 = arith.addf %mul3A_368, %mul3A_369 : vector<16xf32>
      %add3A_371 = arith.constant 14 : i32
      %add3A_372 = arith.addi %mul3A_224, %add3A_371 : i32
      %get3A_373 = arith.index_cast %add3A_372 : i32 to index
      %get3A_374 = arith.constant 0 : index
      %get3A_375 = tpu.vector_load %arg8[%get3A_373, %get3A_374] {strides = array<i32>} : memref<256x32xf32, #tpu.memory_space<vmem>>, vector<1x16xf32>,
      %get3A_376 = vector.shape_cast %get3A_375 : vector<1x16xf32> to vector<16xf32>
      %get3A_377 = arith.index_cast %add3A_372 : i32 to index
      %get3A_378 = arith.constant 16 : index
      %get3A_379 = tpu.vector_load %arg8[%get3A_377, %get3A_378] {strides = array<i32>} : memref<256x32xf32, #tpu.memory_space<vmem>>, vector<1x16xf32>,
      %get3A_380 = vector.shape_cast %get3A_379 : vector<1x16xf32> to vector<16xf32>
      %get3A_381 = arith.index_cast %add3A_372 : i32 to index
      %get3A_382 = arith.constant 0 : index
      %get3A_383 = tpu.vector_load %arg9[%get3A_381, %get3A_382] {strides = array<i32>} : memref<256x32xf32, #tpu.memory_space<vmem>>, vector<1x16xf32>,
      %get3A_384 = vector.shape_cast %get3A_383 : vector<1x16xf32> to vector<16xf32>
      %get3A_385 = arith.index_cast %add3A_372 : i32 to index
      %get3A_386 = arith.constant 16 : index
      %get3A_387 = tpu.vector_load %arg9[%get3A_385, %get3A_386] {strides = array<i32>} : memref<256x32xf32, #tpu.memory_space<vmem>>, vector<1x16xf32>,
      %get3A_388 = vector.shape_cast %get3A_387 : vector<1x16xf32> to vector<16xf32>
      %mul3A_389 = arith.mulf %get3A_376, %get3A_384 : vector<16xf32>
      %mul3A_390 = arith.mulf %get3A_380, %get3A_388 : vector<16xf32>
      %add3A_391 = arith.addf %mul3A_389, %mul3A_390 : vector<16xf32>
      %add3A_392 = arith.constant 1 : i32
      %add3A_393 = arith.addi %mul3A_224, %add3A_392 : i32
      %get3A_394 = arith.index_cast %add3A_393 : i32 to index
      %get3A_395 = arith.constant 0 : index
      %get3A_396 = tpu.vector_load %arg8[%get3A_394, %get3A_395] {strides = array<i32>} : memref<256x32xf32, #tpu.memory_space<vmem>>, vector<1x16xf32>,
      %get3A_397 = vector.shape_cast %get3A_396 : vector<1x16xf32> to vector<16xf32>
      %get3A_398 = arith.index_cast %add3A_393 : i32 to index
      %get3A_399 = arith.constant 16 : index
      %get3A_400 = tpu.vector_load %arg8[%get3A_398, %get3A_399] {strides = array<i32>} : memref<256x32xf32, #tpu.memory_space<vmem>>, vector<1x16xf32>,
      %get3A_401 = vector.shape_cast %get3A_400 : vector<1x16xf32> to vector<16xf32>
      %get3A_402 = arith.index_cast %add3A_393 : i32 to index
      %get3A_403 = arith.constant 0 : index
      %get3A_404 = tpu.vector_load %arg9[%get3A_402, %get3A_403] {strides = array<i32>} : memref<256x32xf32, #tpu.memory_space<vmem>>, vector<1x16xf32>,
      %get3A_405 = vector.shape_cast %get3A_404 : vector<1x16xf32> to vector<16xf32>
      %get3A_406 = arith.index_cast %add3A_393 : i32 to index
      %get3A_407 = arith.constant 16 : index
      %get3A_408 = tpu.vector_load %arg9[%get3A_406, %get3A_407] {strides = array<i32>} : memref<256x32xf32, #tpu.memory_space<vmem>>, vector<1x16xf32>,
      %get3A_409 = vector.shape_cast %get3A_408 : vector<1x16xf32> to vector<16xf32>
      %mul3A_410 = arith.mulf %get3A_397, %get3A_405 : vector<16xf32>
      %mul3A_411 = arith.mulf %get3A_401, %get3A_409 : vector<16xf32>
      %add3A_412 = arith.addf %mul3A_410, %mul3A_411 : vector<16xf32>
      %add3A_413 = arith.constant 9 : i32
      %add3A_414 = arith.addi %mul3A_224, %add3A_413 : i32
      %get3A_415 = arith.index_cast %add3A_414 : i32 to index
      %get3A_416 = arith.constant 0 : index
      %get3A_417 = tpu.vector_load %arg8[%get3A_415, %get3A_416] {strides = array<i32>} : memref<256x32xf32, #tpu.memory_space<vmem>>, vector<1x16xf32>,
      %get3A_418 = vector.shape_cast %get3A_417 : vector<1x16xf32> to vector<16xf32>
      %get3A_419 = arith.index_cast %add3A_414 : i32 to index
      %get3A_420 = arith.constant 16 : index
      %get3A_421 = tpu.vector_load %arg8[%get3A_419, %get3A_420] {strides = array<i32>} : memref<256x32xf32, #tpu.memory_space<vmem>>, vector<1x16xf32>,
      %get3A_422 = vector.shape_cast %get3A_421 : vector<1x16xf32> to vector<16xf32>
      %get3A_423 = arith.index_cast %add3A_414 : i32 to index
      %get3A_424 = arith.constant 0 : index
      %get3A_425 = tpu.vector_load %arg9[%get3A_423, %get3A_424] {strides = array<i32>} : memref<256x32xf32, #tpu.memory_space<vmem>>, vector<1x16xf32>,
      %get3A_426 = vector.shape_cast %get3A_425 : vector<1x16xf32> to vector<16xf32>
      %get3A_427 = arith.index_cast %add3A_414 : i32 to index
      %get3A_428 = arith.constant 16 : index
      %get3A_429 = tpu.vector_load %arg9[%get3A_427, %get3A_428] {strides = array<i32>} : memref<256x32xf32, #tpu.memory_space<vmem>>, vector<1x16xf32>,
      %get3A_430 = vector.shape_cast %get3A_429 : vector<1x16xf32> to vector<16xf32>
      %mul3A_431 = arith.mulf %get3A_418, %get3A_426 : vector<16xf32>
      %mul3A_432 = arith.mulf %get3A_422, %get3A_430 : vector<16xf32>
      %add3A_433 = arith.addf %mul3A_431, %mul3A_432 : vector<16xf32>
      %add3A_434 = arith.constant 5 : i32
      %add3A_435 = arith.addi %mul3A_224, %add3A_434 : i32
      %get3A_436 = arith.index_cast %add3A_435 : i32 to index
      %get3A_437 = arith.constant 0 : index
      %get3A_438 = tpu.vector_load %arg8[%get3A_436, %get3A_437] {strides = array<i32>} : memref<256x32xf32, #tpu.memory_space<vmem>>, vector<1x16xf32>,
      %get3A_439 = vector.shape_cast %get3A_438 : vector<1x16xf32> to vector<16xf32>
      %get3A_440 = arith.index_cast %add3A_435 : i32 to index
      %get3A_441 = arith.constant 16 : index
      %get3A_442 = tpu.vector_load %arg8[%get3A_440, %get3A_441] {strides = array<i32>} : memref<256x32xf32, #tpu.memory_space<vmem>>, vector<1x16xf32>,
      %get3A_443 = vector.shape_cast %get3A_442 : vector<1x16xf32> to vector<16xf32>
      %get3A_444 = arith.index_cast %add3A_435 : i32 to index
      %get3A_445 = arith.constant 0 : index
      %get3A_446 = tpu.vector_load %arg9[%get3A_444, %get3A_445] {strides = array<i32>} : memref<256x32xf32, #tpu.memory_space<vmem>>, vector<1x16xf32>,
      %get3A_447 = vector.shape_cast %get3A_446 : vector<1x16xf32> to vector<16xf32>
      %get3A_448 = arith.index_cast %add3A_435 : i32 to index
      %get3A_449 = arith.constant 16 : index
      %get3A_450 = tpu.vector_load %arg9[%get3A_448, %get3A_449] {strides = array<i32>} : memref<256x32xf32, #tpu.memory_space<vmem>>, vector<1x16xf32>,
      %get3A_451 = vector.shape_cast %get3A_450 : vector<1x16xf32> to vector<16xf32>
      %mul3A_452 = arith.mulf %get3A_439, %get3A_447 : vector<16xf32>
      %mul3A_453 = arith.mulf %get3A_443, %get3A_451 : vector<16xf32>
      %add3A_454 = arith.addf %mul3A_452, %mul3A_453 : vector<16xf32>
      %add3A_455 = arith.constant 13 : i32
      %add3A_456 = arith.addi %mul3A_224, %add3A_455 : i32
      %get3A_457 = arith.index_cast %add3A_456 : i32 to index
      %get3A_458 = arith.constant 0 : index
      %get3A_459 = tpu.vector_load %arg8[%get3A_457, %get3A_458] {strides = array<i32>} : memref<256x32xf32, #tpu.memory_space<vmem>>, vector<1x16xf32>,
      %get3A_460 = vector.shape_cast %get3A_459 : vector<1x16xf32> to vector<16xf32>
      %get3A_461 = arith.index_cast %add3A_456 : i32 to index
      %get3A_462 = arith.constant 16 : index
      %get3A_463 = tpu.vector_load %arg8[%get3A_461, %get3A_462] {strides = array<i32>} : memref<256x32xf32, #tpu.memory_space<vmem>>, vector<1x16xf32>,
      %get3A_464 = vector.shape_cast %get3A_463 : vector<1x16xf32> to vector<16xf32>
      %get3A_465 = arith.index_cast %add3A_456 : i32 to index
      %get3A_466 = arith.constant 0 : index
      %get3A_467 = tpu.vector_load %arg9[%get3A_465, %get3A_466] {strides = array<i32>} : memref<256x32xf32, #tpu.memory_space<vmem>>, vector<1x16xf32>,
      %get3A_468 = vector.shape_cast %get3A_467 : vector<1x16xf32> to vector<16xf32>
      %get3A_469 = arith.index_cast %add3A_456 : i32 to index
      %get3A_470 = arith.constant 16 : index
      %get3A_471 = tpu.vector_load %arg9[%get3A_469, %get3A_470] {strides = array<i32>} : memref<256x32xf32, #tpu.memory_space<vmem>>, vector<1x16xf32>,
      %get3A_472 = vector.shape_cast %get3A_471 : vector<1x16xf32> to vector<16xf32>
      %mul3A_473 = arith.mulf %get3A_460, %get3A_468 : vector<16xf32>
      %mul3A_474 = arith.mulf %get3A_464, %get3A_472 : vector<16xf32>
      %add3A_475 = arith.addf %mul3A_473, %mul3A_474 : vector<16xf32>
      %add3A_476 = arith.constant 3 : i32
      %add3A_477 = arith.addi %mul3A_224, %add3A_476 : i32
      %get3A_478 = arith.index_cast %add3A_477 : i32 to index
      %get3A_479 = arith.constant 0 : index
      %get3A_480 = tpu.vector_load %arg8[%get3A_478, %get3A_479] {strides = array<i32>} : memref<256x32xf32, #tpu.memory_space<vmem>>, vector<1x16xf32>,
      %get3A_481 = vector.shape_cast %get3A_480 : vector<1x16xf32> to vector<16xf32>
      %get3A_482 = arith.index_cast %add3A_477 : i32 to index
      %get3A_483 = arith.constant 16 : index
      %get3A_484 = tpu.vector_load %arg8[%get3A_482, %get3A_483] {strides = array<i32>} : memref<256x32xf32, #tpu.memory_space<vmem>>, vector<1x16xf32>,
      %get3A_485 = vector.shape_cast %get3A_484 : vector<1x16xf32> to vector<16xf32>
      %get3A_486 = arith.index_cast %add3A_477 : i32 to index
      %get3A_487 = arith.constant 0 : index
      %get3A_488 = tpu.vector_load %arg9[%get3A_486, %get3A_487] {strides = array<i32>} : memref<256x32xf32, #tpu.memory_space<vmem>>, vector<1x16xf32>,
      %get3A_489 = vector.shape_cast %get3A_488 : vector<1x16xf32> to vector<16xf32>
      %get3A_490 = arith.index_cast %add3A_477 : i32 to index
      %get3A_491 = arith.constant 16 : index
      %get3A_492 = tpu.vector_load %arg9[%get3A_490, %get3A_491] {strides = array<i32>} : memref<256x32xf32, #tpu.memory_space<vmem>>, vector<1x16xf32>,
      %get3A_493 = vector.shape_cast %get3A_492 : vector<1x16xf32> to vector<16xf32>
      %mul3A_494 = arith.mulf %get3A_481, %get3A_489 : vector<16xf32>
      %mul3A_495 = arith.mulf %get3A_485, %get3A_493 : vector<16xf32>
      %add3A_496 = arith.addf %mul3A_494, %mul3A_495 : vector<16xf32>
      %add3A_497 = arith.constant 11 : i32
      %add3A_498 = arith.addi %mul3A_224, %add3A_497 : i32
      %get3A_499 = arith.index_cast %add3A_498 : i32 to index
      %get3A_500 = arith.constant 0 : index
      %get3A_501 = tpu.vector_load %arg8[%get3A_499, %get3A_500] {strides = array<i32>} : memref<256x32xf32, #tpu.memory_space<vmem>>, vector<1x16xf32>,
      %get3A_502 = vector.shape_cast %get3A_501 : vector<1x16xf32> to vector<16xf32>
      %get3A_503 = arith.index_cast %add3A_498 : i32 to index
      %get3A_504 = arith.constant 16 : index
      %get3A_505 = tpu.vector_load %arg8[%get3A_503, %get3A_504] {strides = array<i32>} : memref<256x32xf32, #tpu.memory_space<vmem>>, vector<1x16xf32>,
      %get3A_506 = vector.shape_cast %get3A_505 : vector<1x16xf32> to vector<16xf32>
      %get3A_507 = arith.index_cast %add3A_498 : i32 to index
      %get3A_508 = arith.constant 0 : index
      %get3A_509 = tpu.vector_load %arg9[%get3A_507, %get3A_508] {strides = array<i32>} : memref<256x32xf32, #tpu.memory_space<vmem>>, vector<1x16xf32>,
      %get3A_510 = vector.shape_cast %get3A_509 : vector<1x16xf32> to vector<16xf32>
      %get3A_511 = arith.index_cast %add3A_498 : i32 to index
      %get3A_512 = arith.constant 16 : index
      %get3A_513 = tpu.vector_load %arg9[%get3A_511, %get3A_512] {strides = array<i32>} : memref<256x32xf32, #tpu.memory_space<vmem>>, vector<1x16xf32>,
      %get3A_514 = vector.shape_cast %get3A_513 : vector<1x16xf32> to vector<16xf32>
      %mul3A_515 = arith.mulf %get3A_502, %get3A_510 : vector<16xf32>
      %mul3A_516 = arith.mulf %get3A_506, %get3A_514 : vector<16xf32>
      %add3A_517 = arith.addf %mul3A_515, %mul3A_516 : vector<16xf32>
      %add3A_518 = arith.constant 7 : i32
      %add3A_519 = arith.addi %mul3A_224, %add3A_518 : i32
      %get3A_520 = arith.index_cast %add3A_519 : i32 to index
      %get3A_521 = arith.constant 0 : index
      %get3A_522 = tpu.vector_load %arg8[%get3A_520, %get3A_521] {strides = array<i32>} : memref<256x32xf32, #tpu.memory_space<vmem>>, vector<1x16xf32>,
      %get3A_523 = vector.shape_cast %get3A_522 : vector<1x16xf32> to vector<16xf32>
      %get3A_524 = arith.index_cast %add3A_519 : i32 to index
      %get3A_525 = arith.constant 16 : index
      %get3A_526 = tpu.vector_load %arg8[%get3A_524, %get3A_525] {strides = array<i32>} : memref<256x32xf32, #tpu.memory_space<vmem>>, vector<1x16xf32>,
      %get3A_527 = vector.shape_cast %get3A_526 : vector<1x16xf32> to vector<16xf32>
      %get3A_528 = arith.index_cast %add3A_519 : i32 to index
      %get3A_529 = arith.constant 0 : index
      %get3A_530 = tpu.vector_load %arg9[%get3A_528, %get3A_529] {strides = array<i32>} : memref<256x32xf32, #tpu.memory_space<vmem>>, vector<1x16xf32>,
      %get3A_531 = vector.shape_cast %get3A_530 : vector<1x16xf32> to vector<16xf32>
      %get3A_532 = arith.index_cast %add3A_519 : i32 to index
      %get3A_533 = arith.constant 16 : index
      %get3A_534 = tpu.vector_load %arg9[%get3A_532, %get3A_533] {strides = array<i32>} : memref<256x32xf32, #tpu.memory_space<vmem>>, vector<1x16xf32>,
      %get3A_535 = vector.shape_cast %get3A_534 : vector<1x16xf32> to vector<16xf32>
      %mul3A_536 = arith.mulf %get3A_523, %get3A_531 : vector<16xf32>
      %mul3A_537 = arith.mulf %get3A_527, %get3A_535 : vector<16xf32>
      %add3A_538 = arith.addf %mul3A_536, %mul3A_537 : vector<16xf32>
      %add3A_539 = arith.constant 15 : i32
      %add3A_540 = arith.addi %mul3A_224, %add3A_539 : i32
      %get3A_541 = arith.index_cast %add3A_540 : i32 to index
      %get3A_542 = arith.constant 0 : index
      %get3A_543 = tpu.vector_load %arg8[%get3A_541, %get3A_542] {strides = array<i32>} : memref<256x32xf32, #tpu.memory_space<vmem>>, vector<1x16xf32>,
      %get3A_544 = vector.shape_cast %get3A_543 : vector<1x16xf32> to vector<16xf32>
      %get3A_545 = arith.index_cast %add3A_540 : i32 to index
      %get3A_546 = arith.constant 16 : index
      %get3A_547 = tpu.vector_load %arg8[%get3A_545, %get3A_546] {strides = array<i32>} : memref<256x32xf32, #tpu.memory_space<vmem>>, vector<1x16xf32>,
      %get3A_548 = vector.shape_cast %get3A_547 : vector<1x16xf32> to vector<16xf32>
      %get3A_549 = arith.index_cast %add3A_540 : i32 to index
      %get3A_550 = arith.constant 0 : index
      %get3A_551 = tpu.vector_load %arg9[%get3A_549, %get3A_550] {strides = array<i32>} : memref<256x32xf32, #tpu.memory_space<vmem>>, vector<1x16xf32>,
      %get3A_552 = vector.shape_cast %get3A_551 : vector<1x16xf32> to vector<16xf32>
      %get3A_553 = arith.index_cast %add3A_540 : i32 to index
      %get3A_554 = arith.constant 16 : index
      %get3A_555 = tpu.vector_load %arg9[%get3A_553, %get3A_554] {strides = array<i32>} : memref<256x32xf32, #tpu.memory_space<vmem>>, vector<1x16xf32>,
      %get3A_556 = vector.shape_cast %get3A_555 : vector<1x16xf32> to vector<16xf32>
      %mul3A_557 = arith.mulf %get3A_544, %get3A_552 : vector<16xf32>
      %mul3A_558 = arith.mulf %get3A_548, %get3A_556 : vector<16xf32>
      %add3A_559 = arith.addf %mul3A_557, %mul3A_558 : vector<16xf32>
      %and3A = arith.constant 8 : i32
      %and3A_560 = vector.broadcast %and3A : i32 to vector<16xi32>
      %and3A_561 = arith.andi %iota3A, %and3A_560 : vector<16xi32>
      %eq3A = arith.constant 0 : i32
      %eq3A_562 = vector.broadcast %eq3A : i32 to vector<16xi32>
      %eq3A_563 = arith.cmpi eq, %and3A_561, %eq3A_562 : vector<16xi32>
      %xor3A = arith.constant 8 : i32
      %xor3A_564 = vector.broadcast %xor3A : i32 to vector<16xi32>
      %xor3A_565 = arith.xori %iota3A, %xor3A_564 : vector<16xi32>
      %broadcast_in_dim3A = vector.shape_cast %xor3A_565 : vector<16xi32> to vector<16x1xi32>
      %gather3A = vector.shape_cast %broadcast_in_dim3A : vector<16x1xi32> to vector<16xi32>
      %gather3A_566 = tpu.dynamic_gather %add3A_244[%gather3A] in [0] : vector<16xf32>, vector<16xi32> -> vector<16xf32>
      %add3A_567 = arith.addf %add3A_244, %gather3A_566 : vector<16xf32>
      %broadcast_in_dim3A_568 = vector.shape_cast %xor3A_565 : vector<16xi32> to vector<16x1xi32>
      %gather3A_569 = vector.shape_cast %broadcast_in_dim3A_568 : vector<16x1xi32> to vector<16xi32>
      %gather3A_570 = tpu.dynamic_gather %add3A_265[%gather3A_569] in [0] : vector<16xf32>, vector<16xi32> -> vector<16xf32>
      %add3A_571 = arith.addf %add3A_265, %gather3A_570 : vector<16xf32>
      %select_n3A = arith.select %eq3A_563, %add3A_567, %add3A_571 : vector<16xi1>, vector<16xf32>
      %broadcast_in_dim3A_572 = vector.shape_cast %xor3A_565 : vector<16xi32> to vector<16x1xi32>
      %gather3A_573 = vector.shape_cast %broadcast_in_dim3A_572 : vector<16x1xi32> to vector<16xi32>
      %gather3A_574 = tpu.dynamic_gather %add3A_286[%gather3A_573] in [0] : vector<16xf32>, vector<16xi32> -> vector<16xf32>
      %add3A_575 = arith.addf %add3A_286, %gather3A_574 : vector<16xf32>
      %broadcast_in_dim3A_576 = vector.shape_cast %xor3A_565 : vector<16xi32> to vector<16x1xi32>
      %gather3A_577 = vector.shape_cast %broadcast_in_dim3A_576 : vector<16x1xi32> to vector<16xi32>
      %gather3A_578 = tpu.dynamic_gather %add3A_307[%gather3A_577] in [0] : vector<16xf32>, vector<16xi32> -> vector<16xf32>
      %add3A_579 = arith.addf %add3A_307, %gather3A_578 : vector<16xf32>
      %select_n3A_580 = arith.select %eq3A_563, %add3A_575, %add3A_579 : vector<16xi1>, vector<16xf32>
      %broadcast_in_dim3A_581 = vector.shape_cast %xor3A_565 : vector<16xi32> to vector<16x1xi32>
      %gather3A_582 = vector.shape_cast %broadcast_in_dim3A_581 : vector<16x1xi32> to vector<16xi32>
      %gather3A_583 = tpu.dynamic_gather %add3A_328[%gather3A_582] in [0] : vector<16xf32>, vector<16xi32> -> vector<16xf32>
      %add3A_584 = arith.addf %add3A_328, %gather3A_583 : vector<16xf32>
      %broadcast_in_dim3A_585 = vector.shape_cast %xor3A_565 : vector<16xi32> to vector<16x1xi32>
      %gather3A_586 = vector.shape_cast %broadcast_in_dim3A_585 : vector<16x1xi32> to vector<16xi32>
      %gather3A_587 = tpu.dynamic_gather %add3A_349[%gather3A_586] in [0] : vector<16xf32>, vector<16xi32> -> vector<16xf32>
      %add3A_588 = arith.addf %add3A_349, %gather3A_587 : vector<16xf32>
      %select_n3A_589 = arith.select %eq3A_563, %add3A_584, %add3A_588 : vector<16xi1>, vector<16xf32>
      %broadcast_in_dim3A_590 = vector.shape_cast %xor3A_565 : vector<16xi32> to vector<16x1xi32>
      %gather3A_591 = vector.shape_cast %broadcast_in_dim3A_590 : vector<16x1xi32> to vector<16xi32>
      %gather3A_592 = tpu.dynamic_gather %add3A_370[%gather3A_591] in [0] : vector<16xf32>, vector<16xi32> -> vector<16xf32>
      %add3A_593 = arith.addf %add3A_370, %gather3A_592 : vector<16xf32>
      %broadcast_in_dim3A_594 = vector.shape_cast %xor3A_565 : vector<16xi32> to vector<16x1xi32>
      %gather3A_595 = vector.shape_cast %broadcast_in_dim3A_594 : vector<16x1xi32> to vector<16xi32>
      %gather3A_596 = tpu.dynamic_gather %add3A_391[%gather3A_595] in [0] : vector<16xf32>, vector<16xi32> -> vector<16xf32>
      %add3A_597 = arith.addf %add3A_391, %gather3A_596 : vector<16xf32>
      %select_n3A_598 = arith.select %eq3A_563, %add3A_593, %add3A_597 : vector<16xi1>, vector<16xf32>
      %broadcast_in_dim3A_599 = vector.shape_cast %xor3A_565 : vector<16xi32> to vector<16x1xi32>
      %gather3A_600 = vector.shape_cast %broadcast_in_dim3A_599 : vector<16x1xi32> to vector<16xi32>
      %gather3A_601 = tpu.dynamic_gather %add3A_412[%gather3A_600] in [0] : vector<16xf32>, vector<16xi32> -> vector<16xf32>
      %add3A_602 = arith.addf %add3A_412, %gather3A_601 : vector<16xf32>
      %broadcast_in_dim3A_603 = vector.shape_cast %xor3A_565 : vector<16xi32> to vector<16x1xi32>
      %gather3A_604 = vector.shape_cast %broadcast_in_dim3A_603 : vector<16x1xi32> to vector<16xi32>
      %gather3A_605 = tpu.dynamic_gather %add3A_433[%gather3A_604] in [0] : vector<16xf32>, vector<16xi32> -> vector<16xf32>
      %add3A_606 = arith.addf %add3A_433, %gather3A_605 : vector<16xf32>
      %select_n3A_607 = arith.select %eq3A_563, %add3A_602, %add3A_606 : vector<16xi1>, vector<16xf32>
      %broadcast_in_dim3A_608 = vector.shape_cast %xor3A_565 : vector<16xi32> to vector<16x1xi32>
      %gather3A_609 = vector.shape_cast %broadcast_in_dim3A_608 : vector<16x1xi32> to vector<16xi32>
      %gather3A_610 = tpu.dynamic_gather %add3A_454[%gather3A_609] in [0] : vector<16xf32>, vector<16xi32> -> vector<16xf32>
      %add3A_611 = arith.addf %add3A_454, %gather3A_610 : vector<16xf32>
      %broadcast_in_dim3A_612 = vector.shape_cast %xor3A_565 : vector<16xi32> to vector<16x1xi32>
      %gather3A_613 = vector.shape_cast %broadcast_in_dim3A_612 : vector<16x1xi32> to vector<16xi32>
      %gather3A_614 = tpu.dynamic_gather %add3A_475[%gather3A_613] in [0] : vector<16xf32>, vector<16xi32> -> vector<16xf32>
      %add3A_615 = arith.addf %add3A_475, %gather3A_614 : vector<16xf32>
      %select_n3A_616 = arith.select %eq3A_563, %add3A_611, %add3A_615 : vector<16xi1>, vector<16xf32>
      %broadcast_in_dim3A_617 = vector.shape_cast %xor3A_565 : vector<16xi32> to vector<16x1xi32>
      %gather3A_618 = vector.shape_cast %broadcast_in_dim3A_617 : vector<16x1xi32> to vector<16xi32>
      %gather3A_619 = tpu.dynamic_gather %add3A_496[%gather3A_618] in [0] : vector<16xf32>, vector<16xi32> -> vector<16xf32>
      %add3A_620 = arith.addf %add3A_496, %gather3A_619 : vector<16xf32>
      %broadcast_in_dim3A_621 = vector.shape_cast %xor3A_565 : vector<16xi32> to vector<16x1xi32>
      %gather3A_622 = vector.shape_cast %broadcast_in_dim3A_621 : vector<16x1xi32> to vector<16xi32>
      %gather3A_623 = tpu.dynamic_gather %add3A_517[%gather3A_622] in [0] : vector<16xf32>, vector<16xi32> -> vector<16xf32>
      %add3A_624 = arith.addf %add3A_517, %gather3A_623 : vector<16xf32>
      %select_n3A_625 = arith.select %eq3A_563, %add3A_620, %add3A_624 : vector<16xi1>, vector<16xf32>
      %broadcast_in_dim3A_626 = vector.shape_cast %xor3A_565 : vector<16xi32> to vector<16x1xi32>
      %gather3A_627 = vector.shape_cast %broadcast_in_dim3A_626 : vector<16x1xi32> to vector<16xi32>
      %gather3A_628 = tpu.dynamic_gather %add3A_538[%gather3A_627] in [0] : vector<16xf32>, vector<16xi32> -> vector<16xf32>
      %add3A_629 = arith.addf %add3A_538, %gather3A_628 : vector<16xf32>
      %broadcast_in_dim3A_630 = vector.shape_cast %xor3A_565 : vector<16xi32> to vector<16x1xi32>
      %gather3A_631 = vector.shape_cast %broadcast_in_dim3A_630 : vector<16x1xi32> to vector<16xi32>
      %gather3A_632 = tpu.dynamic_gather %add3A_559[%gather3A_631] in [0] : vector<16xf32>, vector<16xi32> -> vector<16xf32>
      %add3A_633 = arith.addf %add3A_559, %gather3A_632 : vector<16xf32>
      %select_n3A_634 = arith.select %eq3A_563, %add3A_629, %add3A_633 : vector<16xi1>, vector<16xf32>
      %and3A_635 = arith.constant 4 : i32
      %and3A_636 = vector.broadcast %and3A_635 : i32 to vector<16xi32>
      %and3A_637 = arith.andi %iota3A, %and3A_636 : vector<16xi32>
      %eq3A_638 = arith.constant 0 : i32
      %eq3A_639 = vector.broadcast %eq3A_638 : i32 to vector<16xi32>
      %eq3A_640 = arith.cmpi eq, %and3A_637, %eq3A_639 : vector<16xi32>
      %xor3A_641 = arith.constant 4 : i32
      %xor3A_642 = vector.broadcast %xor3A_641 : i32 to vector<16xi32>
      %xor3A_643 = arith.xori %iota3A, %xor3A_642 : vector<16xi32>
      %broadcast_in_dim3A_644 = vector.shape_cast %xor3A_643 : vector<16xi32> to vector<16x1xi32>
      %gather3A_645 = vector.shape_cast %broadcast_in_dim3A_644 : vector<16x1xi32> to vector<16xi32>
      %gather3A_646 = tpu.dynamic_gather %select_n3A[%gather3A_645] in [0] : vector<16xf32>, vector<16xi32> -> vector<16xf32>
      %add3A_647 = arith.addf %select_n3A, %gather3A_646 : vector<16xf32>
      %broadcast_in_dim3A_648 = vector.shape_cast %xor3A_643 : vector<16xi32> to vector<16x1xi32>
      %gather3A_649 = vector.shape_cast %broadcast_in_dim3A_648 : vector<16x1xi32> to vector<16xi32>
      %gather3A_650 = tpu.dynamic_gather %select_n3A_580[%gather3A_649] in [0] : vector<16xf32>, vector<16xi32> -> vector<16xf32>
      %add3A_651 = arith.addf %select_n3A_580, %gather3A_650 : vector<16xf32>
      %select_n3A_652 = arith.select %eq3A_640, %add3A_647, %add3A_651 : vector<16xi1>, vector<16xf32>
      %broadcast_in_dim3A_653 = vector.shape_cast %xor3A_643 : vector<16xi32> to vector<16x1xi32>
      %gather3A_654 = vector.shape_cast %broadcast_in_dim3A_653 : vector<16x1xi32> to vector<16xi32>
      %gather3A_655 = tpu.dynamic_gather %select_n3A_589[%gather3A_654] in [0] : vector<16xf32>, vector<16xi32> -> vector<16xf32>
      %add3A_656 = arith.addf %select_n3A_589, %gather3A_655 : vector<16xf32>
      %broadcast_in_dim3A_657 = vector.shape_cast %xor3A_643 : vector<16xi32> to vector<16x1xi32>
      %gather3A_658 = vector.shape_cast %broadcast_in_dim3A_657 : vector<16x1xi32> to vector<16xi32>
      %gather3A_659 = tpu.dynamic_gather %select_n3A_598[%gather3A_658] in [0] : vector<16xf32>, vector<16xi32> -> vector<16xf32>
      %add3A_660 = arith.addf %select_n3A_598, %gather3A_659 : vector<16xf32>
      %select_n3A_661 = arith.select %eq3A_640, %add3A_656, %add3A_660 : vector<16xi1>, vector<16xf32>
      %broadcast_in_dim3A_662 = vector.shape_cast %xor3A_643 : vector<16xi32> to vector<16x1xi32>
      %gather3A_663 = vector.shape_cast %broadcast_in_dim3A_662 : vector<16x1xi32> to vector<16xi32>
      %gather3A_664 = tpu.dynamic_gather %select_n3A_607[%gather3A_663] in [0] : vector<16xf32>, vector<16xi32> -> vector<16xf32>
      %add3A_665 = arith.addf %select_n3A_607, %gather3A_664 : vector<16xf32>
      %broadcast_in_dim3A_666 = vector.shape_cast %xor3A_643 : vector<16xi32> to vector<16x1xi32>
      %gather3A_667 = vector.shape_cast %broadcast_in_dim3A_666 : vector<16x1xi32> to vector<16xi32>
      %gather3A_668 = tpu.dynamic_gather %select_n3A_616[%gather3A_667] in [0] : vector<16xf32>, vector<16xi32> -> vector<16xf32>
      %add3A_669 = arith.addf %select_n3A_616, %gather3A_668 : vector<16xf32>
      %select_n3A_670 = arith.select %eq3A_640, %add3A_665, %add3A_669 : vector<16xi1>, vector<16xf32>
      %broadcast_in_dim3A_671 = vector.shape_cast %xor3A_643 : vector<16xi32> to vector<16x1xi32>
      %gather3A_672 = vector.shape_cast %broadcast_in_dim3A_671 : vector<16x1xi32> to vector<16xi32>
      %gather3A_673 = tpu.dynamic_gather %select_n3A_625[%gather3A_672] in [0] : vector<16xf32>, vector<16xi32> -> vector<16xf32>
      %add3A_674 = arith.addf %select_n3A_625, %gather3A_673 : vector<16xf32>
      %broadcast_in_dim3A_675 = vector.shape_cast %xor3A_643 : vector<16xi32> to vector<16x1xi32>
      %gather3A_676 = vector.shape_cast %broadcast_in_dim3A_675 : vector<16x1xi32> to vector<16xi32>
      %gather3A_677 = tpu.dynamic_gather %select_n3A_634[%gather3A_676] in [0] : vector<16xf32>, vector<16xi32> -> vector<16xf32>
      %add3A_678 = arith.addf %select_n3A_634, %gather3A_677 : vector<16xf32>
      %select_n3A_679 = arith.select %eq3A_640, %add3A_674, %add3A_678 : vector<16xi1>, vector<16xf32>
      %and3A_680 = arith.constant 2 : i32
      %and3A_681 = vector.broadcast %and3A_680 : i32 to vector<16xi32>
      %and3A_682 = arith.andi %iota3A, %and3A_681 : vector<16xi32>
      %eq3A_683 = arith.constant 0 : i32
      %eq3A_684 = vector.broadcast %eq3A_683 : i32 to vector<16xi32>
      %eq3A_685 = arith.cmpi eq, %and3A_682, %eq3A_684 : vector<16xi32>
      %xor3A_686 = arith.constant 2 : i32
      %xor3A_687 = vector.broadcast %xor3A_686 : i32 to vector<16xi32>
      %xor3A_688 = arith.xori %iota3A, %xor3A_687 : vector<16xi32>
      %broadcast_in_dim3A_689 = vector.shape_cast %xor3A_688 : vector<16xi32> to vector<16x1xi32>
      %gather3A_690 = vector.shape_cast %broadcast_in_dim3A_689 : vector<16x1xi32> to vector<16xi32>
      %gather3A_691 = tpu.dynamic_gather %select_n3A_652[%gather3A_690] in [0] : vector<16xf32>, vector<16xi32> -> vector<16xf32>
      %add3A_692 = arith.addf %select_n3A_652, %gather3A_691 : vector<16xf32>
      %broadcast_in_dim3A_693 = vector.shape_cast %xor3A_688 : vector<16xi32> to vector<16x1xi32>
      %gather3A_694 = vector.shape_cast %broadcast_in_dim3A_693 : vector<16x1xi32> to vector<16xi32>
      %gather3A_695 = tpu.dynamic_gather %select_n3A_661[%gather3A_694] in [0] : vector<16xf32>, vector<16xi32> -> vector<16xf32>
      %add3A_696 = arith.addf %select_n3A_661, %gather3A_695 : vector<16xf32>
      %select_n3A_697 = arith.select %eq3A_685, %add3A_692, %add3A_696 : vector<16xi1>, vector<16xf32>
      %broadcast_in_dim3A_698 = vector.shape_cast %xor3A_688 : vector<16xi32> to vector<16x1xi32>
      %gather3A_699 = vector.shape_cast %broadcast_in_dim3A_698 : vector<16x1xi32> to vector<16xi32>
      %gather3A_700 = tpu.dynamic_gather %select_n3A_670[%gather3A_699] in [0] : vector<16xf32>, vector<16xi32> -> vector<16xf32>
      %add3A_701 = arith.addf %select_n3A_670, %gather3A_700 : vector<16xf32>
      %broadcast_in_dim3A_702 = vector.shape_cast %xor3A_688 : vector<16xi32> to vector<16x1xi32>
      %gather3A_703 = vector.shape_cast %broadcast_in_dim3A_702 : vector<16x1xi32> to vector<16xi32>
      %gather3A_704 = tpu.dynamic_gather %select_n3A_679[%gather3A_703] in [0] : vector<16xf32>, vector<16xi32> -> vector<16xf32>
      %add3A_705 = arith.addf %select_n3A_679, %gather3A_704 : vector<16xf32>
      %select_n3A_706 = arith.select %eq3A_685, %add3A_701, %add3A_705 : vector<16xi1>, vector<16xf32>
      %and3A_707 = arith.constant 1 : i32
      %and3A_708 = vector.broadcast %and3A_707 : i32 to vector<16xi32>
      %and3A_709 = arith.andi %iota3A, %and3A_708 : vector<16xi32>
      %eq3A_710 = arith.constant 0 : i32
      %eq3A_711 = vector.broadcast %eq3A_710 : i32 to vector<16xi32>
      %eq3A_712 = arith.cmpi eq, %and3A_709, %eq3A_711 : vector<16xi32>
      %xor3A_713 = arith.constant 1 : i32
      %xor3A_714 = vector.broadcast %xor3A_713 : i32 to vector<16xi32>
      %xor3A_715 = arith.xori %iota3A, %xor3A_714 : vector<16xi32>
      %broadcast_in_dim3A_716 = vector.shape_cast %xor3A_715 : vector<16xi32> to vector<16x1xi32>
      %gather3A_717 = vector.shape_cast %broadcast_in_dim3A_716 : vector<16x1xi32> to vector<16xi32>
      %gather3A_718 = tpu.dynamic_gather %select_n3A_697[%gather3A_717] in [0] : vector<16xf32>, vector<16xi32> -> vector<16xf32>
      %add3A_719 = arith.addf %select_n3A_697, %gather3A_718 : vector<16xf32>
      %broadcast_in_dim3A_720 = vector.shape_cast %xor3A_715 : vector<16xi32> to vector<16x1xi32>
      %gather3A_721 = vector.shape_cast %broadcast_in_dim3A_720 : vector<16x1xi32> to vector<16xi32>
      %gather3A_722 = tpu.dynamic_gather %select_n3A_706[%gather3A_721] in [0] : vector<16xf32>, vector<16xi32> -> vector<16xf32>
      %add3A_723 = arith.addf %select_n3A_706, %gather3A_722 : vector<16xf32>
      %select_n3A_724 = arith.select %eq3A_712, %add3A_719, %add3A_723 : vector<16xi1>, vector<16xf32>
      %add3A_725 = arith.constant 0 : i32
      %add3A_726 = arith.addi %add3A_725, %mul3A_224 : i32
      %swap3A = arith.index_cast %add3A_726 : i32 to index
      %swap3A_727 = tpu.vector_load %arg10[%swap3A] {strides = array<i32>} : memref<512xf32, #tpu.memory_space<vmem>>, vector<16xf32>,
      %swap3A_728 = vector.shape_cast %swap3A_727 : vector<16xf32> to vector<16xf32>
      %swap3A_729 = vector.shape_cast %select_n3A_724 : vector<16xf32> to vector<16xf32>
      tpu.vector_store %arg10[%swap3A], %swap3A_729 {strides = array<i32>} : memref<512xf32, #tpu.memory_space<vmem>>, vector<16xf32>,
      %scan3A_730 = arith.constant 0 : i32
      scf.yield %scan3A_730 : i32
    }
    %scan3A_110 = arith.constant 16 : i32
    %scan3A_111 = arith.constant 0 : i32
    %scan3A_112 = arith.constant 0 : i32
    %scan3A_113 = arith.constant 16 : i32
    %scan3A_114 = arith.addi %scan3A_112, %scan3A_113 : i32
    %scan3A_115 = arith.constant 1 : i32
    %scan3A_116 = scf.for %scan3A_221 = %scan3A_112 to %scan3A_114 step %scan3A_115 iter_args(%scan3A_222 = %scan3A_111) -> (i32)  : i32 {
      %mul3A_223 = arith.constant 16 : i32
      %mul3A_224 = arith.muli %scan3A_221, %mul3A_223 : i32
      %add3A_225 = arith.constant 256 : i32
      %add3A_226 = arith.addi %add3A_225, %mul3A_224 : i32
      %get3A = arith.index_cast %add3A_226 : i32 to index
      %get3A_227 = tpu.vector_load %arg6[%get3A] {strides = array<i32>} : memref<512xi32, #tpu.memory_space<vmem>>, vector<16xi32>,
      %get3A_228 = vector.shape_cast %get3A_227 : vector<16xi32> to vector<16xi32>
      %add3A_229 = arith.constant 256 : i32
      %add3A_230 = arith.addi %add3A_229, %mul3A_224 : i32
      %get3A_231 = arith.index_cast %add3A_230 : i32 to index
      %get3A_232 = tpu.vector_load %arg7[%get3A_231] {strides = array<i32>} : memref<512xi32, #tpu.memory_space<vmem>>, vector<16xi32>,
      %get3A_233 = vector.shape_cast %get3A_232 : vector<16xi32> to vector<16xi32>
      %slice3A = vector.extract_strided_slice %get3A_228 {offsets = [0], sizes = [1], strides = [1]} : vector<16xi32> to vector<1xi32>
      %squeeze3A = vector.extract %slice3A[0] : i32 from vector<1xi32>
      %slice3A_234 = vector.extract_strided_slice %get3A_233 {offsets = [0], sizes = [1], strides = [1]} : vector<16xi32> to vector<1xi32>
      %squeeze3A_235 = vector.extract %slice3A_234[0] : i32 from vector<1xi32>
      %add3A_236 = arith.constant 0 : i32
      %add3A_237 = arith.addi %mul3A_224, %add3A_236 : i32
      %dma_start3A = arith.constant 0 : i32
      %dma_start3A_238 = tpu.memref_slice %arg8[%add3A_237, %dma_start3A] : memref<256x32xf32, #tpu.memory_space<vmem>> -> memref<1x32xf32, #tpu.memory_space<vmem>>
      %dma_start3A_239 = arith.constant 0 : i32
      %dma_start3A_240 = tpu.memref_slice %arg4[%squeeze3A, %dma_start3A_239] : memref<1000000x32xf32, #tpu.memory_space<hbm>> -> memref<1x32xf32, #tpu.memory_space<hbm>>
      %dma_start3A_241 = arith.constant 0 : i32
      %dma_start3A_242 = tpu.memref_slice %arg8[%add3A_237, %dma_start3A_241] : memref<256x32xf32, #tpu.memory_space<vmem>> -> memref<1x32xf32, #tpu.memory_space<vmem>>
      %dma_start3A_243 = arith.constant 0 : i32
      %dma_start3A_244 = tpu.memref_slice %arg4[%squeeze3A, %dma_start3A_243] : memref<1000000x32xf32, #tpu.memory_space<hbm>> -> memref<1x32xf32, #tpu.memory_space<hbm>>
      tpu.enqueue_dma source(%dma_start3A_244 : memref<1x32xf32, #tpu.memory_space<hbm>>) target(%dma_start3A_242 : memref<1x32xf32, #tpu.memory_space<vmem>>) target_semaphore(%arg11 : memref<!tpu.dma_semaphore, #tpu.memory_space<semaphore_mem>>)
      %add3A_245 = arith.constant 0 : i32
      %add3A_246 = arith.addi %mul3A_224, %add3A_245 : i32
      %dma_start3A_247 = arith.constant 0 : i32
      %dma_start3A_248 = tpu.memref_slice %arg9[%add3A_246, %dma_start3A_247] : memref<256x32xf32, #tpu.memory_space<vmem>> -> memref<1x32xf32, #tpu.memory_space<vmem>>
      %dma_start3A_249 = arith.constant 0 : i32
      %dma_start3A_250 = tpu.memref_slice %arg4[%squeeze3A_235, %dma_start3A_249] : memref<1000000x32xf32, #tpu.memory_space<hbm>> -> memref<1x32xf32, #tpu.memory_space<hbm>>
      %dma_start3A_251 = arith.constant 0 : i32
      %dma_start3A_252 = tpu.memref_slice %arg9[%add3A_246, %dma_start3A_251] : memref<256x32xf32, #tpu.memory_space<vmem>> -> memref<1x32xf32, #tpu.memory_space<vmem>>
      %dma_start3A_253 = arith.constant 0 : i32
      %dma_start3A_254 = tpu.memref_slice %arg4[%squeeze3A_235, %dma_start3A_253] : memref<1000000x32xf32, #tpu.memory_space<hbm>> -> memref<1x32xf32, #tpu.memory_space<hbm>>
      tpu.enqueue_dma source(%dma_start3A_254 : memref<1x32xf32, #tpu.memory_space<hbm>>) target(%dma_start3A_252 : memref<1x32xf32, #tpu.memory_space<vmem>>) target_semaphore(%arg12 : memref<!tpu.dma_semaphore, #tpu.memory_space<semaphore_mem>>)
      %slice3A_255 = vector.extract_strided_slice %get3A_228 {offsets = [1], sizes = [1], strides = [1]} : vector<16xi32> to vector<1xi32>
      %squeeze3A_256 = vector.extract %slice3A_255[0] : i32 from vector<1xi32>
      %slice3A_257 = vector.extract_strided_slice %get3A_233 {offsets = [1], sizes = [1], strides = [1]} : vector<16xi32> to vector<1xi32>
      %squeeze3A_258 = vector.extract %slice3A_257[0] : i32 from vector<1xi32>
      %add3A_259 = arith.constant 1 : i32
      %add3A_260 = arith.addi %mul3A_224, %add3A_259 : i32
      %dma_start3A_261 = arith.constant 0 : i32
      %dma_start3A_262 = tpu.memref_slice %arg8[%add3A_260, %dma_start3A_261] : memref<256x32xf32, #tpu.memory_space<vmem>> -> memref<1x32xf32, #tpu.memory_space<vmem>>
      %dma_start3A_263 = arith.constant 0 : i32
      %dma_start3A_264 = tpu.memref_slice %arg4[%squeeze3A_256, %dma_start3A_263] : memref<1000000x32xf32, #tpu.memory_space<hbm>> -> memref<1x32xf32, #tpu.memory_space<hbm>>
      %dma_start3A_265 = arith.constant 0 : i32
      %dma_start3A_266 = tpu.memref_slice %arg8[%add3A_260, %dma_start3A_265] : memref<256x32xf32, #tpu.memory_space<vmem>> -> memref<1x32xf32, #tpu.memory_space<vmem>>
      %dma_start3A_267 = arith.constant 0 : i32
      %dma_start3A_268 = tpu.memref_slice %arg4[%squeeze3A_256, %dma_start3A_267] : memref<1000000x32xf32, #tpu.memory_space<hbm>> -> memref<1x32xf32, #tpu.memory_space<hbm>>
      tpu.enqueue_dma source(%dma_start3A_268 : memref<1x32xf32, #tpu.memory_space<hbm>>) target(%dma_start3A_266 : memref<1x32xf32, #tpu.memory_space<vmem>>) target_semaphore(%arg12 : memref<!tpu.dma_semaphore, #tpu.memory_space<semaphore_mem>>)
      %add3A_269 = arith.constant 1 : i32
      %add3A_270 = arith.addi %mul3A_224, %add3A_269 : i32
      %dma_start3A_271 = arith.constant 0 : i32
      %dma_start3A_272 = tpu.memref_slice %arg9[%add3A_270, %dma_start3A_271] : memref<256x32xf32, #tpu.memory_space<vmem>> -> memref<1x32xf32, #tpu.memory_space<vmem>>
      %dma_start3A_273 = arith.constant 0 : i32
      %dma_start3A_274 = tpu.memref_slice %arg4[%squeeze3A_258, %dma_start3A_273] : memref<1000000x32xf32, #tpu.memory_space<hbm>> -> memref<1x32xf32, #tpu.memory_space<hbm>>
      %dma_start3A_275 = arith.constant 0 : i32
      %dma_start3A_276 = tpu.memref_slice %arg9[%add3A_270, %dma_start3A_275] : memref<256x32xf32, #tpu.memory_space<vmem>> -> memref<1x32xf32, #tpu.memory_space<vmem>>
      %dma_start3A_277 = arith.constant 0 : i32
      %dma_start3A_278 = tpu.memref_slice %arg4[%squeeze3A_258, %dma_start3A_277] : memref<1000000x32xf32, #tpu.memory_space<hbm>> -> memref<1x32xf32, #tpu.memory_space<hbm>>
      tpu.enqueue_dma source(%dma_start3A_278 : memref<1x32xf32, #tpu.memory_space<hbm>>) target(%dma_start3A_276 : memref<1x32xf32, #tpu.memory_space<vmem>>) target_semaphore(%arg13 : memref<!tpu.dma_semaphore, #tpu.memory_space<semaphore_mem>>)
      %slice3A_279 = vector.extract_strided_slice %get3A_228 {offsets = [2], sizes = [1], strides = [1]} : vector<16xi32> to vector<1xi32>
      %squeeze3A_280 = vector.extract %slice3A_279[0] : i32 from vector<1xi32>
      %slice3A_281 = vector.extract_strided_slice %get3A_233 {offsets = [2], sizes = [1], strides = [1]} : vector<16xi32> to vector<1xi32>
      %squeeze3A_282 = vector.extract %slice3A_281[0] : i32 from vector<1xi32>
      %add3A_283 = arith.constant 2 : i32
      %add3A_284 = arith.addi %mul3A_224, %add3A_283 : i32
      %dma_start3A_285 = arith.constant 0 : i32
      %dma_start3A_286 = tpu.memref_slice %arg8[%add3A_284, %dma_start3A_285] : memref<256x32xf32, #tpu.memory_space<vmem>> -> memref<1x32xf32, #tpu.memory_space<vmem>>
      %dma_start3A_287 = arith.constant 0 : i32
      %dma_start3A_288 = tpu.memref_slice %arg4[%squeeze3A_280, %dma_start3A_287] : memref<1000000x32xf32, #tpu.memory_space<hbm>> -> memref<1x32xf32, #tpu.memory_space<hbm>>
      %dma_start3A_289 = arith.constant 0 : i32
      %dma_start3A_290 = tpu.memref_slice %arg8[%add3A_284, %dma_start3A_289] : memref<256x32xf32, #tpu.memory_space<vmem>> -> memref<1x32xf32, #tpu.memory_space<vmem>>
      %dma_start3A_291 = arith.constant 0 : i32
      %dma_start3A_292 = tpu.memref_slice %arg4[%squeeze3A_280, %dma_start3A_291] : memref<1000000x32xf32, #tpu.memory_space<hbm>> -> memref<1x32xf32, #tpu.memory_space<hbm>>
      tpu.enqueue_dma source(%dma_start3A_292 : memref<1x32xf32, #tpu.memory_space<hbm>>) target(%dma_start3A_290 : memref<1x32xf32, #tpu.memory_space<vmem>>) target_semaphore(%arg13 : memref<!tpu.dma_semaphore, #tpu.memory_space<semaphore_mem>>)
      %add3A_293 = arith.constant 2 : i32
      %add3A_294 = arith.addi %mul3A_224, %add3A_293 : i32
      %dma_start3A_295 = arith.constant 0 : i32
      %dma_start3A_296 = tpu.memref_slice %arg9[%add3A_294, %dma_start3A_295] : memref<256x32xf32, #tpu.memory_space<vmem>> -> memref<1x32xf32, #tpu.memory_space<vmem>>
      %dma_start3A_297 = arith.constant 0 : i32
      %dma_start3A_298 = tpu.memref_slice %arg4[%squeeze3A_282, %dma_start3A_297] : memref<1000000x32xf32, #tpu.memory_space<hbm>> -> memref<1x32xf32, #tpu.memory_space<hbm>>
      %dma_start3A_299 = arith.constant 0 : i32
      %dma_start3A_300 = tpu.memref_slice %arg9[%add3A_294, %dma_start3A_299] : memref<256x32xf32, #tpu.memory_space<vmem>> -> memref<1x32xf32, #tpu.memory_space<vmem>>
      %dma_start3A_301 = arith.constant 0 : i32
      %dma_start3A_302 = tpu.memref_slice %arg4[%squeeze3A_282, %dma_start3A_301] : memref<1000000x32xf32, #tpu.memory_space<hbm>> -> memref<1x32xf32, #tpu.memory_space<hbm>>
      tpu.enqueue_dma source(%dma_start3A_302 : memref<1x32xf32, #tpu.memory_space<hbm>>) target(%dma_start3A_300 : memref<1x32xf32, #tpu.memory_space<vmem>>) target_semaphore(%arg14 : memref<!tpu.dma_semaphore, #tpu.memory_space<semaphore_mem>>)
      %slice3A_303 = vector.extract_strided_slice %get3A_228 {offsets = [3], sizes = [1], strides = [1]} : vector<16xi32> to vector<1xi32>
      %squeeze3A_304 = vector.extract %slice3A_303[0] : i32 from vector<1xi32>
      %slice3A_305 = vector.extract_strided_slice %get3A_233 {offsets = [3], sizes = [1], strides = [1]} : vector<16xi32> to vector<1xi32>
      %squeeze3A_306 = vector.extract %slice3A_305[0] : i32 from vector<1xi32>
      %add3A_307 = arith.constant 3 : i32
      %add3A_308 = arith.addi %mul3A_224, %add3A_307 : i32
      %dma_start3A_309 = arith.constant 0 : i32
      %dma_start3A_310 = tpu.memref_slice %arg8[%add3A_308, %dma_start3A_309] : memref<256x32xf32, #tpu.memory_space<vmem>> -> memref<1x32xf32, #tpu.memory_space<vmem>>
      %dma_start3A_311 = arith.constant 0 : i32
      %dma_start3A_312 = tpu.memref_slice %arg4[%squeeze3A_304, %dma_start3A_311] : memref<1000000x32xf32, #tpu.memory_space<hbm>> -> memref<1x32xf32, #tpu.memory_space<hbm>>
      %dma_start3A_313 = arith.constant 0 : i32
      %dma_start3A_314 = tpu.memref_slice %arg8[%add3A_308, %dma_start3A_313] : memref<256x32xf32, #tpu.memory_space<vmem>> -> memref<1x32xf32, #tpu.memory_space<vmem>>
      %dma_start3A_315 = arith.constant 0 : i32
      %dma_start3A_316 = tpu.memref_slice %arg4[%squeeze3A_304, %dma_start3A_315] : memref<1000000x32xf32, #tpu.memory_space<hbm>> -> memref<1x32xf32, #tpu.memory_space<hbm>>
      tpu.enqueue_dma source(%dma_start3A_316 : memref<1x32xf32, #tpu.memory_space<hbm>>) target(%dma_start3A_314 : memref<1x32xf32, #tpu.memory_space<vmem>>) target_semaphore(%arg14 : memref<!tpu.dma_semaphore, #tpu.memory_space<semaphore_mem>>)
      %add3A_317 = arith.constant 3 : i32
      %add3A_318 = arith.addi %mul3A_224, %add3A_317 : i32
      %dma_start3A_319 = arith.constant 0 : i32
      %dma_start3A_320 = tpu.memref_slice %arg9[%add3A_318, %dma_start3A_319] : memref<256x32xf32, #tpu.memory_space<vmem>> -> memref<1x32xf32, #tpu.memory_space<vmem>>
      %dma_start3A_321 = arith.constant 0 : i32
      %dma_start3A_322 = tpu.memref_slice %arg4[%squeeze3A_306, %dma_start3A_321] : memref<1000000x32xf32, #tpu.memory_space<hbm>> -> memref<1x32xf32, #tpu.memory_space<hbm>>
      %dma_start3A_323 = arith.constant 0 : i32
      %dma_start3A_324 = tpu.memref_slice %arg9[%add3A_318, %dma_start3A_323] : memref<256x32xf32, #tpu.memory_space<vmem>> -> memref<1x32xf32, #tpu.memory_space<vmem>>
      %dma_start3A_325 = arith.constant 0 : i32
      %dma_start3A_326 = tpu.memref_slice %arg4[%squeeze3A_306, %dma_start3A_325] : memref<1000000x32xf32, #tpu.memory_space<hbm>> -> memref<1x32xf32, #tpu.memory_space<hbm>>
      tpu.enqueue_dma source(%dma_start3A_326 : memref<1x32xf32, #tpu.memory_space<hbm>>) target(%dma_start3A_324 : memref<1x32xf32, #tpu.memory_space<vmem>>) target_semaphore(%arg15 : memref<!tpu.dma_semaphore, #tpu.memory_space<semaphore_mem>>)
      %slice3A_327 = vector.extract_strided_slice %get3A_228 {offsets = [4], sizes = [1], strides = [1]} : vector<16xi32> to vector<1xi32>
      %squeeze3A_328 = vector.extract %slice3A_327[0] : i32 from vector<1xi32>
      %slice3A_329 = vector.extract_strided_slice %get3A_233 {offsets = [4], sizes = [1], strides = [1]} : vector<16xi32> to vector<1xi32>
      %squeeze3A_330 = vector.extract %slice3A_329[0] : i32 from vector<1xi32>
      %add3A_331 = arith.constant 4 : i32
      %add3A_332 = arith.addi %mul3A_224, %add3A_331 : i32
      %dma_start3A_333 = arith.constant 0 : i32
      %dma_start3A_334 = tpu.memref_slice %arg8[%add3A_332, %dma_start3A_333] : memref<256x32xf32, #tpu.memory_space<vmem>> -> memref<1x32xf32, #tpu.memory_space<vmem>>
      %dma_start3A_335 = arith.constant 0 : i32
      %dma_start3A_336 = tpu.memref_slice %arg4[%squeeze3A_328, %dma_start3A_335] : memref<1000000x32xf32, #tpu.memory_space<hbm>> -> memref<1x32xf32, #tpu.memory_space<hbm>>
      %dma_start3A_337 = arith.constant 0 : i32
      %dma_start3A_338 = tpu.memref_slice %arg8[%add3A_332, %dma_start3A_337] : memref<256x32xf32, #tpu.memory_space<vmem>> -> memref<1x32xf32, #tpu.memory_space<vmem>>
      %dma_start3A_339 = arith.constant 0 : i32
      %dma_start3A_340 = tpu.memref_slice %arg4[%squeeze3A_328, %dma_start3A_339] : memref<1000000x32xf32, #tpu.memory_space<hbm>> -> memref<1x32xf32, #tpu.memory_space<hbm>>
      tpu.enqueue_dma source(%dma_start3A_340 : memref<1x32xf32, #tpu.memory_space<hbm>>) target(%dma_start3A_338 : memref<1x32xf32, #tpu.memory_space<vmem>>) target_semaphore(%arg15 : memref<!tpu.dma_semaphore, #tpu.memory_space<semaphore_mem>>)
      %add3A_341 = arith.constant 4 : i32
      %add3A_342 = arith.addi %mul3A_224, %add3A_341 : i32
      %dma_start3A_343 = arith.constant 0 : i32
      %dma_start3A_344 = tpu.memref_slice %arg9[%add3A_342, %dma_start3A_343] : memref<256x32xf32, #tpu.memory_space<vmem>> -> memref<1x32xf32, #tpu.memory_space<vmem>>
      %dma_start3A_345 = arith.constant 0 : i32
      %dma_start3A_346 = tpu.memref_slice %arg4[%squeeze3A_330, %dma_start3A_345] : memref<1000000x32xf32, #tpu.memory_space<hbm>> -> memref<1x32xf32, #tpu.memory_space<hbm>>
      %dma_start3A_347 = arith.constant 0 : i32
      %dma_start3A_348 = tpu.memref_slice %arg9[%add3A_342, %dma_start3A_347] : memref<256x32xf32, #tpu.memory_space<vmem>> -> memref<1x32xf32, #tpu.memory_space<vmem>>
      %dma_start3A_349 = arith.constant 0 : i32
      %dma_start3A_350 = tpu.memref_slice %arg4[%squeeze3A_330, %dma_start3A_349] : memref<1000000x32xf32, #tpu.memory_space<hbm>> -> memref<1x32xf32, #tpu.memory_space<hbm>>
      tpu.enqueue_dma source(%dma_start3A_350 : memref<1x32xf32, #tpu.memory_space<hbm>>) target(%dma_start3A_348 : memref<1x32xf32, #tpu.memory_space<vmem>>) target_semaphore(%arg16 : memref<!tpu.dma_semaphore, #tpu.memory_space<semaphore_mem>>)
      %slice3A_351 = vector.extract_strided_slice %get3A_228 {offsets = [5], sizes = [1], strides = [1]} : vector<16xi32> to vector<1xi32>
      %squeeze3A_352 = vector.extract %slice3A_351[0] : i32 from vector<1xi32>
      %slice3A_353 = vector.extract_strided_slice %get3A_233 {offsets = [5], sizes = [1], strides = [1]} : vector<16xi32> to vector<1xi32>
      %squeeze3A_354 = vector.extract %slice3A_353[0] : i32 from vector<1xi32>
      %add3A_355 = arith.constant 5 : i32
      %add3A_356 = arith.addi %mul3A_224, %add3A_355 : i32
      %dma_start3A_357 = arith.constant 0 : i32
      %dma_start3A_358 = tpu.memref_slice %arg8[%add3A_356, %dma_start3A_357] : memref<256x32xf32, #tpu.memory_space<vmem>> -> memref<1x32xf32, #tpu.memory_space<vmem>>
      %dma_start3A_359 = arith.constant 0 : i32
      %dma_start3A_360 = tpu.memref_slice %arg4[%squeeze3A_352, %dma_start3A_359] : memref<1000000x32xf32, #tpu.memory_space<hbm>> -> memref<1x32xf32, #tpu.memory_space<hbm>>
      %dma_start3A_361 = arith.constant 0 : i32
      %dma_start3A_362 = tpu.memref_slice %arg8[%add3A_356, %dma_start3A_361] : memref<256x32xf32, #tpu.memory_space<vmem>> -> memref<1x32xf32, #tpu.memory_space<vmem>>
      %dma_start3A_363 = arith.constant 0 : i32
      %dma_start3A_364 = tpu.memref_slice %arg4[%squeeze3A_352, %dma_start3A_363] : memref<1000000x32xf32, #tpu.memory_space<hbm>> -> memref<1x32xf32, #tpu.memory_space<hbm>>
      tpu.enqueue_dma source(%dma_start3A_364 : memref<1x32xf32, #tpu.memory_space<hbm>>) target(%dma_start3A_362 : memref<1x32xf32, #tpu.memory_space<vmem>>) target_semaphore(%arg16 : memref<!tpu.dma_semaphore, #tpu.memory_space<semaphore_mem>>)
      %add3A_365 = arith.constant 5 : i32
      %add3A_366 = arith.addi %mul3A_224, %add3A_365 : i32
      %dma_start3A_367 = arith.constant 0 : i32
      %dma_start3A_368 = tpu.memref_slice %arg9[%add3A_366, %dma_start3A_367] : memref<256x32xf32, #tpu.memory_space<vmem>> -> memref<1x32xf32, #tpu.memory_space<vmem>>
      %dma_start3A_369 = arith.constant 0 : i32
      %dma_start3A_370 = tpu.memref_slice %arg4[%squeeze3A_354, %dma_start3A_369] : memref<1000000x32xf32, #tpu.memory_space<hbm>> -> memref<1x32xf32, #tpu.memory_space<hbm>>
      %dma_start3A_371 = arith.constant 0 : i32
      %dma_start3A_372 = tpu.memref_slice %arg9[%add3A_366, %dma_start3A_371] : memref<256x32xf32, #tpu.memory_space<vmem>> -> memref<1x32xf32, #tpu.memory_space<vmem>>
      %dma_start3A_373 = arith.constant 0 : i32
      %dma_start3A_374 = tpu.memref_slice %arg4[%squeeze3A_354, %dma_start3A_373] : memref<1000000x32xf32, #tpu.memory_space<hbm>> -> memref<1x32xf32, #tpu.memory_space<hbm>>
      tpu.enqueue_dma source(%dma_start3A_374 : memref<1x32xf32, #tpu.memory_space<hbm>>) target(%dma_start3A_372 : memref<1x32xf32, #tpu.memory_space<vmem>>) target_semaphore(%arg17 : memref<!tpu.dma_semaphore, #tpu.memory_space<semaphore_mem>>)
      %slice3A_375 = vector.extract_strided_slice %get3A_228 {offsets = [6], sizes = [1], strides = [1]} : vector<16xi32> to vector<1xi32>
      %squeeze3A_376 = vector.extract %slice3A_375[0] : i32 from vector<1xi32>
      %slice3A_377 = vector.extract_strided_slice %get3A_233 {offsets = [6], sizes = [1], strides = [1]} : vector<16xi32> to vector<1xi32>
      %squeeze3A_378 = vector.extract %slice3A_377[0] : i32 from vector<1xi32>
      %add3A_379 = arith.constant 6 : i32
      %add3A_380 = arith.addi %mul3A_224, %add3A_379 : i32
      %dma_start3A_381 = arith.constant 0 : i32
      %dma_start3A_382 = tpu.memref_slice %arg8[%add3A_380, %dma_start3A_381] : memref<256x32xf32, #tpu.memory_space<vmem>> -> memref<1x32xf32, #tpu.memory_space<vmem>>
      %dma_start3A_383 = arith.constant 0 : i32
      %dma_start3A_384 = tpu.memref_slice %arg4[%squeeze3A_376, %dma_start3A_383] : memref<1000000x32xf32, #tpu.memory_space<hbm>> -> memref<1x32xf32, #tpu.memory_space<hbm>>
      %dma_start3A_385 = arith.constant 0 : i32
      %dma_start3A_386 = tpu.memref_slice %arg8[%add3A_380, %dma_start3A_385] : memref<256x32xf32, #tpu.memory_space<vmem>> -> memref<1x32xf32, #tpu.memory_space<vmem>>
      %dma_start3A_387 = arith.constant 0 : i32
      %dma_start3A_388 = tpu.memref_slice %arg4[%squeeze3A_376, %dma_start3A_387] : memref<1000000x32xf32, #tpu.memory_space<hbm>> -> memref<1x32xf32, #tpu.memory_space<hbm>>
      tpu.enqueue_dma source(%dma_start3A_388 : memref<1x32xf32, #tpu.memory_space<hbm>>) target(%dma_start3A_386 : memref<1x32xf32, #tpu.memory_space<vmem>>) target_semaphore(%arg17 : memref<!tpu.dma_semaphore, #tpu.memory_space<semaphore_mem>>)
      %add3A_389 = arith.constant 6 : i32
      %add3A_390 = arith.addi %mul3A_224, %add3A_389 : i32
      %dma_start3A_391 = arith.constant 0 : i32
      %dma_start3A_392 = tpu.memref_slice %arg9[%add3A_390, %dma_start3A_391] : memref<256x32xf32, #tpu.memory_space<vmem>> -> memref<1x32xf32, #tpu.memory_space<vmem>>
      %dma_start3A_393 = arith.constant 0 : i32
      %dma_start3A_394 = tpu.memref_slice %arg4[%squeeze3A_378, %dma_start3A_393] : memref<1000000x32xf32, #tpu.memory_space<hbm>> -> memref<1x32xf32, #tpu.memory_space<hbm>>
      %dma_start3A_395 = arith.constant 0 : i32
      %dma_start3A_396 = tpu.memref_slice %arg9[%add3A_390, %dma_start3A_395] : memref<256x32xf32, #tpu.memory_space<vmem>> -> memref<1x32xf32, #tpu.memory_space<vmem>>
      %dma_start3A_397 = arith.constant 0 : i32
      %dma_start3A_398 = tpu.memref_slice %arg4[%squeeze3A_378, %dma_start3A_397] : memref<1000000x32xf32, #tpu.memory_space<hbm>> -> memref<1x32xf32, #tpu.memory_space<hbm>>
      tpu.enqueue_dma source(%dma_start3A_398 : memref<1x32xf32, #tpu.memory_space<hbm>>) target(%dma_start3A_396 : memref<1x32xf32, #tpu.memory_space<vmem>>) target_semaphore(%arg18 : memref<!tpu.dma_semaphore, #tpu.memory_space<semaphore_mem>>)
      %slice3A_399 = vector.extract_strided_slice %get3A_228 {offsets = [7], sizes = [1], strides = [1]} : vector<16xi32> to vector<1xi32>
      %squeeze3A_400 = vector.extract %slice3A_399[0] : i32 from vector<1xi32>
      %slice3A_401 = vector.extract_strided_slice %get3A_233 {offsets = [7], sizes = [1], strides = [1]} : vector<16xi32> to vector<1xi32>
      %squeeze3A_402 = vector.extract %slice3A_401[0] : i32 from vector<1xi32>
      %add3A_403 = arith.constant 7 : i32
      %add3A_404 = arith.addi %mul3A_224, %add3A_403 : i32
      %dma_start3A_405 = arith.constant 0 : i32
      %dma_start3A_406 = tpu.memref_slice %arg8[%add3A_404, %dma_start3A_405] : memref<256x32xf32, #tpu.memory_space<vmem>> -> memref<1x32xf32, #tpu.memory_space<vmem>>
      %dma_start3A_407 = arith.constant 0 : i32
      %dma_start3A_408 = tpu.memref_slice %arg4[%squeeze3A_400, %dma_start3A_407] : memref<1000000x32xf32, #tpu.memory_space<hbm>> -> memref<1x32xf32, #tpu.memory_space<hbm>>
      %dma_start3A_409 = arith.constant 0 : i32
      %dma_start3A_410 = tpu.memref_slice %arg8[%add3A_404, %dma_start3A_409] : memref<256x32xf32, #tpu.memory_space<vmem>> -> memref<1x32xf32, #tpu.memory_space<vmem>>
      %dma_start3A_411 = arith.constant 0 : i32
      %dma_start3A_412 = tpu.memref_slice %arg4[%squeeze3A_400, %dma_start3A_411] : memref<1000000x32xf32, #tpu.memory_space<hbm>> -> memref<1x32xf32, #tpu.memory_space<hbm>>
      tpu.enqueue_dma source(%dma_start3A_412 : memref<1x32xf32, #tpu.memory_space<hbm>>) target(%dma_start3A_410 : memref<1x32xf32, #tpu.memory_space<vmem>>) target_semaphore(%arg18 : memref<!tpu.dma_semaphore, #tpu.memory_space<semaphore_mem>>)
      %add3A_413 = arith.constant 7 : i32
      %add3A_414 = arith.addi %mul3A_224, %add3A_413 : i32
      %dma_start3A_415 = arith.constant 0 : i32
      %dma_start3A_416 = tpu.memref_slice %arg9[%add3A_414, %dma_start3A_415] : memref<256x32xf32, #tpu.memory_space<vmem>> -> memref<1x32xf32, #tpu.memory_space<vmem>>
      %dma_start3A_417 = arith.constant 0 : i32
      %dma_start3A_418 = tpu.memref_slice %arg4[%squeeze3A_402, %dma_start3A_417] : memref<1000000x32xf32, #tpu.memory_space<hbm>> -> memref<1x32xf32, #tpu.memory_space<hbm>>
      %dma_start3A_419 = arith.constant 0 : i32
      %dma_start3A_420 = tpu.memref_slice %arg9[%add3A_414, %dma_start3A_419] : memref<256x32xf32, #tpu.memory_space<vmem>> -> memref<1x32xf32, #tpu.memory_space<vmem>>
      %dma_start3A_421 = arith.constant 0 : i32
      %dma_start3A_422 = tpu.memref_slice %arg4[%squeeze3A_402, %dma_start3A_421] : memref<1000000x32xf32, #tpu.memory_space<hbm>> -> memref<1x32xf32, #tpu.memory_space<hbm>>
      tpu.enqueue_dma source(%dma_start3A_422 : memref<1x32xf32, #tpu.memory_space<hbm>>) target(%dma_start3A_420 : memref<1x32xf32, #tpu.memory_space<vmem>>) target_semaphore(%arg11 : memref<!tpu.dma_semaphore, #tpu.memory_space<semaphore_mem>>)
      %slice3A_423 = vector.extract_strided_slice %get3A_228 {offsets = [8], sizes = [1], strides = [1]} : vector<16xi32> to vector<1xi32>
      %squeeze3A_424 = vector.extract %slice3A_423[0] : i32 from vector<1xi32>
      %slice3A_425 = vector.extract_strided_slice %get3A_233 {offsets = [8], sizes = [1], strides = [1]} : vector<16xi32> to vector<1xi32>
      %squeeze3A_426 = vector.extract %slice3A_425[0] : i32 from vector<1xi32>
      %add3A_427 = arith.constant 8 : i32
      %add3A_428 = arith.addi %mul3A_224, %add3A_427 : i32
      %dma_start3A_429 = arith.constant 0 : i32
      %dma_start3A_430 = tpu.memref_slice %arg8[%add3A_428, %dma_start3A_429] : memref<256x32xf32, #tpu.memory_space<vmem>> -> memref<1x32xf32, #tpu.memory_space<vmem>>
      %dma_start3A_431 = arith.constant 0 : i32
      %dma_start3A_432 = tpu.memref_slice %arg4[%squeeze3A_424, %dma_start3A_431] : memref<1000000x32xf32, #tpu.memory_space<hbm>> -> memref<1x32xf32, #tpu.memory_space<hbm>>
      %dma_start3A_433 = arith.constant 0 : i32
      %dma_start3A_434 = tpu.memref_slice %arg8[%add3A_428, %dma_start3A_433] : memref<256x32xf32, #tpu.memory_space<vmem>> -> memref<1x32xf32, #tpu.memory_space<vmem>>
      %dma_start3A_435 = arith.constant 0 : i32
      %dma_start3A_436 = tpu.memref_slice %arg4[%squeeze3A_424, %dma_start3A_435] : memref<1000000x32xf32, #tpu.memory_space<hbm>> -> memref<1x32xf32, #tpu.memory_space<hbm>>
      tpu.enqueue_dma source(%dma_start3A_436 : memref<1x32xf32, #tpu.memory_space<hbm>>) target(%dma_start3A_434 : memref<1x32xf32, #tpu.memory_space<vmem>>) target_semaphore(%arg11 : memref<!tpu.dma_semaphore, #tpu.memory_space<semaphore_mem>>)
      %add3A_437 = arith.constant 8 : i32
      %add3A_438 = arith.addi %mul3A_224, %add3A_437 : i32
      %dma_start3A_439 = arith.constant 0 : i32
      %dma_start3A_440 = tpu.memref_slice %arg9[%add3A_438, %dma_start3A_439] : memref<256x32xf32, #tpu.memory_space<vmem>> -> memref<1x32xf32, #tpu.memory_space<vmem>>
      %dma_start3A_441 = arith.constant 0 : i32
      %dma_start3A_442 = tpu.memref_slice %arg4[%squeeze3A_426, %dma_start3A_441] : memref<1000000x32xf32, #tpu.memory_space<hbm>> -> memref<1x32xf32, #tpu.memory_space<hbm>>
      %dma_start3A_443 = arith.constant 0 : i32
      %dma_start3A_444 = tpu.memref_slice %arg9[%add3A_438, %dma_start3A_443] : memref<256x32xf32, #tpu.memory_space<vmem>> -> memref<1x32xf32, #tpu.memory_space<vmem>>
      %dma_start3A_445 = arith.constant 0 : i32
      %dma_start3A_446 = tpu.memref_slice %arg4[%squeeze3A_426, %dma_start3A_445] : memref<1000000x32xf32, #tpu.memory_space<hbm>> -> memref<1x32xf32, #tpu.memory_space<hbm>>
      tpu.enqueue_dma source(%dma_start3A_446 : memref<1x32xf32, #tpu.memory_space<hbm>>) target(%dma_start3A_444 : memref<1x32xf32, #tpu.memory_space<vmem>>) target_semaphore(%arg12 : memref<!tpu.dma_semaphore, #tpu.memory_space<semaphore_mem>>)
      %slice3A_447 = vector.extract_strided_slice %get3A_228 {offsets = [9], sizes = [1], strides = [1]} : vector<16xi32> to vector<1xi32>
      %squeeze3A_448 = vector.extract %slice3A_447[0] : i32 from vector<1xi32>
      %slice3A_449 = vector.extract_strided_slice %get3A_233 {offsets = [9], sizes = [1], strides = [1]} : vector<16xi32> to vector<1xi32>
      %squeeze3A_450 = vector.extract %slice3A_449[0] : i32 from vector<1xi32>
      %add3A_451 = arith.constant 9 : i32
      %add3A_452 = arith.addi %mul3A_224, %add3A_451 : i32
      %dma_start3A_453 = arith.constant 0 : i32
      %dma_start3A_454 = tpu.memref_slice %arg8[%add3A_452, %dma_start3A_453] : memref<256x32xf32, #tpu.memory_space<vmem>> -> memref<1x32xf32, #tpu.memory_space<vmem>>
      %dma_start3A_455 = arith.constant 0 : i32
      %dma_start3A_456 = tpu.memref_slice %arg4[%squeeze3A_448, %dma_start3A_455] : memref<1000000x32xf32, #tpu.memory_space<hbm>> -> memref<1x32xf32, #tpu.memory_space<hbm>>
      %dma_start3A_457 = arith.constant 0 : i32
      %dma_start3A_458 = tpu.memref_slice %arg8[%add3A_452, %dma_start3A_457] : memref<256x32xf32, #tpu.memory_space<vmem>> -> memref<1x32xf32, #tpu.memory_space<vmem>>
      %dma_start3A_459 = arith.constant 0 : i32
      %dma_start3A_460 = tpu.memref_slice %arg4[%squeeze3A_448, %dma_start3A_459] : memref<1000000x32xf32, #tpu.memory_space<hbm>> -> memref<1x32xf32, #tpu.memory_space<hbm>>
      tpu.enqueue_dma source(%dma_start3A_460 : memref<1x32xf32, #tpu.memory_space<hbm>>) target(%dma_start3A_458 : memref<1x32xf32, #tpu.memory_space<vmem>>) target_semaphore(%arg12 : memref<!tpu.dma_semaphore, #tpu.memory_space<semaphore_mem>>)
      %add3A_461 = arith.constant 9 : i32
      %add3A_462 = arith.addi %mul3A_224, %add3A_461 : i32
      %dma_start3A_463 = arith.constant 0 : i32
      %dma_start3A_464 = tpu.memref_slice %arg9[%add3A_462, %dma_start3A_463] : memref<256x32xf32, #tpu.memory_space<vmem>> -> memref<1x32xf32, #tpu.memory_space<vmem>>
      %dma_start3A_465 = arith.constant 0 : i32
      %dma_start3A_466 = tpu.memref_slice %arg4[%squeeze3A_450, %dma_start3A_465] : memref<1000000x32xf32, #tpu.memory_space<hbm>> -> memref<1x32xf32, #tpu.memory_space<hbm>>
      %dma_start3A_467 = arith.constant 0 : i32
      %dma_start3A_468 = tpu.memref_slice %arg9[%add3A_462, %dma_start3A_467] : memref<256x32xf32, #tpu.memory_space<vmem>> -> memref<1x32xf32, #tpu.memory_space<vmem>>
      %dma_start3A_469 = arith.constant 0 : i32
      %dma_start3A_470 = tpu.memref_slice %arg4[%squeeze3A_450, %dma_start3A_469] : memref<1000000x32xf32, #tpu.memory_space<hbm>> -> memref<1x32xf32, #tpu.memory_space<hbm>>
      tpu.enqueue_dma source(%dma_start3A_470 : memref<1x32xf32, #tpu.memory_space<hbm>>) target(%dma_start3A_468 : memref<1x32xf32, #tpu.memory_space<vmem>>) target_semaphore(%arg13 : memref<!tpu.dma_semaphore, #tpu.memory_space<semaphore_mem>>)
      %slice3A_471 = vector.extract_strided_slice %get3A_228 {offsets = [10], sizes = [1], strides = [1]} : vector<16xi32> to vector<1xi32>
      %squeeze3A_472 = vector.extract %slice3A_471[0] : i32 from vector<1xi32>
      %slice3A_473 = vector.extract_strided_slice %get3A_233 {offsets = [10], sizes = [1], strides = [1]} : vector<16xi32> to vector<1xi32>
      %squeeze3A_474 = vector.extract %slice3A_473[0] : i32 from vector<1xi32>
      %add3A_475 = arith.constant 10 : i32
      %add3A_476 = arith.addi %mul3A_224, %add3A_475 : i32
      %dma_start3A_477 = arith.constant 0 : i32
      %dma_start3A_478 = tpu.memref_slice %arg8[%add3A_476, %dma_start3A_477] : memref<256x32xf32, #tpu.memory_space<vmem>> -> memref<1x32xf32, #tpu.memory_space<vmem>>
      %dma_start3A_479 = arith.constant 0 : i32
      %dma_start3A_480 = tpu.memref_slice %arg4[%squeeze3A_472, %dma_start3A_479] : memref<1000000x32xf32, #tpu.memory_space<hbm>> -> memref<1x32xf32, #tpu.memory_space<hbm>>
      %dma_start3A_481 = arith.constant 0 : i32
      %dma_start3A_482 = tpu.memref_slice %arg8[%add3A_476, %dma_start3A_481] : memref<256x32xf32, #tpu.memory_space<vmem>> -> memref<1x32xf32, #tpu.memory_space<vmem>>
      %dma_start3A_483 = arith.constant 0 : i32
      %dma_start3A_484 = tpu.memref_slice %arg4[%squeeze3A_472, %dma_start3A_483] : memref<1000000x32xf32, #tpu.memory_space<hbm>> -> memref<1x32xf32, #tpu.memory_space<hbm>>
      tpu.enqueue_dma source(%dma_start3A_484 : memref<1x32xf32, #tpu.memory_space<hbm>>) target(%dma_start3A_482 : memref<1x32xf32, #tpu.memory_space<vmem>>) target_semaphore(%arg13 : memref<!tpu.dma_semaphore, #tpu.memory_space<semaphore_mem>>)
      %add3A_485 = arith.constant 10 : i32
      %add3A_486 = arith.addi %mul3A_224, %add3A_485 : i32
      %dma_start3A_487 = arith.constant 0 : i32
      %dma_start3A_488 = tpu.memref_slice %arg9[%add3A_486, %dma_start3A_487] : memref<256x32xf32, #tpu.memory_space<vmem>> -> memref<1x32xf32, #tpu.memory_space<vmem>>
      %dma_start3A_489 = arith.constant 0 : i32
      %dma_start3A_490 = tpu.memref_slice %arg4[%squeeze3A_474, %dma_start3A_489] : memref<1000000x32xf32, #tpu.memory_space<hbm>> -> memref<1x32xf32, #tpu.memory_space<hbm>>
      %dma_start3A_491 = arith.constant 0 : i32
      %dma_start3A_492 = tpu.memref_slice %arg9[%add3A_486, %dma_start3A_491] : memref<256x32xf32, #tpu.memory_space<vmem>> -> memref<1x32xf32, #tpu.memory_space<vmem>>
      %dma_start3A_493 = arith.constant 0 : i32
      %dma_start3A_494 = tpu.memref_slice %arg4[%squeeze3A_474, %dma_start3A_493] : memref<1000000x32xf32, #tpu.memory_space<hbm>> -> memref<1x32xf32, #tpu.memory_space<hbm>>
      tpu.enqueue_dma source(%dma_start3A_494 : memref<1x32xf32, #tpu.memory_space<hbm>>) target(%dma_start3A_492 : memref<1x32xf32, #tpu.memory_space<vmem>>) target_semaphore(%arg14 : memref<!tpu.dma_semaphore, #tpu.memory_space<semaphore_mem>>)
      %slice3A_495 = vector.extract_strided_slice %get3A_228 {offsets = [11], sizes = [1], strides = [1]} : vector<16xi32> to vector<1xi32>
      %squeeze3A_496 = vector.extract %slice3A_495[0] : i32 from vector<1xi32>
      %slice3A_497 = vector.extract_strided_slice %get3A_233 {offsets = [11], sizes = [1], strides = [1]} : vector<16xi32> to vector<1xi32>
      %squeeze3A_498 = vector.extract %slice3A_497[0] : i32 from vector<1xi32>
      %add3A_499 = arith.constant 11 : i32
      %add3A_500 = arith.addi %mul3A_224, %add3A_499 : i32
      %dma_start3A_501 = arith.constant 0 : i32
      %dma_start3A_502 = tpu.memref_slice %arg8[%add3A_500, %dma_start3A_501] : memref<256x32xf32, #tpu.memory_space<vmem>> -> memref<1x32xf32, #tpu.memory_space<vmem>>
      %dma_start3A_503 = arith.constant 0 : i32
      %dma_start3A_504 = tpu.memref_slice %arg4[%squeeze3A_496, %dma_start3A_503] : memref<1000000x32xf32, #tpu.memory_space<hbm>> -> memref<1x32xf32, #tpu.memory_space<hbm>>
      %dma_start3A_505 = arith.constant 0 : i32
      %dma_start3A_506 = tpu.memref_slice %arg8[%add3A_500, %dma_start3A_505] : memref<256x32xf32, #tpu.memory_space<vmem>> -> memref<1x32xf32, #tpu.memory_space<vmem>>
      %dma_start3A_507 = arith.constant 0 : i32
      %dma_start3A_508 = tpu.memref_slice %arg4[%squeeze3A_496, %dma_start3A_507] : memref<1000000x32xf32, #tpu.memory_space<hbm>> -> memref<1x32xf32, #tpu.memory_space<hbm>>
      tpu.enqueue_dma source(%dma_start3A_508 : memref<1x32xf32, #tpu.memory_space<hbm>>) target(%dma_start3A_506 : memref<1x32xf32, #tpu.memory_space<vmem>>) target_semaphore(%arg14 : memref<!tpu.dma_semaphore, #tpu.memory_space<semaphore_mem>>)
      %add3A_509 = arith.constant 11 : i32
      %add3A_510 = arith.addi %mul3A_224, %add3A_509 : i32
      %dma_start3A_511 = arith.constant 0 : i32
      %dma_start3A_512 = tpu.memref_slice %arg9[%add3A_510, %dma_start3A_511] : memref<256x32xf32, #tpu.memory_space<vmem>> -> memref<1x32xf32, #tpu.memory_space<vmem>>
      %dma_start3A_513 = arith.constant 0 : i32
      %dma_start3A_514 = tpu.memref_slice %arg4[%squeeze3A_498, %dma_start3A_513] : memref<1000000x32xf32, #tpu.memory_space<hbm>> -> memref<1x32xf32, #tpu.memory_space<hbm>>
      %dma_start3A_515 = arith.constant 0 : i32
      %dma_start3A_516 = tpu.memref_slice %arg9[%add3A_510, %dma_start3A_515] : memref<256x32xf32, #tpu.memory_space<vmem>> -> memref<1x32xf32, #tpu.memory_space<vmem>>
      %dma_start3A_517 = arith.constant 0 : i32
      %dma_start3A_518 = tpu.memref_slice %arg4[%squeeze3A_498, %dma_start3A_517] : memref<1000000x32xf32, #tpu.memory_space<hbm>> -> memref<1x32xf32, #tpu.memory_space<hbm>>
      tpu.enqueue_dma source(%dma_start3A_518 : memref<1x32xf32, #tpu.memory_space<hbm>>) target(%dma_start3A_516 : memref<1x32xf32, #tpu.memory_space<vmem>>) target_semaphore(%arg15 : memref<!tpu.dma_semaphore, #tpu.memory_space<semaphore_mem>>)
      %slice3A_519 = vector.extract_strided_slice %get3A_228 {offsets = [12], sizes = [1], strides = [1]} : vector<16xi32> to vector<1xi32>
      %squeeze3A_520 = vector.extract %slice3A_519[0] : i32 from vector<1xi32>
      %slice3A_521 = vector.extract_strided_slice %get3A_233 {offsets = [12], sizes = [1], strides = [1]} : vector<16xi32> to vector<1xi32>
      %squeeze3A_522 = vector.extract %slice3A_521[0] : i32 from vector<1xi32>
      %add3A_523 = arith.constant 12 : i32
      %add3A_524 = arith.addi %mul3A_224, %add3A_523 : i32
      %dma_start3A_525 = arith.constant 0 : i32
      %dma_start3A_526 = tpu.memref_slice %arg8[%add3A_524, %dma_start3A_525] : memref<256x32xf32, #tpu.memory_space<vmem>> -> memref<1x32xf32, #tpu.memory_space<vmem>>
      %dma_start3A_527 = arith.constant 0 : i32
      %dma_start3A_528 = tpu.memref_slice %arg4[%squeeze3A_520, %dma_start3A_527] : memref<1000000x32xf32, #tpu.memory_space<hbm>> -> memref<1x32xf32, #tpu.memory_space<hbm>>
      %dma_start3A_529 = arith.constant 0 : i32
      %dma_start3A_530 = tpu.memref_slice %arg8[%add3A_524, %dma_start3A_529] : memref<256x32xf32, #tpu.memory_space<vmem>> -> memref<1x32xf32, #tpu.memory_space<vmem>>
      %dma_start3A_531 = arith.constant 0 : i32
      %dma_start3A_532 = tpu.memref_slice %arg4[%squeeze3A_520, %dma_start3A_531] : memref<1000000x32xf32, #tpu.memory_space<hbm>> -> memref<1x32xf32, #tpu.memory_space<hbm>>
      tpu.enqueue_dma source(%dma_start3A_532 : memref<1x32xf32, #tpu.memory_space<hbm>>) target(%dma_start3A_530 : memref<1x32xf32, #tpu.memory_space<vmem>>) target_semaphore(%arg15 : memref<!tpu.dma_semaphore, #tpu.memory_space<semaphore_mem>>)
      %add3A_533 = arith.constant 12 : i32
      %add3A_534 = arith.addi %mul3A_224, %add3A_533 : i32
      %dma_start3A_535 = arith.constant 0 : i32
      %dma_start3A_536 = tpu.memref_slice %arg9[%add3A_534, %dma_start3A_535] : memref<256x32xf32, #tpu.memory_space<vmem>> -> memref<1x32xf32, #tpu.memory_space<vmem>>
      %dma_start3A_537 = arith.constant 0 : i32
      %dma_start3A_538 = tpu.memref_slice %arg4[%squeeze3A_522, %dma_start3A_537] : memref<1000000x32xf32, #tpu.memory_space<hbm>> -> memref<1x32xf32, #tpu.memory_space<hbm>>
      %dma_start3A_539 = arith.constant 0 : i32
      %dma_start3A_540 = tpu.memref_slice %arg9[%add3A_534, %dma_start3A_539] : memref<256x32xf32, #tpu.memory_space<vmem>> -> memref<1x32xf32, #tpu.memory_space<vmem>>
      %dma_start3A_541 = arith.constant 0 : i32
      %dma_start3A_542 = tpu.memref_slice %arg4[%squeeze3A_522, %dma_start3A_541] : memref<1000000x32xf32, #tpu.memory_space<hbm>> -> memref<1x32xf32, #tpu.memory_space<hbm>>
      tpu.enqueue_dma source(%dma_start3A_542 : memref<1x32xf32, #tpu.memory_space<hbm>>) target(%dma_start3A_540 : memref<1x32xf32, #tpu.memory_space<vmem>>) target_semaphore(%arg16 : memref<!tpu.dma_semaphore, #tpu.memory_space<semaphore_mem>>)
      %slice3A_543 = vector.extract_strided_slice %get3A_228 {offsets = [13], sizes = [1], strides = [1]} : vector<16xi32> to vector<1xi32>
      %squeeze3A_544 = vector.extract %slice3A_543[0] : i32 from vector<1xi32>
      %slice3A_545 = vector.extract_strided_slice %get3A_233 {offsets = [13], sizes = [1], strides = [1]} : vector<16xi32> to vector<1xi32>
      %squeeze3A_546 = vector.extract %slice3A_545[0] : i32 from vector<1xi32>
      %add3A_547 = arith.constant 13 : i32
      %add3A_548 = arith.addi %mul3A_224, %add3A_547 : i32
      %dma_start3A_549 = arith.constant 0 : i32
      %dma_start3A_550 = tpu.memref_slice %arg8[%add3A_548, %dma_start3A_549] : memref<256x32xf32, #tpu.memory_space<vmem>> -> memref<1x32xf32, #tpu.memory_space<vmem>>
      %dma_start3A_551 = arith.constant 0 : i32
      %dma_start3A_552 = tpu.memref_slice %arg4[%squeeze3A_544, %dma_start3A_551] : memref<1000000x32xf32, #tpu.memory_space<hbm>> -> memref<1x32xf32, #tpu.memory_space<hbm>>
      %dma_start3A_553 = arith.constant 0 : i32
      %dma_start3A_554 = tpu.memref_slice %arg8[%add3A_548, %dma_start3A_553] : memref<256x32xf32, #tpu.memory_space<vmem>> -> memref<1x32xf32, #tpu.memory_space<vmem>>
      %dma_start3A_555 = arith.constant 0 : i32
      %dma_start3A_556 = tpu.memref_slice %arg4[%squeeze3A_544, %dma_start3A_555] : memref<1000000x32xf32, #tpu.memory_space<hbm>> -> memref<1x32xf32, #tpu.memory_space<hbm>>
      tpu.enqueue_dma source(%dma_start3A_556 : memref<1x32xf32, #tpu.memory_space<hbm>>) target(%dma_start3A_554 : memref<1x32xf32, #tpu.memory_space<vmem>>) target_semaphore(%arg16 : memref<!tpu.dma_semaphore, #tpu.memory_space<semaphore_mem>>)
      %add3A_557 = arith.constant 13 : i32
      %add3A_558 = arith.addi %mul3A_224, %add3A_557 : i32
      %dma_start3A_559 = arith.constant 0 : i32
      %dma_start3A_560 = tpu.memref_slice %arg9[%add3A_558, %dma_start3A_559] : memref<256x32xf32, #tpu.memory_space<vmem>> -> memref<1x32xf32, #tpu.memory_space<vmem>>
      %dma_start3A_561 = arith.constant 0 : i32
      %dma_start3A_562 = tpu.memref_slice %arg4[%squeeze3A_546, %dma_start3A_561] : memref<1000000x32xf32, #tpu.memory_space<hbm>> -> memref<1x32xf32, #tpu.memory_space<hbm>>
      %dma_start3A_563 = arith.constant 0 : i32
      %dma_start3A_564 = tpu.memref_slice %arg9[%add3A_558, %dma_start3A_563] : memref<256x32xf32, #tpu.memory_space<vmem>> -> memref<1x32xf32, #tpu.memory_space<vmem>>
      %dma_start3A_565 = arith.constant 0 : i32
      %dma_start3A_566 = tpu.memref_slice %arg4[%squeeze3A_546, %dma_start3A_565] : memref<1000000x32xf32, #tpu.memory_space<hbm>> -> memref<1x32xf32, #tpu.memory_space<hbm>>
      tpu.enqueue_dma source(%dma_start3A_566 : memref<1x32xf32, #tpu.memory_space<hbm>>) target(%dma_start3A_564 : memref<1x32xf32, #tpu.memory_space<vmem>>) target_semaphore(%arg17 : memref<!tpu.dma_semaphore, #tpu.memory_space<semaphore_mem>>)
      %slice3A_567 = vector.extract_strided_slice %get3A_228 {offsets = [14], sizes = [1], strides = [1]} : vector<16xi32> to vector<1xi32>
      %squeeze3A_568 = vector.extract %slice3A_567[0] : i32 from vector<1xi32>
      %slice3A_569 = vector.extract_strided_slice %get3A_233 {offsets = [14], sizes = [1], strides = [1]} : vector<16xi32> to vector<1xi32>
      %squeeze3A_570 = vector.extract %slice3A_569[0] : i32 from vector<1xi32>
      %add3A_571 = arith.constant 14 : i32
      %add3A_572 = arith.addi %mul3A_224, %add3A_571 : i32
      %dma_start3A_573 = arith.constant 0 : i32
      %dma_start3A_574 = tpu.memref_slice %arg8[%add3A_572, %dma_start3A_573] : memref<256x32xf32, #tpu.memory_space<vmem>> -> memref<1x32xf32, #tpu.memory_space<vmem>>
      %dma_start3A_575 = arith.constant 0 : i32
      %dma_start3A_576 = tpu.memref_slice %arg4[%squeeze3A_568, %dma_start3A_575] : memref<1000000x32xf32, #tpu.memory_space<hbm>> -> memref<1x32xf32, #tpu.memory_space<hbm>>
      %dma_start3A_577 = arith.constant 0 : i32
      %dma_start3A_578 = tpu.memref_slice %arg8[%add3A_572, %dma_start3A_577] : memref<256x32xf32, #tpu.memory_space<vmem>> -> memref<1x32xf32, #tpu.memory_space<vmem>>
      %dma_start3A_579 = arith.constant 0 : i32
      %dma_start3A_580 = tpu.memref_slice %arg4[%squeeze3A_568, %dma_start3A_579] : memref<1000000x32xf32, #tpu.memory_space<hbm>> -> memref<1x32xf32, #tpu.memory_space<hbm>>
      tpu.enqueue_dma source(%dma_start3A_580 : memref<1x32xf32, #tpu.memory_space<hbm>>) target(%dma_start3A_578 : memref<1x32xf32, #tpu.memory_space<vmem>>) target_semaphore(%arg17 : memref<!tpu.dma_semaphore, #tpu.memory_space<semaphore_mem>>)
      %add3A_581 = arith.constant 14 : i32
      %add3A_582 = arith.addi %mul3A_224, %add3A_581 : i32
      %dma_start3A_583 = arith.constant 0 : i32
      %dma_start3A_584 = tpu.memref_slice %arg9[%add3A_582, %dma_start3A_583] : memref<256x32xf32, #tpu.memory_space<vmem>> -> memref<1x32xf32, #tpu.memory_space<vmem>>
      %dma_start3A_585 = arith.constant 0 : i32
      %dma_start3A_586 = tpu.memref_slice %arg4[%squeeze3A_570, %dma_start3A_585] : memref<1000000x32xf32, #tpu.memory_space<hbm>> -> memref<1x32xf32, #tpu.memory_space<hbm>>
      %dma_start3A_587 = arith.constant 0 : i32
      %dma_start3A_588 = tpu.memref_slice %arg9[%add3A_582, %dma_start3A_587] : memref<256x32xf32, #tpu.memory_space<vmem>> -> memref<1x32xf32, #tpu.memory_space<vmem>>
      %dma_start3A_589 = arith.constant 0 : i32
      %dma_start3A_590 = tpu.memref_slice %arg4[%squeeze3A_570, %dma_start3A_589] : memref<1000000x32xf32, #tpu.memory_space<hbm>> -> memref<1x32xf32, #tpu.memory_space<hbm>>
      tpu.enqueue_dma source(%dma_start3A_590 : memref<1x32xf32, #tpu.memory_space<hbm>>) target(%dma_start3A_588 : memref<1x32xf32, #tpu.memory_space<vmem>>) target_semaphore(%arg18 : memref<!tpu.dma_semaphore, #tpu.memory_space<semaphore_mem>>)
      %slice3A_591 = vector.extract_strided_slice %get3A_228 {offsets = [15], sizes = [1], strides = [1]} : vector<16xi32> to vector<1xi32>
      %squeeze3A_592 = vector.extract %slice3A_591[0] : i32 from vector<1xi32>
      %slice3A_593 = vector.extract_strided_slice %get3A_233 {offsets = [15], sizes = [1], strides = [1]} : vector<16xi32> to vector<1xi32>
      %squeeze3A_594 = vector.extract %slice3A_593[0] : i32 from vector<1xi32>
      %add3A_595 = arith.constant 15 : i32
      %add3A_596 = arith.addi %mul3A_224, %add3A_595 : i32
      %dma_start3A_597 = arith.constant 0 : i32
      %dma_start3A_598 = tpu.memref_slice %arg8[%add3A_596, %dma_start3A_597] : memref<256x32xf32, #tpu.memory_space<vmem>> -> memref<1x32xf32, #tpu.memory_space<vmem>>
      %dma_start3A_599 = arith.constant 0 : i32
      %dma_start3A_600 = tpu.memref_slice %arg4[%squeeze3A_592, %dma_start3A_599] : memref<1000000x32xf32, #tpu.memory_space<hbm>> -> memref<1x32xf32, #tpu.memory_space<hbm>>
      %dma_start3A_601 = arith.constant 0 : i32
      %dma_start3A_602 = tpu.memref_slice %arg8[%add3A_596, %dma_start3A_601] : memref<256x32xf32, #tpu.memory_space<vmem>> -> memref<1x32xf32, #tpu.memory_space<vmem>>
      %dma_start3A_603 = arith.constant 0 : i32
      %dma_start3A_604 = tpu.memref_slice %arg4[%squeeze3A_592, %dma_start3A_603] : memref<1000000x32xf32, #tpu.memory_space<hbm>> -> memref<1x32xf32, #tpu.memory_space<hbm>>
      tpu.enqueue_dma source(%dma_start3A_604 : memref<1x32xf32, #tpu.memory_space<hbm>>) target(%dma_start3A_602 : memref<1x32xf32, #tpu.memory_space<vmem>>) target_semaphore(%arg18 : memref<!tpu.dma_semaphore, #tpu.memory_space<semaphore_mem>>)
      %add3A_605 = arith.constant 15 : i32
      %add3A_606 = arith.addi %mul3A_224, %add3A_605 : i32
      %dma_start3A_607 = arith.constant 0 : i32
      %dma_start3A_608 = tpu.memref_slice %arg9[%add3A_606, %dma_start3A_607] : memref<256x32xf32, #tpu.memory_space<vmem>> -> memref<1x32xf32, #tpu.memory_space<vmem>>
      %dma_start3A_609 = arith.constant 0 : i32
      %dma_start3A_610 = tpu.memref_slice %arg4[%squeeze3A_594, %dma_start3A_609] : memref<1000000x32xf32, #tpu.memory_space<hbm>> -> memref<1x32xf32, #tpu.memory_space<hbm>>
      %dma_start3A_611 = arith.constant 0 : i32
      %dma_start3A_612 = tpu.memref_slice %arg9[%add3A_606, %dma_start3A_611] : memref<256x32xf32, #tpu.memory_space<vmem>> -> memref<1x32xf32, #tpu.memory_space<vmem>>
      %dma_start3A_613 = arith.constant 0 : i32
      %dma_start3A_614 = tpu.memref_slice %arg4[%squeeze3A_594, %dma_start3A_613] : memref<1000000x32xf32, #tpu.memory_space<hbm>> -> memref<1x32xf32, #tpu.memory_space<hbm>>
      tpu.enqueue_dma source(%dma_start3A_614 : memref<1x32xf32, #tpu.memory_space<hbm>>) target(%dma_start3A_612 : memref<1x32xf32, #tpu.memory_space<vmem>>) target_semaphore(%arg11 : memref<!tpu.dma_semaphore, #tpu.memory_space<semaphore_mem>>)
      %scan3A_615 = arith.constant 0 : i32
      scf.yield %scan3A_615 : i32
    }
    %scan3A_117 = arith.constant 16 : i32
    %dma_wait3A_118 = arith.constant 0 : i32
    %dma_wait3A_119 = arith.constant 0 : i32
    %dma_wait3A_120 = tpu.memref_slice %arg8[%dma_wait3A_118, %dma_wait3A_119] : memref<256x32xf32, #tpu.memory_space<vmem>> -> memref<64x32xf32, #tpu.memory_space<vmem>>
    %dma_wait3A_121 = arith.constant 0 : i32
    %dma_wait3A_122 = arith.constant 0 : i32
    %dma_wait3A_123 = tpu.memref_slice %arg4[%dma_wait3A_121, %dma_wait3A_122] : memref<1000000x32xf32, #tpu.memory_space<hbm>> -> memref<64x32xf32, #tpu.memory_space<hbm>>
    %dma_wait3A_124 = arith.constant 0 : i32
    %dma_wait3A_125 = arith.constant 0 : i32
    %dma_wait3A_126 = tpu.memref_slice %arg8[%dma_wait3A_124, %dma_wait3A_125] : memref<256x32xf32, #tpu.memory_space<vmem>> -> memref<64x32xf32, #tpu.memory_space<vmem>>
    %dma_wait3A_127 = arith.constant 0 : i32
    %dma_wait3A_128 = arith.constant 0 : i32
    %dma_wait3A_129 = tpu.memref_slice %arg4[%dma_wait3A_127, %dma_wait3A_128] : memref<1000000x32xf32, #tpu.memory_space<hbm>> -> memref<64x32xf32, #tpu.memory_space<hbm>>
    tpu.wait_dma2 semaphore(%arg11 : memref<!tpu.dma_semaphore, #tpu.memory_space<semaphore_mem>>) src(%dma_wait3A_129 : memref<64x32xf32, #tpu.memory_space<hbm>>) dst(%dma_wait3A_126 : memref<64x32xf32, #tpu.memory_space<vmem>>)
    %dma_wait3A_130 = arith.constant 0 : i32
    %dma_wait3A_131 = arith.constant 0 : i32
    %dma_wait3A_132 = tpu.memref_slice %arg8[%dma_wait3A_130, %dma_wait3A_131] : memref<256x32xf32, #tpu.memory_space<vmem>> -> memref<64x32xf32, #tpu.memory_space<vmem>>
    %dma_wait3A_133 = arith.constant 0 : i32
    %dma_wait3A_134 = arith.constant 0 : i32
    %dma_wait3A_135 = tpu.memref_slice %arg4[%dma_wait3A_133, %dma_wait3A_134] : memref<1000000x32xf32, #tpu.memory_space<hbm>> -> memref<64x32xf32, #tpu.memory_space<hbm>>
    %dma_wait3A_136 = arith.constant 0 : i32
    %dma_wait3A_137 = arith.constant 0 : i32
    %dma_wait3A_138 = tpu.memref_slice %arg8[%dma_wait3A_136, %dma_wait3A_137] : memref<256x32xf32, #tpu.memory_space<vmem>> -> memref<64x32xf32, #tpu.memory_space<vmem>>
    %dma_wait3A_139 = arith.constant 0 : i32
    %dma_wait3A_140 = arith.constant 0 : i32
    %dma_wait3A_141 = tpu.memref_slice %arg4[%dma_wait3A_139, %dma_wait3A_140] : memref<1000000x32xf32, #tpu.memory_space<hbm>> -> memref<64x32xf32, #tpu.memory_space<hbm>>
    tpu.wait_dma2 semaphore(%arg12 : memref<!tpu.dma_semaphore, #tpu.memory_space<semaphore_mem>>) src(%dma_wait3A_141 : memref<64x32xf32, #tpu.memory_space<hbm>>) dst(%dma_wait3A_138 : memref<64x32xf32, #tpu.memory_space<vmem>>)
    %dma_wait3A_142 = arith.constant 0 : i32
    %dma_wait3A_143 = arith.constant 0 : i32
    %dma_wait3A_144 = tpu.memref_slice %arg8[%dma_wait3A_142, %dma_wait3A_143] : memref<256x32xf32, #tpu.memory_space<vmem>> -> memref<64x32xf32, #tpu.memory_space<vmem>>
    %dma_wait3A_145 = arith.constant 0 : i32
    %dma_wait3A_146 = arith.constant 0 : i32
    %dma_wait3A_147 = tpu.memref_slice %arg4[%dma_wait3A_145, %dma_wait3A_146] : memref<1000000x32xf32, #tpu.memory_space<hbm>> -> memref<64x32xf32, #tpu.memory_space<hbm>>
    %dma_wait3A_148 = arith.constant 0 : i32
    %dma_wait3A_149 = arith.constant 0 : i32
    %dma_wait3A_150 = tpu.memref_slice %arg8[%dma_wait3A_148, %dma_wait3A_149] : memref<256x32xf32, #tpu.memory_space<vmem>> -> memref<64x32xf32, #tpu.memory_space<vmem>>
    %dma_wait3A_151 = arith.constant 0 : i32
    %dma_wait3A_152 = arith.constant 0 : i32
    %dma_wait3A_153 = tpu.memref_slice %arg4[%dma_wait3A_151, %dma_wait3A_152] : memref<1000000x32xf32, #tpu.memory_space<hbm>> -> memref<64x32xf32, #tpu.memory_space<hbm>>
    tpu.wait_dma2 semaphore(%arg13 : memref<!tpu.dma_semaphore, #tpu.memory_space<semaphore_mem>>) src(%dma_wait3A_153 : memref<64x32xf32, #tpu.memory_space<hbm>>) dst(%dma_wait3A_150 : memref<64x32xf32, #tpu.memory_space<vmem>>)
    %dma_wait3A_154 = arith.constant 0 : i32
    %dma_wait3A_155 = arith.constant 0 : i32
    %dma_wait3A_156 = tpu.memref_slice %arg8[%dma_wait3A_154, %dma_wait3A_155] : memref<256x32xf32, #tpu.memory_space<vmem>> -> memref<64x32xf32, #tpu.memory_space<vmem>>
    %dma_wait3A_157 = arith.constant 0 : i32
    %dma_wait3A_158 = arith.constant 0 : i32
    %dma_wait3A_159 = tpu.memref_slice %arg4[%dma_wait3A_157, %dma_wait3A_158] : memref<1000000x32xf32, #tpu.memory_space<hbm>> -> memref<64x32xf32, #tpu.memory_space<hbm>>
    %dma_wait3A_160 = arith.constant 0 : i32
    %dma_wait3A_161 = arith.constant 0 : i32
    %dma_wait3A_162 = tpu.memref_slice %arg8[%dma_wait3A_160, %dma_wait3A_161] : memref<256x32xf32, #tpu.memory_space<vmem>> -> memref<64x32xf32, #tpu.memory_space<vmem>>
    %dma_wait3A_163 = arith.constant 0 : i32
    %dma_wait3A_164 = arith.constant 0 : i32
    %dma_wait3A_165 = tpu.memref_slice %arg4[%dma_wait3A_163, %dma_wait3A_164] : memref<1000000x32xf32, #tpu.memory_space<hbm>> -> memref<64x32xf32, #tpu.memory_space<hbm>>
    tpu.wait_dma2 semaphore(%arg14 : memref<!tpu.dma_semaphore, #tpu.memory_space<semaphore_mem>>) src(%dma_wait3A_165 : memref<64x32xf32, #tpu.memory_space<hbm>>) dst(%dma_wait3A_162 : memref<64x32xf32, #tpu.memory_space<vmem>>)
    %dma_wait3A_166 = arith.constant 0 : i32
    %dma_wait3A_167 = arith.constant 0 : i32
    %dma_wait3A_168 = tpu.memref_slice %arg8[%dma_wait3A_166, %dma_wait3A_167] : memref<256x32xf32, #tpu.memory_space<vmem>> -> memref<64x32xf32, #tpu.memory_space<vmem>>
    %dma_wait3A_169 = arith.constant 0 : i32
    %dma_wait3A_170 = arith.constant 0 : i32
    %dma_wait3A_171 = tpu.memref_slice %arg4[%dma_wait3A_169, %dma_wait3A_170] : memref<1000000x32xf32, #tpu.memory_space<hbm>> -> memref<64x32xf32, #tpu.memory_space<hbm>>
    %dma_wait3A_172 = arith.constant 0 : i32
    %dma_wait3A_173 = arith.constant 0 : i32
    %dma_wait3A_174 = tpu.memref_slice %arg8[%dma_wait3A_172, %dma_wait3A_173] : memref<256x32xf32, #tpu.memory_space<vmem>> -> memref<64x32xf32, #tpu.memory_space<vmem>>
    %dma_wait3A_175 = arith.constant 0 : i32
    %dma_wait3A_176 = arith.constant 0 : i32
    %dma_wait3A_177 = tpu.memref_slice %arg4[%dma_wait3A_175, %dma_wait3A_176] : memref<1000000x32xf32, #tpu.memory_space<hbm>> -> memref<64x32xf32, #tpu.memory_space<hbm>>
    tpu.wait_dma2 semaphore(%arg15 : memref<!tpu.dma_semaphore, #tpu.memory_space<semaphore_mem>>) src(%dma_wait3A_177 : memref<64x32xf32, #tpu.memory_space<hbm>>) dst(%dma_wait3A_174 : memref<64x32xf32, #tpu.memory_space<vmem>>)
    %dma_wait3A_178 = arith.constant 0 : i32
    %dma_wait3A_179 = arith.constant 0 : i32
    %dma_wait3A_180 = tpu.memref_slice %arg8[%dma_wait3A_178, %dma_wait3A_179] : memref<256x32xf32, #tpu.memory_space<vmem>> -> memref<64x32xf32, #tpu.memory_space<vmem>>
    %dma_wait3A_181 = arith.constant 0 : i32
    %dma_wait3A_182 = arith.constant 0 : i32
    %dma_wait3A_183 = tpu.memref_slice %arg4[%dma_wait3A_181, %dma_wait3A_182] : memref<1000000x32xf32, #tpu.memory_space<hbm>> -> memref<64x32xf32, #tpu.memory_space<hbm>>
    %dma_wait3A_184 = arith.constant 0 : i32
    %dma_wait3A_185 = arith.constant 0 : i32
    %dma_wait3A_186 = tpu.memref_slice %arg8[%dma_wait3A_184, %dma_wait3A_185] : memref<256x32xf32, #tpu.memory_space<vmem>> -> memref<64x32xf32, #tpu.memory_space<vmem>>
    %dma_wait3A_187 = arith.constant 0 : i32
    %dma_wait3A_188 = arith.constant 0 : i32
    %dma_wait3A_189 = tpu.memref_slice %arg4[%dma_wait3A_187, %dma_wait3A_188] : memref<1000000x32xf32, #tpu.memory_space<hbm>> -> memref<64x32xf32, #tpu.memory_space<hbm>>
    tpu.wait_dma2 semaphore(%arg16 : memref<!tpu.dma_semaphore, #tpu.memory_space<semaphore_mem>>) src(%dma_wait3A_189 : memref<64x32xf32, #tpu.memory_space<hbm>>) dst(%dma_wait3A_186 : memref<64x32xf32, #tpu.memory_space<vmem>>)
    %dma_wait3A_190 = arith.constant 0 : i32
    %dma_wait3A_191 = arith.constant 0 : i32
    %dma_wait3A_192 = tpu.memref_slice %arg8[%dma_wait3A_190, %dma_wait3A_191] : memref<256x32xf32, #tpu.memory_space<vmem>> -> memref<64x32xf32, #tpu.memory_space<vmem>>
    %dma_wait3A_193 = arith.constant 0 : i32
    %dma_wait3A_194 = arith.constant 0 : i32
    %dma_wait3A_195 = tpu.memref_slice %arg4[%dma_wait3A_193, %dma_wait3A_194] : memref<1000000x32xf32, #tpu.memory_space<hbm>> -> memref<64x32xf32, #tpu.memory_space<hbm>>
    %dma_wait3A_196 = arith.constant 0 : i32
    %dma_wait3A_197 = arith.constant 0 : i32
    %dma_wait3A_198 = tpu.memref_slice %arg8[%dma_wait3A_196, %dma_wait3A_197] : memref<256x32xf32, #tpu.memory_space<vmem>> -> memref<64x32xf32, #tpu.memory_space<vmem>>
    %dma_wait3A_199 = arith.constant 0 : i32
    %dma_wait3A_200 = arith.constant 0 : i32
    %dma_wait3A_201 = tpu.memref_slice %arg4[%dma_wait3A_199, %dma_wait3A_200] : memref<1000000x32xf32, #tpu.memory_space<hbm>> -> memref<64x32xf32, #tpu.memory_space<hbm>>
    tpu.wait_dma2 semaphore(%arg17 : memref<!tpu.dma_semaphore, #tpu.memory_space<semaphore_mem>>) src(%dma_wait3A_201 : memref<64x32xf32, #tpu.memory_space<hbm>>) dst(%dma_wait3A_198 : memref<64x32xf32, #tpu.memory_space<vmem>>)
    %dma_wait3A_202 = arith.constant 0 : i32
    %dma_wait3A_203 = arith.constant 0 : i32
    %dma_wait3A_204 = tpu.memref_slice %arg8[%dma_wait3A_202, %dma_wait3A_203] : memref<256x32xf32, #tpu.memory_space<vmem>> -> memref<64x32xf32, #tpu.memory_space<vmem>>
    %dma_wait3A_205 = arith.constant 0 : i32
    %dma_wait3A_206 = arith.constant 0 : i32
    %dma_wait3A_207 = tpu.memref_slice %arg4[%dma_wait3A_205, %dma_wait3A_206] : memref<1000000x32xf32, #tpu.memory_space<hbm>> -> memref<64x32xf32, #tpu.memory_space<hbm>>
    %dma_wait3A_208 = arith.constant 0 : i32
    %dma_wait3A_209 = arith.constant 0 : i32
    %dma_wait3A_210 = tpu.memref_slice %arg8[%dma_wait3A_208, %dma_wait3A_209] : memref<256x32xf32, #tpu.memory_space<vmem>> -> memref<64x32xf32, #tpu.memory_space<vmem>>
    %dma_wait3A_211 = arith.constant 0 : i32
    %dma_wait3A_212 = arith.constant 0 : i32
    %dma_wait3A_213 = tpu.memref_slice %arg4[%dma_wait3A_211, %dma_wait3A_212] : memref<1000000x32xf32, #tpu.memory_space<hbm>> -> memref<64x32xf32, #tpu.memory_space<hbm>>
    tpu.wait_dma2 semaphore(%arg18 : memref<!tpu.dma_semaphore, #tpu.memory_space<semaphore_mem>>) src(%dma_wait3A_213 : memref<64x32xf32, #tpu.memory_space<hbm>>) dst(%dma_wait3A_210 : memref<64x32xf32, #tpu.memory_space<vmem>>)
    %scan3A_214 = arith.constant 0 : i32
    %scan3A_215 = arith.constant 0 : i32
    %scan3A_216 = arith.constant 16 : i32
    %scan3A_217 = arith.addi %scan3A_215, %scan3A_216 : i32
    %scan3A_218 = arith.constant 1 : i32
    %scan3A_219 = scf.for %scan3A_221 = %scan3A_215 to %scan3A_217 step %scan3A_218 iter_args(%scan3A_222 = %scan3A_214) -> (i32)  : i32 {
      %mul3A_223 = arith.constant 16 : i32
      %mul3A_224 = arith.muli %scan3A_221, %mul3A_223 : i32
      %add3A_225 = arith.constant 0 : i32
      %add3A_226 = arith.addi %mul3A_224, %add3A_225 : i32
      %get3A = arith.index_cast %add3A_226 : i32 to index
      %get3A_227 = arith.constant 0 : index
      %get3A_228 = tpu.vector_load %arg8[%get3A, %get3A_227] {strides = array<i32>} : memref<256x32xf32, #tpu.memory_space<vmem>>, vector<1x16xf32>,
      %get3A_229 = vector.shape_cast %get3A_228 : vector<1x16xf32> to vector<16xf32>
      %get3A_230 = arith.index_cast %add3A_226 : i32 to index
      %get3A_231 = arith.constant 16 : index
      %get3A_232 = tpu.vector_load %arg8[%get3A_230, %get3A_231] {strides = array<i32>} : memref<256x32xf32, #tpu.memory_space<vmem>>, vector<1x16xf32>,
      %get3A_233 = vector.shape_cast %get3A_232 : vector<1x16xf32> to vector<16xf32>
      %get3A_234 = arith.index_cast %add3A_226 : i32 to index
      %get3A_235 = arith.constant 0 : index
      %get3A_236 = tpu.vector_load %arg9[%get3A_234, %get3A_235] {strides = array<i32>} : memref<256x32xf32, #tpu.memory_space<vmem>>, vector<1x16xf32>,
      %get3A_237 = vector.shape_cast %get3A_236 : vector<1x16xf32> to vector<16xf32>
      %get3A_238 = arith.index_cast %add3A_226 : i32 to index
      %get3A_239 = arith.constant 16 : index
      %get3A_240 = tpu.vector_load %arg9[%get3A_238, %get3A_239] {strides = array<i32>} : memref<256x32xf32, #tpu.memory_space<vmem>>, vector<1x16xf32>,
      %get3A_241 = vector.shape_cast %get3A_240 : vector<1x16xf32> to vector<16xf32>
      %mul3A_242 = arith.mulf %get3A_229, %get3A_237 : vector<16xf32>
      %mul3A_243 = arith.mulf %get3A_233, %get3A_241 : vector<16xf32>
      %add3A_244 = arith.addf %mul3A_242, %mul3A_243 : vector<16xf32>
      %add3A_245 = arith.constant 8 : i32
      %add3A_246 = arith.addi %mul3A_224, %add3A_245 : i32
      %get3A_247 = arith.index_cast %add3A_246 : i32 to index
      %get3A_248 = arith.constant 0 : index
      %get3A_249 = tpu.vector_load %arg8[%get3A_247, %get3A_248] {strides = array<i32>} : memref<256x32xf32, #tpu.memory_space<vmem>>, vector<1x16xf32>,
      %get3A_250 = vector.shape_cast %get3A_249 : vector<1x16xf32> to vector<16xf32>
      %get3A_251 = arith.index_cast %add3A_246 : i32 to index
      %get3A_252 = arith.constant 16 : index
      %get3A_253 = tpu.vector_load %arg8[%get3A_251, %get3A_252] {strides = array<i32>} : memref<256x32xf32, #tpu.memory_space<vmem>>, vector<1x16xf32>,
      %get3A_254 = vector.shape_cast %get3A_253 : vector<1x16xf32> to vector<16xf32>
      %get3A_255 = arith.index_cast %add3A_246 : i32 to index
      %get3A_256 = arith.constant 0 : index
      %get3A_257 = tpu.vector_load %arg9[%get3A_255, %get3A_256] {strides = array<i32>} : memref<256x32xf32, #tpu.memory_space<vmem>>, vector<1x16xf32>,
      %get3A_258 = vector.shape_cast %get3A_257 : vector<1x16xf32> to vector<16xf32>
      %get3A_259 = arith.index_cast %add3A_246 : i32 to index
      %get3A_260 = arith.constant 16 : index
      %get3A_261 = tpu.vector_load %arg9[%get3A_259, %get3A_260] {strides = array<i32>} : memref<256x32xf32, #tpu.memory_space<vmem>>, vector<1x16xf32>,
      %get3A_262 = vector.shape_cast %get3A_261 : vector<1x16xf32> to vector<16xf32>
      %mul3A_263 = arith.mulf %get3A_250, %get3A_258 : vector<16xf32>
      %mul3A_264 = arith.mulf %get3A_254, %get3A_262 : vector<16xf32>
      %add3A_265 = arith.addf %mul3A_263, %mul3A_264 : vector<16xf32>
      %add3A_266 = arith.constant 4 : i32
      %add3A_267 = arith.addi %mul3A_224, %add3A_266 : i32
      %get3A_268 = arith.index_cast %add3A_267 : i32 to index
      %get3A_269 = arith.constant 0 : index
      %get3A_270 = tpu.vector_load %arg8[%get3A_268, %get3A_269] {strides = array<i32>} : memref<256x32xf32, #tpu.memory_space<vmem>>, vector<1x16xf32>,
      %get3A_271 = vector.shape_cast %get3A_270 : vector<1x16xf32> to vector<16xf32>
      %get3A_272 = arith.index_cast %add3A_267 : i32 to index
      %get3A_273 = arith.constant 16 : index
      %get3A_274 = tpu.vector_load %arg8[%get3A_272, %get3A_273] {strides = array<i32>} : memref<256x32xf32, #tpu.memory_space<vmem>>, vector<1x16xf32>,
      %get3A_275 = vector.shape_cast %get3A_274 : vector<1x16xf32> to vector<16xf32>
      %get3A_276 = arith.index_cast %add3A_267 : i32 to index
      %get3A_277 = arith.constant 0 : index
      %get3A_278 = tpu.vector_load %arg9[%get3A_276, %get3A_277] {strides = array<i32>} : memref<256x32xf32, #tpu.memory_space<vmem>>, vector<1x16xf32>,
      %get3A_279 = vector.shape_cast %get3A_278 : vector<1x16xf32> to vector<16xf32>
      %get3A_280 = arith.index_cast %add3A_267 : i32 to index
      %get3A_281 = arith.constant 16 : index
      %get3A_282 = tpu.vector_load %arg9[%get3A_280, %get3A_281] {strides = array<i32>} : memref<256x32xf32, #tpu.memory_space<vmem>>, vector<1x16xf32>,
      %get3A_283 = vector.shape_cast %get3A_282 : vector<1x16xf32> to vector<16xf32>
      %mul3A_284 = arith.mulf %get3A_271, %get3A_279 : vector<16xf32>
      %mul3A_285 = arith.mulf %get3A_275, %get3A_283 : vector<16xf32>
      %add3A_286 = arith.addf %mul3A_284, %mul3A_285 : vector<16xf32>
      %add3A_287 = arith.constant 12 : i32
      %add3A_288 = arith.addi %mul3A_224, %add3A_287 : i32
      %get3A_289 = arith.index_cast %add3A_288 : i32 to index
      %get3A_290 = arith.constant 0 : index
      %get3A_291 = tpu.vector_load %arg8[%get3A_289, %get3A_290] {strides = array<i32>} : memref<256x32xf32, #tpu.memory_space<vmem>>, vector<1x16xf32>,
      %get3A_292 = vector.shape_cast %get3A_291 : vector<1x16xf32> to vector<16xf32>
      %get3A_293 = arith.index_cast %add3A_288 : i32 to index
      %get3A_294 = arith.constant 16 : index
      %get3A_295 = tpu.vector_load %arg8[%get3A_293, %get3A_294] {strides = array<i32>} : memref<256x32xf32, #tpu.memory_space<vmem>>, vector<1x16xf32>,
      %get3A_296 = vector.shape_cast %get3A_295 : vector<1x16xf32> to vector<16xf32>
      %get3A_297 = arith.index_cast %add3A_288 : i32 to index
      %get3A_298 = arith.constant 0 : index
      %get3A_299 = tpu.vector_load %arg9[%get3A_297, %get3A_298] {strides = array<i32>} : memref<256x32xf32, #tpu.memory_space<vmem>>, vector<1x16xf32>,
      %get3A_300 = vector.shape_cast %get3A_299 : vector<1x16xf32> to vector<16xf32>
      %get3A_301 = arith.index_cast %add3A_288 : i32 to index
      %get3A_302 = arith.constant 16 : index
      %get3A_303 = tpu.vector_load %arg9[%get3A_301, %get3A_302] {strides = array<i32>} : memref<256x32xf32, #tpu.memory_space<vmem>>, vector<1x16xf32>,
      %get3A_304 = vector.shape_cast %get3A_303 : vector<1x16xf32> to vector<16xf32>
      %mul3A_305 = arith.mulf %get3A_292, %get3A_300 : vector<16xf32>
      %mul3A_306 = arith.mulf %get3A_296, %get3A_304 : vector<16xf32>
      %add3A_307 = arith.addf %mul3A_305, %mul3A_306 : vector<16xf32>
      %add3A_308 = arith.constant 2 : i32
      %add3A_309 = arith.addi %mul3A_224, %add3A_308 : i32
      %get3A_310 = arith.index_cast %add3A_309 : i32 to index
      %get3A_311 = arith.constant 0 : index
      %get3A_312 = tpu.vector_load %arg8[%get3A_310, %get3A_311] {strides = array<i32>} : memref<256x32xf32, #tpu.memory_space<vmem>>, vector<1x16xf32>,
      %get3A_313 = vector.shape_cast %get3A_312 : vector<1x16xf32> to vector<16xf32>
      %get3A_314 = arith.index_cast %add3A_309 : i32 to index
      %get3A_315 = arith.constant 16 : index
      %get3A_316 = tpu.vector_load %arg8[%get3A_314, %get3A_315] {strides = array<i32>} : memref<256x32xf32, #tpu.memory_space<vmem>>, vector<1x16xf32>,
      %get3A_317 = vector.shape_cast %get3A_316 : vector<1x16xf32> to vector<16xf32>
      %get3A_318 = arith.index_cast %add3A_309 : i32 to index
      %get3A_319 = arith.constant 0 : index
      %get3A_320 = tpu.vector_load %arg9[%get3A_318, %get3A_319] {strides = array<i32>} : memref<256x32xf32, #tpu.memory_space<vmem>>, vector<1x16xf32>,
      %get3A_321 = vector.shape_cast %get3A_320 : vector<1x16xf32> to vector<16xf32>
      %get3A_322 = arith.index_cast %add3A_309 : i32 to index
      %get3A_323 = arith.constant 16 : index
      %get3A_324 = tpu.vector_load %arg9[%get3A_322, %get3A_323] {strides = array<i32>} : memref<256x32xf32, #tpu.memory_space<vmem>>, vector<1x16xf32>,
      %get3A_325 = vector.shape_cast %get3A_324 : vector<1x16xf32> to vector<16xf32>
      %mul3A_326 = arith.mulf %get3A_313, %get3A_321 : vector<16xf32>
      %mul3A_327 = arith.mulf %get3A_317, %get3A_325 : vector<16xf32>
      %add3A_328 = arith.addf %mul3A_326, %mul3A_327 : vector<16xf32>
      %add3A_329 = arith.constant 10 : i32
      %add3A_330 = arith.addi %mul3A_224, %add3A_329 : i32
      %get3A_331 = arith.index_cast %add3A_330 : i32 to index
      %get3A_332 = arith.constant 0 : index
      %get3A_333 = tpu.vector_load %arg8[%get3A_331, %get3A_332] {strides = array<i32>} : memref<256x32xf32, #tpu.memory_space<vmem>>, vector<1x16xf32>,
      %get3A_334 = vector.shape_cast %get3A_333 : vector<1x16xf32> to vector<16xf32>
      %get3A_335 = arith.index_cast %add3A_330 : i32 to index
      %get3A_336 = arith.constant 16 : index
      %get3A_337 = tpu.vector_load %arg8[%get3A_335, %get3A_336] {strides = array<i32>} : memref<256x32xf32, #tpu.memory_space<vmem>>, vector<1x16xf32>,
      %get3A_338 = vector.shape_cast %get3A_337 : vector<1x16xf32> to vector<16xf32>
      %get3A_339 = arith.index_cast %add3A_330 : i32 to index
      %get3A_340 = arith.constant 0 : index
      %get3A_341 = tpu.vector_load %arg9[%get3A_339, %get3A_340] {strides = array<i32>} : memref<256x32xf32, #tpu.memory_space<vmem>>, vector<1x16xf32>,
      %get3A_342 = vector.shape_cast %get3A_341 : vector<1x16xf32> to vector<16xf32>
      %get3A_343 = arith.index_cast %add3A_330 : i32 to index
      %get3A_344 = arith.constant 16 : index
      %get3A_345 = tpu.vector_load %arg9[%get3A_343, %get3A_344] {strides = array<i32>} : memref<256x32xf32, #tpu.memory_space<vmem>>, vector<1x16xf32>,
      %get3A_346 = vector.shape_cast %get3A_345 : vector<1x16xf32> to vector<16xf32>
      %mul3A_347 = arith.mulf %get3A_334, %get3A_342 : vector<16xf32>
      %mul3A_348 = arith.mulf %get3A_338, %get3A_346 : vector<16xf32>
      %add3A_349 = arith.addf %mul3A_347, %mul3A_348 : vector<16xf32>
      %add3A_350 = arith.constant 6 : i32
      %add3A_351 = arith.addi %mul3A_224, %add3A_350 : i32
      %get3A_352 = arith.index_cast %add3A_351 : i32 to index
      %get3A_353 = arith.constant 0 : index
      %get3A_354 = tpu.vector_load %arg8[%get3A_352, %get3A_353] {strides = array<i32>} : memref<256x32xf32, #tpu.memory_space<vmem>>, vector<1x16xf32>,
      %get3A_355 = vector.shape_cast %get3A_354 : vector<1x16xf32> to vector<16xf32>
      %get3A_356 = arith.index_cast %add3A_351 : i32 to index
      %get3A_357 = arith.constant 16 : index
      %get3A_358 = tpu.vector_load %arg8[%get3A_356, %get3A_357] {strides = array<i32>} : memref<256x32xf32, #tpu.memory_space<vmem>>, vector<1x16xf32>,
      %get3A_359 = vector.shape_cast %get3A_358 : vector<1x16xf32> to vector<16xf32>
      %get3A_360 = arith.index_cast %add3A_351 : i32 to index
      %get3A_361 = arith.constant 0 : index
      %get3A_362 = tpu.vector_load %arg9[%get3A_360, %get3A_361] {strides = array<i32>} : memref<256x32xf32, #tpu.memory_space<vmem>>, vector<1x16xf32>,
      %get3A_363 = vector.shape_cast %get3A_362 : vector<1x16xf32> to vector<16xf32>
      %get3A_364 = arith.index_cast %add3A_351 : i32 to index
      %get3A_365 = arith.constant 16 : index
      %get3A_366 = tpu.vector_load %arg9[%get3A_364, %get3A_365] {strides = array<i32>} : memref<256x32xf32, #tpu.memory_space<vmem>>, vector<1x16xf32>,
      %get3A_367 = vector.shape_cast %get3A_366 : vector<1x16xf32> to vector<16xf32>
      %mul3A_368 = arith.mulf %get3A_355, %get3A_363 : vector<16xf32>
      %mul3A_369 = arith.mulf %get3A_359, %get3A_367 : vector<16xf32>
      %add3A_370 = arith.addf %mul3A_368, %mul3A_369 : vector<16xf32>
      %add3A_371 = arith.constant 14 : i32
      %add3A_372 = arith.addi %mul3A_224, %add3A_371 : i32
      %get3A_373 = arith.index_cast %add3A_372 : i32 to index
      %get3A_374 = arith.constant 0 : index
      %get3A_375 = tpu.vector_load %arg8[%get3A_373, %get3A_374] {strides = array<i32>} : memref<256x32xf32, #tpu.memory_space<vmem>>, vector<1x16xf32>,
      %get3A_376 = vector.shape_cast %get3A_375 : vector<1x16xf32> to vector<16xf32>
      %get3A_377 = arith.index_cast %add3A_372 : i32 to index
      %get3A_378 = arith.constant 16 : index
      %get3A_379 = tpu.vector_load %arg8[%get3A_377, %get3A_378] {strides = array<i32>} : memref<256x32xf32, #tpu.memory_space<vmem>>, vector<1x16xf32>,
      %get3A_380 = vector.shape_cast %get3A_379 : vector<1x16xf32> to vector<16xf32>
      %get3A_381 = arith.index_cast %add3A_372 : i32 to index
      %get3A_382 = arith.constant 0 : index
      %get3A_383 = tpu.vector_load %arg9[%get3A_381, %get3A_382] {strides = array<i32>} : memref<256x32xf32, #tpu.memory_space<vmem>>, vector<1x16xf32>,
      %get3A_384 = vector.shape_cast %get3A_383 : vector<1x16xf32> to vector<16xf32>
      %get3A_385 = arith.index_cast %add3A_372 : i32 to index
      %get3A_386 = arith.constant 16 : index
      %get3A_387 = tpu.vector_load %arg9[%get3A_385, %get3A_386] {strides = array<i32>} : memref<256x32xf32, #tpu.memory_space<vmem>>, vector<1x16xf32>,
      %get3A_388 = vector.shape_cast %get3A_387 : vector<1x16xf32> to vector<16xf32>
      %mul3A_389 = arith.mulf %get3A_376, %get3A_384 : vector<16xf32>
      %mul3A_390 = arith.mulf %get3A_380, %get3A_388 : vector<16xf32>
      %add3A_391 = arith.addf %mul3A_389, %mul3A_390 : vector<16xf32>
      %add3A_392 = arith.constant 1 : i32
      %add3A_393 = arith.addi %mul3A_224, %add3A_392 : i32
      %get3A_394 = arith.index_cast %add3A_393 : i32 to index
      %get3A_395 = arith.constant 0 : index
      %get3A_396 = tpu.vector_load %arg8[%get3A_394, %get3A_395] {strides = array<i32>} : memref<256x32xf32, #tpu.memory_space<vmem>>, vector<1x16xf32>,
      %get3A_397 = vector.shape_cast %get3A_396 : vector<1x16xf32> to vector<16xf32>
      %get3A_398 = arith.index_cast %add3A_393 : i32 to index
      %get3A_399 = arith.constant 16 : index
      %get3A_400 = tpu.vector_load %arg8[%get3A_398, %get3A_399] {strides = array<i32>} : memref<256x32xf32, #tpu.memory_space<vmem>>, vector<1x16xf32>,
      %get3A_401 = vector.shape_cast %get3A_400 : vector<1x16xf32> to vector<16xf32>
      %get3A_402 = arith.index_cast %add3A_393 : i32 to index
      %get3A_403 = arith.constant 0 : index
      %get3A_404 = tpu.vector_load %arg9[%get3A_402, %get3A_403] {strides = array<i32>} : memref<256x32xf32, #tpu.memory_space<vmem>>, vector<1x16xf32>,
      %get3A_405 = vector.shape_cast %get3A_404 : vector<1x16xf32> to vector<16xf32>
      %get3A_406 = arith.index_cast %add3A_393 : i32 to index
      %get3A_407 = arith.constant 16 : index
      %get3A_408 = tpu.vector_load %arg9[%get3A_406, %get3A_407] {strides = array<i32>} : memref<256x32xf32, #tpu.memory_space<vmem>>, vector<1x16xf32>,
      %get3A_409 = vector.shape_cast %get3A_408 : vector<1x16xf32> to vector<16xf32>
      %mul3A_410 = arith.mulf %get3A_397, %get3A_405 : vector<16xf32>
      %mul3A_411 = arith.mulf %get3A_401, %get3A_409 : vector<16xf32>
      %add3A_412 = arith.addf %mul3A_410, %mul3A_411 : vector<16xf32>
      %add3A_413 = arith.constant 9 : i32
      %add3A_414 = arith.addi %mul3A_224, %add3A_413 : i32
      %get3A_415 = arith.index_cast %add3A_414 : i32 to index
      %get3A_416 = arith.constant 0 : index
      %get3A_417 = tpu.vector_load %arg8[%get3A_415, %get3A_416] {strides = array<i32>} : memref<256x32xf32, #tpu.memory_space<vmem>>, vector<1x16xf32>,
      %get3A_418 = vector.shape_cast %get3A_417 : vector<1x16xf32> to vector<16xf32>
      %get3A_419 = arith.index_cast %add3A_414 : i32 to index
      %get3A_420 = arith.constant 16 : index
      %get3A_421 = tpu.vector_load %arg8[%get3A_419, %get3A_420] {strides = array<i32>} : memref<256x32xf32, #tpu.memory_space<vmem>>, vector<1x16xf32>,
      %get3A_422 = vector.shape_cast %get3A_421 : vector<1x16xf32> to vector<16xf32>
      %get3A_423 = arith.index_cast %add3A_414 : i32 to index
      %get3A_424 = arith.constant 0 : index
      %get3A_425 = tpu.vector_load %arg9[%get3A_423, %get3A_424] {strides = array<i32>} : memref<256x32xf32, #tpu.memory_space<vmem>>, vector<1x16xf32>,
      %get3A_426 = vector.shape_cast %get3A_425 : vector<1x16xf32> to vector<16xf32>
      %get3A_427 = arith.index_cast %add3A_414 : i32 to index
      %get3A_428 = arith.constant 16 : index
      %get3A_429 = tpu.vector_load %arg9[%get3A_427, %get3A_428] {strides = array<i32>} : memref<256x32xf32, #tpu.memory_space<vmem>>, vector<1x16xf32>,
      %get3A_430 = vector.shape_cast %get3A_429 : vector<1x16xf32> to vector<16xf32>
      %mul3A_431 = arith.mulf %get3A_418, %get3A_426 : vector<16xf32>
      %mul3A_432 = arith.mulf %get3A_422, %get3A_430 : vector<16xf32>
      %add3A_433 = arith.addf %mul3A_431, %mul3A_432 : vector<16xf32>
      %add3A_434 = arith.constant 5 : i32
      %add3A_435 = arith.addi %mul3A_224, %add3A_434 : i32
      %get3A_436 = arith.index_cast %add3A_435 : i32 to index
      %get3A_437 = arith.constant 0 : index
      %get3A_438 = tpu.vector_load %arg8[%get3A_436, %get3A_437] {strides = array<i32>} : memref<256x32xf32, #tpu.memory_space<vmem>>, vector<1x16xf32>,
      %get3A_439 = vector.shape_cast %get3A_438 : vector<1x16xf32> to vector<16xf32>
      %get3A_440 = arith.index_cast %add3A_435 : i32 to index
      %get3A_441 = arith.constant 16 : index
      %get3A_442 = tpu.vector_load %arg8[%get3A_440, %get3A_441] {strides = array<i32>} : memref<256x32xf32, #tpu.memory_space<vmem>>, vector<1x16xf32>,
      %get3A_443 = vector.shape_cast %get3A_442 : vector<1x16xf32> to vector<16xf32>
      %get3A_444 = arith.index_cast %add3A_435 : i32 to index
      %get3A_445 = arith.constant 0 : index
      %get3A_446 = tpu.vector_load %arg9[%get3A_444, %get3A_445] {strides = array<i32>} : memref<256x32xf32, #tpu.memory_space<vmem>>, vector<1x16xf32>,
      %get3A_447 = vector.shape_cast %get3A_446 : vector<1x16xf32> to vector<16xf32>
      %get3A_448 = arith.index_cast %add3A_435 : i32 to index
      %get3A_449 = arith.constant 16 : index
      %get3A_450 = tpu.vector_load %arg9[%get3A_448, %get3A_449] {strides = array<i32>} : memref<256x32xf32, #tpu.memory_space<vmem>>, vector<1x16xf32>,
      %get3A_451 = vector.shape_cast %get3A_450 : vector<1x16xf32> to vector<16xf32>
      %mul3A_452 = arith.mulf %get3A_439, %get3A_447 : vector<16xf32>
      %mul3A_453 = arith.mulf %get3A_443, %get3A_451 : vector<16xf32>
      %add3A_454 = arith.addf %mul3A_452, %mul3A_453 : vector<16xf32>
      %add3A_455 = arith.constant 13 : i32
      %add3A_456 = arith.addi %mul3A_224, %add3A_455 : i32
      %get3A_457 = arith.index_cast %add3A_456 : i32 to index
      %get3A_458 = arith.constant 0 : index
      %get3A_459 = tpu.vector_load %arg8[%get3A_457, %get3A_458] {strides = array<i32>} : memref<256x32xf32, #tpu.memory_space<vmem>>, vector<1x16xf32>,
      %get3A_460 = vector.shape_cast %get3A_459 : vector<1x16xf32> to vector<16xf32>
      %get3A_461 = arith.index_cast %add3A_456 : i32 to index
      %get3A_462 = arith.constant 16 : index
      %get3A_463 = tpu.vector_load %arg8[%get3A_461, %get3A_462] {strides = array<i32>} : memref<256x32xf32, #tpu.memory_space<vmem>>, vector<1x16xf32>,
      %get3A_464 = vector.shape_cast %get3A_463 : vector<1x16xf32> to vector<16xf32>
      %get3A_465 = arith.index_cast %add3A_456 : i32 to index
      %get3A_466 = arith.constant 0 : index
      %get3A_467 = tpu.vector_load %arg9[%get3A_465, %get3A_466] {strides = array<i32>} : memref<256x32xf32, #tpu.memory_space<vmem>>, vector<1x16xf32>,
      %get3A_468 = vector.shape_cast %get3A_467 : vector<1x16xf32> to vector<16xf32>
      %get3A_469 = arith.index_cast %add3A_456 : i32 to index
      %get3A_470 = arith.constant 16 : index
      %get3A_471 = tpu.vector_load %arg9[%get3A_469, %get3A_470] {strides = array<i32>} : memref<256x32xf32, #tpu.memory_space<vmem>>, vector<1x16xf32>,
      %get3A_472 = vector.shape_cast %get3A_471 : vector<1x16xf32> to vector<16xf32>
      %mul3A_473 = arith.mulf %get3A_460, %get3A_468 : vector<16xf32>
      %mul3A_474 = arith.mulf %get3A_464, %get3A_472 : vector<16xf32>
      %add3A_475 = arith.addf %mul3A_473, %mul3A_474 : vector<16xf32>
      %add3A_476 = arith.constant 3 : i32
      %add3A_477 = arith.addi %mul3A_224, %add3A_476 : i32
      %get3A_478 = arith.index_cast %add3A_477 : i32 to index
      %get3A_479 = arith.constant 0 : index
      %get3A_480 = tpu.vector_load %arg8[%get3A_478, %get3A_479] {strides = array<i32>} : memref<256x32xf32, #tpu.memory_space<vmem>>, vector<1x16xf32>,
      %get3A_481 = vector.shape_cast %get3A_480 : vector<1x16xf32> to vector<16xf32>
      %get3A_482 = arith.index_cast %add3A_477 : i32 to index
      %get3A_483 = arith.constant 16 : index
      %get3A_484 = tpu.vector_load %arg8[%get3A_482, %get3A_483] {strides = array<i32>} : memref<256x32xf32, #tpu.memory_space<vmem>>, vector<1x16xf32>,
      %get3A_485 = vector.shape_cast %get3A_484 : vector<1x16xf32> to vector<16xf32>
      %get3A_486 = arith.index_cast %add3A_477 : i32 to index
      %get3A_487 = arith.constant 0 : index
      %get3A_488 = tpu.vector_load %arg9[%get3A_486, %get3A_487] {strides = array<i32>} : memref<256x32xf32, #tpu.memory_space<vmem>>, vector<1x16xf32>,
      %get3A_489 = vector.shape_cast %get3A_488 : vector<1x16xf32> to vector<16xf32>
      %get3A_490 = arith.index_cast %add3A_477 : i32 to index
      %get3A_491 = arith.constant 16 : index
      %get3A_492 = tpu.vector_load %arg9[%get3A_490, %get3A_491] {strides = array<i32>} : memref<256x32xf32, #tpu.memory_space<vmem>>, vector<1x16xf32>,
      %get3A_493 = vector.shape_cast %get3A_492 : vector<1x16xf32> to vector<16xf32>
      %mul3A_494 = arith.mulf %get3A_481, %get3A_489 : vector<16xf32>
      %mul3A_495 = arith.mulf %get3A_485, %get3A_493 : vector<16xf32>
      %add3A_496 = arith.addf %mul3A_494, %mul3A_495 : vector<16xf32>
      %add3A_497 = arith.constant 11 : i32
      %add3A_498 = arith.addi %mul3A_224, %add3A_497 : i32
      %get3A_499 = arith.index_cast %add3A_498 : i32 to index
      %get3A_500 = arith.constant 0 : index
      %get3A_501 = tpu.vector_load %arg8[%get3A_499, %get3A_500] {strides = array<i32>} : memref<256x32xf32, #tpu.memory_space<vmem>>, vector<1x16xf32>,
      %get3A_502 = vector.shape_cast %get3A_501 : vector<1x16xf32> to vector<16xf32>
      %get3A_503 = arith.index_cast %add3A_498 : i32 to index
      %get3A_504 = arith.constant 16 : index
      %get3A_505 = tpu.vector_load %arg8[%get3A_503, %get3A_504] {strides = array<i32>} : memref<256x32xf32, #tpu.memory_space<vmem>>, vector<1x16xf32>,
      %get3A_506 = vector.shape_cast %get3A_505 : vector<1x16xf32> to vector<16xf32>
      %get3A_507 = arith.index_cast %add3A_498 : i32 to index
      %get3A_508 = arith.constant 0 : index
      %get3A_509 = tpu.vector_load %arg9[%get3A_507, %get3A_508] {strides = array<i32>} : memref<256x32xf32, #tpu.memory_space<vmem>>, vector<1x16xf32>,
      %get3A_510 = vector.shape_cast %get3A_509 : vector<1x16xf32> to vector<16xf32>
      %get3A_511 = arith.index_cast %add3A_498 : i32 to index
      %get3A_512 = arith.constant 16 : index
      %get3A_513 = tpu.vector_load %arg9[%get3A_511, %get3A_512] {strides = array<i32>} : memref<256x32xf32, #tpu.memory_space<vmem>>, vector<1x16xf32>,
      %get3A_514 = vector.shape_cast %get3A_513 : vector<1x16xf32> to vector<16xf32>
      %mul3A_515 = arith.mulf %get3A_502, %get3A_510 : vector<16xf32>
      %mul3A_516 = arith.mulf %get3A_506, %get3A_514 : vector<16xf32>
      %add3A_517 = arith.addf %mul3A_515, %mul3A_516 : vector<16xf32>
      %add3A_518 = arith.constant 7 : i32
      %add3A_519 = arith.addi %mul3A_224, %add3A_518 : i32
      %get3A_520 = arith.index_cast %add3A_519 : i32 to index
      %get3A_521 = arith.constant 0 : index
      %get3A_522 = tpu.vector_load %arg8[%get3A_520, %get3A_521] {strides = array<i32>} : memref<256x32xf32, #tpu.memory_space<vmem>>, vector<1x16xf32>,
      %get3A_523 = vector.shape_cast %get3A_522 : vector<1x16xf32> to vector<16xf32>
      %get3A_524 = arith.index_cast %add3A_519 : i32 to index
      %get3A_525 = arith.constant 16 : index
      %get3A_526 = tpu.vector_load %arg8[%get3A_524, %get3A_525] {strides = array<i32>} : memref<256x32xf32, #tpu.memory_space<vmem>>, vector<1x16xf32>,
      %get3A_527 = vector.shape_cast %get3A_526 : vector<1x16xf32> to vector<16xf32>
      %get3A_528 = arith.index_cast %add3A_519 : i32 to index
      %get3A_529 = arith.constant 0 : index
      %get3A_530 = tpu.vector_load %arg9[%get3A_528, %get3A_529] {strides = array<i32>} : memref<256x32xf32, #tpu.memory_space<vmem>>, vector<1x16xf32>,
      %get3A_531 = vector.shape_cast %get3A_530 : vector<1x16xf32> to vector<16xf32>
      %get3A_532 = arith.index_cast %add3A_519 : i32 to index
      %get3A_533 = arith.constant 16 : index
      %get3A_534 = tpu.vector_load %arg9[%get3A_532, %get3A_533] {strides = array<i32>} : memref<256x32xf32, #tpu.memory_space<vmem>>, vector<1x16xf32>,
      %get3A_535 = vector.shape_cast %get3A_534 : vector<1x16xf32> to vector<16xf32>
      %mul3A_536 = arith.mulf %get3A_523, %get3A_531 : vector<16xf32>
      %mul3A_537 = arith.mulf %get3A_527, %get3A_535 : vector<16xf32>
      %add3A_538 = arith.addf %mul3A_536, %mul3A_537 : vector<16xf32>
      %add3A_539 = arith.constant 15 : i32
      %add3A_540 = arith.addi %mul3A_224, %add3A_539 : i32
      %get3A_541 = arith.index_cast %add3A_540 : i32 to index
      %get3A_542 = arith.constant 0 : index
      %get3A_543 = tpu.vector_load %arg8[%get3A_541, %get3A_542] {strides = array<i32>} : memref<256x32xf32, #tpu.memory_space<vmem>>, vector<1x16xf32>,
      %get3A_544 = vector.shape_cast %get3A_543 : vector<1x16xf32> to vector<16xf32>
      %get3A_545 = arith.index_cast %add3A_540 : i32 to index
      %get3A_546 = arith.constant 16 : index
      %get3A_547 = tpu.vector_load %arg8[%get3A_545, %get3A_546] {strides = array<i32>} : memref<256x32xf32, #tpu.memory_space<vmem>>, vector<1x16xf32>,
      %get3A_548 = vector.shape_cast %get3A_547 : vector<1x16xf32> to vector<16xf32>
      %get3A_549 = arith.index_cast %add3A_540 : i32 to index
      %get3A_550 = arith.constant 0 : index
      %get3A_551 = tpu.vector_load %arg9[%get3A_549, %get3A_550] {strides = array<i32>} : memref<256x32xf32, #tpu.memory_space<vmem>>, vector<1x16xf32>,
      %get3A_552 = vector.shape_cast %get3A_551 : vector<1x16xf32> to vector<16xf32>
      %get3A_553 = arith.index_cast %add3A_540 : i32 to index
      %get3A_554 = arith.constant 16 : index
      %get3A_555 = tpu.vector_load %arg9[%get3A_553, %get3A_554] {strides = array<i32>} : memref<256x32xf32, #tpu.memory_space<vmem>>, vector<1x16xf32>,
      %get3A_556 = vector.shape_cast %get3A_555 : vector<1x16xf32> to vector<16xf32>
      %mul3A_557 = arith.mulf %get3A_544, %get3A_552 : vector<16xf32>
      %mul3A_558 = arith.mulf %get3A_548, %get3A_556 : vector<16xf32>
      %add3A_559 = arith.addf %mul3A_557, %mul3A_558 : vector<16xf32>
      %and3A = arith.constant 8 : i32
      %and3A_560 = vector.broadcast %and3A : i32 to vector<16xi32>
      %and3A_561 = arith.andi %iota3A, %and3A_560 : vector<16xi32>
      %eq3A = arith.constant 0 : i32
      %eq3A_562 = vector.broadcast %eq3A : i32 to vector<16xi32>
      %eq3A_563 = arith.cmpi eq, %and3A_561, %eq3A_562 : vector<16xi32>
      %xor3A = arith.constant 8 : i32
      %xor3A_564 = vector.broadcast %xor3A : i32 to vector<16xi32>
      %xor3A_565 = arith.xori %iota3A, %xor3A_564 : vector<16xi32>
      %broadcast_in_dim3A = vector.shape_cast %xor3A_565 : vector<16xi32> to vector<16x1xi32>
      %gather3A = vector.shape_cast %broadcast_in_dim3A : vector<16x1xi32> to vector<16xi32>
      %gather3A_566 = tpu.dynamic_gather %add3A_244[%gather3A] in [0] : vector<16xf32>, vector<16xi32> -> vector<16xf32>
      %add3A_567 = arith.addf %add3A_244, %gather3A_566 : vector<16xf32>
      %broadcast_in_dim3A_568 = vector.shape_cast %xor3A_565 : vector<16xi32> to vector<16x1xi32>
      %gather3A_569 = vector.shape_cast %broadcast_in_dim3A_568 : vector<16x1xi32> to vector<16xi32>
      %gather3A_570 = tpu.dynamic_gather %add3A_265[%gather3A_569] in [0] : vector<16xf32>, vector<16xi32> -> vector<16xf32>
      %add3A_571 = arith.addf %add3A_265, %gather3A_570 : vector<16xf32>
      %select_n3A = arith.select %eq3A_563, %add3A_567, %add3A_571 : vector<16xi1>, vector<16xf32>
      %broadcast_in_dim3A_572 = vector.shape_cast %xor3A_565 : vector<16xi32> to vector<16x1xi32>
      %gather3A_573 = vector.shape_cast %broadcast_in_dim3A_572 : vector<16x1xi32> to vector<16xi32>
      %gather3A_574 = tpu.dynamic_gather %add3A_286[%gather3A_573] in [0] : vector<16xf32>, vector<16xi32> -> vector<16xf32>
      %add3A_575 = arith.addf %add3A_286, %gather3A_574 : vector<16xf32>
      %broadcast_in_dim3A_576 = vector.shape_cast %xor3A_565 : vector<16xi32> to vector<16x1xi32>
      %gather3A_577 = vector.shape_cast %broadcast_in_dim3A_576 : vector<16x1xi32> to vector<16xi32>
      %gather3A_578 = tpu.dynamic_gather %add3A_307[%gather3A_577] in [0] : vector<16xf32>, vector<16xi32> -> vector<16xf32>
      %add3A_579 = arith.addf %add3A_307, %gather3A_578 : vector<16xf32>
      %select_n3A_580 = arith.select %eq3A_563, %add3A_575, %add3A_579 : vector<16xi1>, vector<16xf32>
      %broadcast_in_dim3A_581 = vector.shape_cast %xor3A_565 : vector<16xi32> to vector<16x1xi32>
      %gather3A_582 = vector.shape_cast %broadcast_in_dim3A_581 : vector<16x1xi32> to vector<16xi32>
      %gather3A_583 = tpu.dynamic_gather %add3A_328[%gather3A_582] in [0] : vector<16xf32>, vector<16xi32> -> vector<16xf32>
      %add3A_584 = arith.addf %add3A_328, %gather3A_583 : vector<16xf32>
      %broadcast_in_dim3A_585 = vector.shape_cast %xor3A_565 : vector<16xi32> to vector<16x1xi32>
      %gather3A_586 = vector.shape_cast %broadcast_in_dim3A_585 : vector<16x1xi32> to vector<16xi32>
      %gather3A_587 = tpu.dynamic_gather %add3A_349[%gather3A_586] in [0] : vector<16xf32>, vector<16xi32> -> vector<16xf32>
      %add3A_588 = arith.addf %add3A_349, %gather3A_587 : vector<16xf32>
      %select_n3A_589 = arith.select %eq3A_563, %add3A_584, %add3A_588 : vector<16xi1>, vector<16xf32>
      %broadcast_in_dim3A_590 = vector.shape_cast %xor3A_565 : vector<16xi32> to vector<16x1xi32>
      %gather3A_591 = vector.shape_cast %broadcast_in_dim3A_590 : vector<16x1xi32> to vector<16xi32>
      %gather3A_592 = tpu.dynamic_gather %add3A_370[%gather3A_591] in [0] : vector<16xf32>, vector<16xi32> -> vector<16xf32>
      %add3A_593 = arith.addf %add3A_370, %gather3A_592 : vector<16xf32>
      %broadcast_in_dim3A_594 = vector.shape_cast %xor3A_565 : vector<16xi32> to vector<16x1xi32>
      %gather3A_595 = vector.shape_cast %broadcast_in_dim3A_594 : vector<16x1xi32> to vector<16xi32>
      %gather3A_596 = tpu.dynamic_gather %add3A_391[%gather3A_595] in [0] : vector<16xf32>, vector<16xi32> -> vector<16xf32>
      %add3A_597 = arith.addf %add3A_391, %gather3A_596 : vector<16xf32>
      %select_n3A_598 = arith.select %eq3A_563, %add3A_593, %add3A_597 : vector<16xi1>, vector<16xf32>
      %broadcast_in_dim3A_599 = vector.shape_cast %xor3A_565 : vector<16xi32> to vector<16x1xi32>
      %gather3A_600 = vector.shape_cast %broadcast_in_dim3A_599 : vector<16x1xi32> to vector<16xi32>
      %gather3A_601 = tpu.dynamic_gather %add3A_412[%gather3A_600] in [0] : vector<16xf32>, vector<16xi32> -> vector<16xf32>
      %add3A_602 = arith.addf %add3A_412, %gather3A_601 : vector<16xf32>
      %broadcast_in_dim3A_603 = vector.shape_cast %xor3A_565 : vector<16xi32> to vector<16x1xi32>
      %gather3A_604 = vector.shape_cast %broadcast_in_dim3A_603 : vector<16x1xi32> to vector<16xi32>
      %gather3A_605 = tpu.dynamic_gather %add3A_433[%gather3A_604] in [0] : vector<16xf32>, vector<16xi32> -> vector<16xf32>
      %add3A_606 = arith.addf %add3A_433, %gather3A_605 : vector<16xf32>
      %select_n3A_607 = arith.select %eq3A_563, %add3A_602, %add3A_606 : vector<16xi1>, vector<16xf32>
      %broadcast_in_dim3A_608 = vector.shape_cast %xor3A_565 : vector<16xi32> to vector<16x1xi32>
      %gather3A_609 = vector.shape_cast %broadcast_in_dim3A_608 : vector<16x1xi32> to vector<16xi32>
      %gather3A_610 = tpu.dynamic_gather %add3A_454[%gather3A_609] in [0] : vector<16xf32>, vector<16xi32> -> vector<16xf32>
      %add3A_611 = arith.addf %add3A_454, %gather3A_610 : vector<16xf32>
      %broadcast_in_dim3A_612 = vector.shape_cast %xor3A_565 : vector<16xi32> to vector<16x1xi32>
      %gather3A_613 = vector.shape_cast %broadcast_in_dim3A_612 : vector<16x1xi32> to vector<16xi32>
      %gather3A_614 = tpu.dynamic_gather %add3A_475[%gather3A_613] in [0] : vector<16xf32>, vector<16xi32> -> vector<16xf32>
      %add3A_615 = arith.addf %add3A_475, %gather3A_614 : vector<16xf32>
      %select_n3A_616 = arith.select %eq3A_563, %add3A_611, %add3A_615 : vector<16xi1>, vector<16xf32>
      %broadcast_in_dim3A_617 = vector.shape_cast %xor3A_565 : vector<16xi32> to vector<16x1xi32>
      %gather3A_618 = vector.shape_cast %broadcast_in_dim3A_617 : vector<16x1xi32> to vector<16xi32>
      %gather3A_619 = tpu.dynamic_gather %add3A_496[%gather3A_618] in [0] : vector<16xf32>, vector<16xi32> -> vector<16xf32>
      %add3A_620 = arith.addf %add3A_496, %gather3A_619 : vector<16xf32>
      %broadcast_in_dim3A_621 = vector.shape_cast %xor3A_565 : vector<16xi32> to vector<16x1xi32>
      %gather3A_622 = vector.shape_cast %broadcast_in_dim3A_621 : vector<16x1xi32> to vector<16xi32>
      %gather3A_623 = tpu.dynamic_gather %add3A_517[%gather3A_622] in [0] : vector<16xf32>, vector<16xi32> -> vector<16xf32>
      %add3A_624 = arith.addf %add3A_517, %gather3A_623 : vector<16xf32>
      %select_n3A_625 = arith.select %eq3A_563, %add3A_620, %add3A_624 : vector<16xi1>, vector<16xf32>
      %broadcast_in_dim3A_626 = vector.shape_cast %xor3A_565 : vector<16xi32> to vector<16x1xi32>
      %gather3A_627 = vector.shape_cast %broadcast_in_dim3A_626 : vector<16x1xi32> to vector<16xi32>
      %gather3A_628 = tpu.dynamic_gather %add3A_538[%gather3A_627] in [0] : vector<16xf32>, vector<16xi32> -> vector<16xf32>
      %add3A_629 = arith.addf %add3A_538, %gather3A_628 : vector<16xf32>
      %broadcast_in_dim3A_630 = vector.shape_cast %xor3A_565 : vector<16xi32> to vector<16x1xi32>
      %gather3A_631 = vector.shape_cast %broadcast_in_dim3A_630 : vector<16x1xi32> to vector<16xi32>
      %gather3A_632 = tpu.dynamic_gather %add3A_559[%gather3A_631] in [0] : vector<16xf32>, vector<16xi32> -> vector<16xf32>
      %add3A_633 = arith.addf %add3A_559, %gather3A_632 : vector<16xf32>
      %select_n3A_634 = arith.select %eq3A_563, %add3A_629, %add3A_633 : vector<16xi1>, vector<16xf32>
      %and3A_635 = arith.constant 4 : i32
      %and3A_636 = vector.broadcast %and3A_635 : i32 to vector<16xi32>
      %and3A_637 = arith.andi %iota3A, %and3A_636 : vector<16xi32>
      %eq3A_638 = arith.constant 0 : i32
      %eq3A_639 = vector.broadcast %eq3A_638 : i32 to vector<16xi32>
      %eq3A_640 = arith.cmpi eq, %and3A_637, %eq3A_639 : vector<16xi32>
      %xor3A_641 = arith.constant 4 : i32
      %xor3A_642 = vector.broadcast %xor3A_641 : i32 to vector<16xi32>
      %xor3A_643 = arith.xori %iota3A, %xor3A_642 : vector<16xi32>
      %broadcast_in_dim3A_644 = vector.shape_cast %xor3A_643 : vector<16xi32> to vector<16x1xi32>
      %gather3A_645 = vector.shape_cast %broadcast_in_dim3A_644 : vector<16x1xi32> to vector<16xi32>
      %gather3A_646 = tpu.dynamic_gather %select_n3A[%gather3A_645] in [0] : vector<16xf32>, vector<16xi32> -> vector<16xf32>
      %add3A_647 = arith.addf %select_n3A, %gather3A_646 : vector<16xf32>
      %broadcast_in_dim3A_648 = vector.shape_cast %xor3A_643 : vector<16xi32> to vector<16x1xi32>
      %gather3A_649 = vector.shape_cast %broadcast_in_dim3A_648 : vector<16x1xi32> to vector<16xi32>
      %gather3A_650 = tpu.dynamic_gather %select_n3A_580[%gather3A_649] in [0] : vector<16xf32>, vector<16xi32> -> vector<16xf32>
      %add3A_651 = arith.addf %select_n3A_580, %gather3A_650 : vector<16xf32>
      %select_n3A_652 = arith.select %eq3A_640, %add3A_647, %add3A_651 : vector<16xi1>, vector<16xf32>
      %broadcast_in_dim3A_653 = vector.shape_cast %xor3A_643 : vector<16xi32> to vector<16x1xi32>
      %gather3A_654 = vector.shape_cast %broadcast_in_dim3A_653 : vector<16x1xi32> to vector<16xi32>
      %gather3A_655 = tpu.dynamic_gather %select_n3A_589[%gather3A_654] in [0] : vector<16xf32>, vector<16xi32> -> vector<16xf32>
      %add3A_656 = arith.addf %select_n3A_589, %gather3A_655 : vector<16xf32>
      %broadcast_in_dim3A_657 = vector.shape_cast %xor3A_643 : vector<16xi32> to vector<16x1xi32>
      %gather3A_658 = vector.shape_cast %broadcast_in_dim3A_657 : vector<16x1xi32> to vector<16xi32>
      %gather3A_659 = tpu.dynamic_gather %select_n3A_598[%gather3A_658] in [0] : vector<16xf32>, vector<16xi32> -> vector<16xf32>
      %add3A_660 = arith.addf %select_n3A_598, %gather3A_659 : vector<16xf32>
      %select_n3A_661 = arith.select %eq3A_640, %add3A_656, %add3A_660 : vector<16xi1>, vector<16xf32>
      %broadcast_in_dim3A_662 = vector.shape_cast %xor3A_643 : vector<16xi32> to vector<16x1xi32>
      %gather3A_663 = vector.shape_cast %broadcast_in_dim3A_662 : vector<16x1xi32> to vector<16xi32>
      %gather3A_664 = tpu.dynamic_gather %select_n3A_607[%gather3A_663] in [0] : vector<16xf32>, vector<16xi32> -> vector<16xf32>
      %add3A_665 = arith.addf %select_n3A_607, %gather3A_664 : vector<16xf32>
      %broadcast_in_dim3A_666 = vector.shape_cast %xor3A_643 : vector<16xi32> to vector<16x1xi32>
      %gather3A_667 = vector.shape_cast %broadcast_in_dim3A_666 : vector<16x1xi32> to vector<16xi32>
      %gather3A_668 = tpu.dynamic_gather %select_n3A_616[%gather3A_667] in [0] : vector<16xf32>, vector<16xi32> -> vector<16xf32>
      %add3A_669 = arith.addf %select_n3A_616, %gather3A_668 : vector<16xf32>
      %select_n3A_670 = arith.select %eq3A_640, %add3A_665, %add3A_669 : vector<16xi1>, vector<16xf32>
      %broadcast_in_dim3A_671 = vector.shape_cast %xor3A_643 : vector<16xi32> to vector<16x1xi32>
      %gather3A_672 = vector.shape_cast %broadcast_in_dim3A_671 : vector<16x1xi32> to vector<16xi32>
      %gather3A_673 = tpu.dynamic_gather %select_n3A_625[%gather3A_672] in [0] : vector<16xf32>, vector<16xi32> -> vector<16xf32>
      %add3A_674 = arith.addf %select_n3A_625, %gather3A_673 : vector<16xf32>
      %broadcast_in_dim3A_675 = vector.shape_cast %xor3A_643 : vector<16xi32> to vector<16x1xi32>
      %gather3A_676 = vector.shape_cast %broadcast_in_dim3A_675 : vector<16x1xi32> to vector<16xi32>
      %gather3A_677 = tpu.dynamic_gather %select_n3A_634[%gather3A_676] in [0] : vector<16xf32>, vector<16xi32> -> vector<16xf32>
      %add3A_678 = arith.addf %select_n3A_634, %gather3A_677 : vector<16xf32>
      %select_n3A_679 = arith.select %eq3A_640, %add3A_674, %add3A_678 : vector<16xi1>, vector<16xf32>
      %and3A_680 = arith.constant 2 : i32
      %and3A_681 = vector.broadcast %and3A_680 : i32 to vector<16xi32>
      %and3A_682 = arith.andi %iota3A, %and3A_681 : vector<16xi32>
      %eq3A_683 = arith.constant 0 : i32
      %eq3A_684 = vector.broadcast %eq3A_683 : i32 to vector<16xi32>
      %eq3A_685 = arith.cmpi eq, %and3A_682, %eq3A_684 : vector<16xi32>
      %xor3A_686 = arith.constant 2 : i32
      %xor3A_687 = vector.broadcast %xor3A_686 : i32 to vector<16xi32>
      %xor3A_688 = arith.xori %iota3A, %xor3A_687 : vector<16xi32>
      %broadcast_in_dim3A_689 = vector.shape_cast %xor3A_688 : vector<16xi32> to vector<16x1xi32>
      %gather3A_690 = vector.shape_cast %broadcast_in_dim3A_689 : vector<16x1xi32> to vector<16xi32>
      %gather3A_691 = tpu.dynamic_gather %select_n3A_652[%gather3A_690] in [0] : vector<16xf32>, vector<16xi32> -> vector<16xf32>
      %add3A_692 = arith.addf %select_n3A_652, %gather3A_691 : vector<16xf32>
      %broadcast_in_dim3A_693 = vector.shape_cast %xor3A_688 : vector<16xi32> to vector<16x1xi32>
      %gather3A_694 = vector.shape_cast %broadcast_in_dim3A_693 : vector<16x1xi32> to vector<16xi32>
      %gather3A_695 = tpu.dynamic_gather %select_n3A_661[%gather3A_694] in [0] : vector<16xf32>, vector<16xi32> -> vector<16xf32>
      %add3A_696 = arith.addf %select_n3A_661, %gather3A_695 : vector<16xf32>
      %select_n3A_697 = arith.select %eq3A_685, %add3A_692, %add3A_696 : vector<16xi1>, vector<16xf32>
      %broadcast_in_dim3A_698 = vector.shape_cast %xor3A_688 : vector<16xi32> to vector<16x1xi32>
      %gather3A_699 = vector.shape_cast %broadcast_in_dim3A_698 : vector<16x1xi32> to vector<16xi32>
      %gather3A_700 = tpu.dynamic_gather %select_n3A_670[%gather3A_699] in [0] : vector<16xf32>, vector<16xi32> -> vector<16xf32>
      %add3A_701 = arith.addf %select_n3A_670, %gather3A_700 : vector<16xf32>
      %broadcast_in_dim3A_702 = vector.shape_cast %xor3A_688 : vector<16xi32> to vector<16x1xi32>
      %gather3A_703 = vector.shape_cast %broadcast_in_dim3A_702 : vector<16x1xi32> to vector<16xi32>
      %gather3A_704 = tpu.dynamic_gather %select_n3A_679[%gather3A_703] in [0] : vector<16xf32>, vector<16xi32> -> vector<16xf32>
      %add3A_705 = arith.addf %select_n3A_679, %gather3A_704 : vector<16xf32>
      %select_n3A_706 = arith.select %eq3A_685, %add3A_701, %add3A_705 : vector<16xi1>, vector<16xf32>
      %and3A_707 = arith.constant 1 : i32
      %and3A_708 = vector.broadcast %and3A_707 : i32 to vector<16xi32>
      %and3A_709 = arith.andi %iota3A, %and3A_708 : vector<16xi32>
      %eq3A_710 = arith.constant 0 : i32
      %eq3A_711 = vector.broadcast %eq3A_710 : i32 to vector<16xi32>
      %eq3A_712 = arith.cmpi eq, %and3A_709, %eq3A_711 : vector<16xi32>
      %xor3A_713 = arith.constant 1 : i32
      %xor3A_714 = vector.broadcast %xor3A_713 : i32 to vector<16xi32>
      %xor3A_715 = arith.xori %iota3A, %xor3A_714 : vector<16xi32>
      %broadcast_in_dim3A_716 = vector.shape_cast %xor3A_715 : vector<16xi32> to vector<16x1xi32>
      %gather3A_717 = vector.shape_cast %broadcast_in_dim3A_716 : vector<16x1xi32> to vector<16xi32>
      %gather3A_718 = tpu.dynamic_gather %select_n3A_697[%gather3A_717] in [0] : vector<16xf32>, vector<16xi32> -> vector<16xf32>
      %add3A_719 = arith.addf %select_n3A_697, %gather3A_718 : vector<16xf32>
      %broadcast_in_dim3A_720 = vector.shape_cast %xor3A_715 : vector<16xi32> to vector<16x1xi32>
      %gather3A_721 = vector.shape_cast %broadcast_in_dim3A_720 : vector<16x1xi32> to vector<16xi32>
      %gather3A_722 = tpu.dynamic_gather %select_n3A_706[%gather3A_721] in [0] : vector<16xf32>, vector<16xi32> -> vector<16xf32>
      %add3A_723 = arith.addf %select_n3A_706, %gather3A_722 : vector<16xf32>
      %select_n3A_724 = arith.select %eq3A_712, %add3A_719, %add3A_723 : vector<16xi1>, vector<16xf32>
      %add3A_725 = arith.constant 256 : i32
      %add3A_726 = arith.addi %add3A_725, %mul3A_224 : i32
      %swap3A = arith.index_cast %add3A_726 : i32 to index
      %swap3A_727 = tpu.vector_load %arg10[%swap3A] {strides = array<i32>} : memref<512xf32, #tpu.memory_space<vmem>>, vector<16xf32>,
      %swap3A_728 = vector.shape_cast %swap3A_727 : vector<16xf32> to vector<16xf32>
      %swap3A_729 = vector.shape_cast %select_n3A_724 : vector<16xf32> to vector<16xf32>
      tpu.vector_store %arg10[%swap3A], %swap3A_729 {strides = array<i32>} : memref<512xf32, #tpu.memory_space<vmem>>, vector<16xf32>,
      %scan3A_730 = arith.constant 0 : i32
      scf.yield %scan3A_730 : i32
    }
    %scan3A_220 = arith.constant 16 : i32
    "tpu.region"() ({
      %run_scoped3A = tpu.sem_alloc : memref<!tpu.dma_semaphore, #tpu.memory_space<semaphore_mem>>
      %dma_start3A = tpu.memref_slice %arg5[%mul3A_2] : memref<16384xf32, #tpu.memory_space<hbm>> -> memref<512xf32, #tpu.memory_space<hbm>>
      %dma_start3A_221 = tpu.memref_slice %arg5[%mul3A_2] : memref<16384xf32, #tpu.memory_space<hbm>> -> memref<512xf32, #tpu.memory_space<hbm>>
      tpu.enqueue_dma source(%arg10 : memref<512xf32, #tpu.memory_space<vmem>>) target(%dma_start3A_221 : memref<512xf32, #tpu.memory_space<hbm>>) target_semaphore(%run_scoped3A : memref<!tpu.dma_semaphore, #tpu.memory_space<semaphore_mem>>)
      %dma_wait3A_222 = tpu.memref_slice %arg5[%mul3A_2] : memref<16384xf32, #tpu.memory_space<hbm>> -> memref<512xf32, #tpu.memory_space<hbm>>
      %dma_wait3A_223 = tpu.memref_slice %arg5[%mul3A_2] : memref<16384xf32, #tpu.memory_space<hbm>> -> memref<512xf32, #tpu.memory_space<hbm>>
      tpu.wait_dma2 semaphore(%run_scoped3A : memref<!tpu.dma_semaphore, #tpu.memory_space<semaphore_mem>>) src(%arg10 : memref<512xf32, #tpu.memory_space<vmem>>) dst(%dma_wait3A_223 : memref<512xf32, #tpu.memory_space<hbm>>)
      tpu.yield
    }) : () -> ()
    return
  }
}

</mosaic_0001>

<sc_bundles>
// kernel: kernel.3.cloned.1.call-start
scs
__scs_entry_jumppad:
0x0: {  	(pc) =	sbr.rel $0x88, $3  }
0x1: {  	(tag) =	ssettag $0x0;
	lr =	simm.s32 $0x1  }
0x2: {  	[smem:$0x3F9E] =	sst lr;
	_ =	strace $0xD0000000  }
0x3: {  	_ = 	snop  }
0x4: {  	_ = 	snop  }
0x5: {  	_ = 	snop  }
0x6: {  	_ = 	snop  }
0x7: {  	_ = 	snop  }
__scs_overlays_trampoline_lowered:
0x8: {  	[smem:$0x3FAD] =	sst s0  }
0x9: {  	[smem:$0x3FAE] =	sst s1  }
0xa: {  	[smem:$0x3FAF] =	sst s2  }
0xb: {  	[smem:$0x3FB0] =	sst s3  }
0xc: {  	[smem:$0x3FB1] =	sst s4  }
0xd: {  	[smem:$0x3FB2] =	sst s5  }
0xe: {  	[smem:$0x3FB3] =	sst s6  }
0xf: {  	[smem:$0x3FB4] =	sst s7  }
0x10: {  	[smem:$0x3FB5] =	sst s8  }
0x11: {  	[smem:$0x3FB6] =	sst s9;
	s0 =	simm.s32 @!p0 $0x0  }
0x12: {  	s1 =	sld [smem:$0x3F9C];
	s0 =	simm.s32 @p0 $0x1  }
0x13: {  	[smem:$0x3FB7] =	sst s0;
	s0 =	simm.s32 @!p1 $0x0  }
0x14: {  	s2 =	sld [smem:$0x3F9B];
	s0 =	simm.s32 @p1 $0x1  }
0x15: {  	[smem:$0x3FB8] =	sst s0;
	s0 =	simm.s32 @!p2 $0x0  }
0x16: {  	s3 =	sld [smem:$0x3FDB];
	s0 =	simm.s32 @p2 $0x1  }
0x17: {  	s4 =	simm.s32 $0x1BF5;
	[smem:$0x3FBA] =	sst s0  }
0x18: {  	s0 =	sld [smem:$0x3F9D];
	_ =	swait.ge [sflag:s4], $0x0  }
0x19: {  	s7 =	sld [smem:$0x3F9E]  }
0x1a: {  	s8 =	sadd.s32 $0xFFFFE003, lr  }
0x1b: {  	s9 =	sadd.s32 $0xFFFFFEF7, lr;
	s5 =	simm.s32 $0xFFFFFFFF;
	p2 =	slt.u32 s8, $0xFFFFF086  }
0x1c: {  	p1 =	slt.u32 s9, $0xF7A;
	s5 =	simm.s32 @!p2 $0x0  }
0x1d: {  	s5 =	simm.s32 @p1 $0x1;
	p0 =	seq.s32 s7, s2  }
0x1e: {  	s7 =	smul.u32 @!p0 $0xF7A, s2;
	p2 =	seq.s32 @!p0 s5, $0x0  }
0x1f: {  	s9 =	smul.u32 $0xF7A, s1;
	s8 =	simm.s32 @!p0 $0x1BF5;
	p2 =	por !p2, p0  }
0x20: {  	[sflag:s8] =	ssyncset.s32 @!p0 $0xFFFFF086;
	s6 =	sadd.s32 @!p0 s3, s7;
	s7 =	simm.s32 @!p0 $0x108  }
0x21: {  	s3 =	sadd.s32 s3, s9;
	s6 =	sadd.s32 @!p0 $0x88, s6;
	s7 =	simm.s32 @p2 $0x1082  }
0x22: {  	[simem:s7], [sflag:s8] =	dma.local @!p0 [hbm:s6], $0xF7A  }
0x23: {  	s9 =	sor.u32 $0xD0000000, s2;
	s6 =	simm.s32 $0x108;
	_ =	swait.ge @!p0 [sflag:s8], $0x0  }
0x24: {  	s3 =	sadd.s32 $0x88, s3;
	s6 =	simm.s32 @!p1 $0x1082;
	[sflag:s4] =	ssyncset.s32 $0xFFFFF086  }
0x25: {  	[simem:s6], [sflag:s4] =	dma.local [hbm:s3], $0xF7A  }
0x26: {  	[smem:$0x3F9E] =	sst s1;
	(tag) =	ssettag s2;
	_ =	strace s9  }
0x27: {  	s1 =	sld [smem:$0x3FAE]  }
0x28: {  	s2 =	sld [smem:$0x3FAF]  }
0x29: {  	s4 =	sld [smem:$0x3FB1]  }
0x2a: {  	p0 =	seq.s32 s5, $0x0;
	s5 =	sld [smem:$0x3FB2]  }
0x2b: {  	s6 =	sld [smem:$0x3FB3]  }
0x2c: {  	s7 =	sld [smem:$0x3FB4]  }
0x2d: {  	s3 =	simm.s32 $0x108;
	s8 =	sld [smem:$0x3FB5]  }
0x2e: {  	s3 =	simm.s32 @!p0 $0x1082;
	s9 =	sld [smem:$0x3FB6]  }
0x2f: {  	lr =	sadd.s32 s0, s3;
	s0 =	sld [smem:$0x3FAD]  }
0x30: {  	s3 =	sld [smem:$0x3FB0]  }
0x31: {  	[smem:$0x3FB9] =	sst s10  }
0x32: {  	s10 =	sld [smem:$0x3FB7];
	_ =	sdelay $0x3  }
0x33: {  	p0 =	seq.s32 s10, $0x1;
	s10 =	sld [smem:$0x3FB9];
	_ =	sdelay $0x3  }
0x34: {  	[smem:$0x3FB9] =	sst s10  }
0x35: {  	s10 =	sld [smem:$0x3FB8];
	_ =	sdelay $0x3  }
0x36: {  	p1 =	seq.s32 s10, $0x1;
	s10 =	sld [smem:$0x3FB9];
	_ =	sdelay $0x3  }
0x37: {  	[smem:$0x3FB9] =	sst s10  }
0x38: {  	s10 =	sld [smem:$0x3FBA]  }
0x39: {  	_ = 	snop;
	(pc) =	sbr.ind lr, $3  }
0x3a: {  	_ = 	snop  }
0x3b: {  	_ = 	snop  }
0x3c: {  	p2 =	seq.s32 s10, $0x1;
	s10 =	sld [smem:$0x3FB9]  }
0x3d: {  	_ =	shalt  }
0x3e: {  	_ =	shalt  }
0x3f: {  	_ =	shalt  }
0x40: {  	_ =	shalt  }
0x41: {  	_ =	shalt  }
0x42: {  	_ =	shalt  }
0x43: {  	_ =	shalt  }
0x44: {  	_ =	shalt  }
0x45: {  	_ =	shalt  }
0x46: {  	_ =	shalt  }
0x47: {  	_ =	shalt  }
0x48: {  	_ =	shalt  }
0x49: {  	_ =	shalt  }
0x4a: {  	_ =	shalt  }
0x4b: {  	_ =	shalt  }
0x4c: {  	_ =	shalt  }
0x4d: {  	_ =	shalt  }
0x4e: {  	_ =	shalt  }
0x4f: {  	_ =	shalt  }
0x50: {  	_ =	shalt  }
0x51: {  	_ =	shalt  }
0x52: {  	_ =	shalt  }
0x53: {  	_ =	shalt  }
0x54: {  	_ =	shalt  }
0x55: {  	_ =	shalt  }
0x56: {  	_ =	shalt  }
0x57: {  	_ =	shalt  }
0x58: {  	_ =	shalt  }
0x59: {  	_ =	shalt  }
0x5a: {  	_ =	shalt  }
0x5b: {  	_ =	shalt  }
0x5c: {  	_ =	shalt  }
0x5d: {  	_ =	shalt  }
0x5e: {  	_ =	shalt  }
0x5f: {  	_ =	shalt  }
0x60: {  	_ =	shalt  }
0x61: {  	_ =	shalt  }
0x62: {  	_ =	shalt  }
0x63: {  	_ =	shalt  }
0x64: {  	_ =	shalt  }
0x65: {  	_ =	shalt  }
0x66: {  	_ =	shalt  }
0x67: {  	_ =	shalt  }
0x68: {  	_ =	shalt  }
0x69: {  	_ =	shalt  }
0x6a: {  	_ =	shalt  }
0x6b: {  	_ =	shalt  }
0x6c: {  	_ =	shalt  }
0x6d: {  	_ =	shalt  }
0x6e: {  	_ =	shalt  }
0x6f: {  	_ =	shalt  }
0x70: {  	_ =	shalt  }
0x71: {  	_ =	shalt  }
0x72: {  	_ =	shalt  }
0x73: {  	_ =	shalt  }
0x74: {  	_ =	shalt  }
0x75: {  	_ =	shalt  }
0x76: {  	_ =	shalt  }
0x77: {  	_ =	shalt  }
0x78: {  	_ =	shalt  }
0x79: {  	_ =	shalt  }
0x7a: {  	_ =	shalt  }
0x7b: {  	_ =	shalt  }
0x7c: {  	_ =	shalt  }
0x7d: {  	_ =	shalt  }
0x7e: {  	_ =	shalt  }
0x7f: {  	_ =	shalt  }
0x80: {  	_ =	shalt  }
0x81: {  	_ =	shalt  }
0x82: {  	_ =	shalt  }
0x83: {  	_ =	shalt  }
0x84: {  	_ =	shalt  }
0x85: {  	_ =	shalt  }
0x86: {  	_ =	shalt  }
0x87: {  	_ =	shalt  }
.Lfunc_end0:
.L_simem_size_0:
called_computation_lowered:
.L_overlay_start_0:
0x88: {  	s2 =	sld [smem:$0x3FD9]  }
0x89: {  	s3 =	sld [smem:$0x3FFE];
	_ =	sdelay $0x1  }
0x8a: {  	s1 =	srdreg.scid  }
0x8b: {  	s0 =	sand.u32 $0x1, s1  }
0x8c: {  	s17 =	sshll.u32 s0, $0xA;
	s2 =	sadd.s32 s3, s2  }
0x8d: {  	s2 =	sadd.s32 s2, s17  }
0x8e: {  	[smem:$0x3FC5] =	sst s2  }
0x8f: {  	_ = 	snop  }
0x90: {  	s2 =	sld [smem:$0x3FC9]  }
0x91: {  	s18 =	sld [smem:$0x3FC8]  }
0x92: {  	s4 =	sld [smem:$0x3FD0];
	(tm) =	ssettm $0x1  }
0x93: {  	s5 =	sld [smem:$0x3FFB];
	_ =	sdelay $0x3  }
0x94: {  	_ =	strace s5  }
0x95: {  	s5 =	sld [smem:$0x3FFC];
	_ =	sdelay $0x3  }
0x96: {  	_ =	strace s5  }
0x97: {  	s5 =	sld [smem:$0x3FFD];
	_ =	sdelay $0x3  }
0x98: {  	_ =	strace s5  }
0x99: {  	_ =	strace $0x8FFFFFFF  }
0x9a: {  	s19 =	sld [smem:$0x3FDB];
	_ =	sdelay $0x1  }
0x9b: {  	s6 =	simm.s32 $_scs_section_size  }
0x9c: {  	s7 =	simm.s32 $_size__tile_overlayer_lowered;
	s8 =	simm.s32 $_tile_overlayer_lowered  }
0x9d: {  	s22 =	simm.s32 $0x1BFF;
	s21 =	sshll.u32 s8, $0x1;
	s5 =	sadd.s32 s6, s19  }
0x9e: {  	s9 =	simm.s32 $0x0;
	s20 =	sshll.u32 s7, $0x1;
	s7 =	sadd.s32 s21, s5  }
0x9f: {  	[timem:s9], [sflag:s22] =	dma.local [hbm:s7], s20  }
0xa0: {  	_ =	swait.ge [sflag:s22], s20  }
0xa1: {  	s6 =	ssub.s32 $0x0, s20;
	[sflag:s22] =	ssyncset.done $0x0  }
0xa2: {  	[sflag:s22] =	ssyncadd.s32 s6;
	_ =	sdelay $0x1  }
0xa3: {  	s23 =	simm.s32 $0x1B8B  }
0xa4: {  	_ =	swait.ge [sflag:s23], $0x1  }
0xa5: {  	[sflag:s23] =	ssyncset.done $0x0  }
0xa6: {  	s25 =	simm.s32 $0x1B8E;
	s24 =	sld [smem:$0x3FFE];
	[sflag:s23] =	ssyncadd.s32 $0xFFFFFFFF  }
0xa7: {  	s26 =	simm.s32 $execute0_lowered;
	[smem:$0x3FD2] =	sst s25  }
0xa8: {  	s7 =	sshll.u32 s26, $0x1;
	_ =	strace $0x80000046;
	[dreg:$0x1] =	wrdreg $0xFFFFFFFF  }
0xa9: {  	s28 =	simm.s32 $_size_execute0_lowered;
	s5 =	sadd.s32 s5, s7;
	[dreg:$0x0] =	wrdreg $0x0  }
0xaa: {  	s7 =	sshll.u32 s28, $0x1;
	[dreg:$0x2] =	wrdreg s5  }
0xab: {  	[dreg:$0x3] =	wrdreg s7  }
0xac: {  	[dreg:$0x4] =	wrdreg $0xC0  }
0xad: {  	_ =	task [dreg:s9], $0x5FFFF  }
0xae: {  	[dreg:$0x1] =	wrdreg $0xFFFFFFFF  }
0xaf: {  	[dreg:$0x0] =	wrdreg $0x60  }
0xb0: {  	[dreg:$0x2] =	wrdreg s2  }
0xb1: {  	[dreg:$0x3] =	wrdreg s18  }
0xb2: {  	[dreg:$0x4] =	wrdreg s24  }
0xb3: {  	[dreg:$0x5] =	wrdreg s4  }
0xb4: {  	[dreg:$0x6] =	wrdreg $0x9  }
0xb5: {  	_ =	task.clear_ibuf [dreg:s9], $0x7FFFF;
	_ =	strace $0x90000046  }
0xb6: {  	s29 =	simm.s32 $0x9;
	_ =	strace $0x80000048  }
0xb7: {  	_ =	swait.ge [sflag:s29], $0x1  }
0xb8: {  	[sflag:s29] =	ssyncadd.s32 $0xFFFFFFFF  }
0xb9: {  	_ =	strace $0x90000048  }
0xba: {  	_ =	sfence  }
0xbb: {  	s30 =	sld [smem:$0x0];
	_ =	sdelay $0x2  }
0xbc: {  	s31 =	sshll.u32 s1, $0xD;
	s1 =	sshrl.u32 s1, $0x2  }
0xbd: {  	s3 =	sand.u32 $0x4000, s31;
	s1 =	sadd.s32 s1, s30  }
0xbe: {  	s0 =	sor.u32 s3, s0;
	s1 =	sshll.u32 s1, $0x11  }
0xbf: {  	s0 =	sor.u32 s1, s0  }
0xc0: {  	s0 =	sadd.s32 $0x8F2B, s0  }
0xc1: {  	[sflag:s0] =	ssyncadd.remote.s32 $0x1  }
0xc2: {  	_ =	sfence.sel $0xFFFF  }
0xc3: {  	[dreg:$0x0] =	wrdreg $0xFFFFFFFF;
	(pc) =	sbr.abs _section_cstart, $3  }
0xc4: {  	[dreg:$0x1] =	wrdreg $0xFFFFFFFF  }
0xc5: {  	_ =	task.clear_ibuf [dreg:s9], $0x2FFFF;
	_ =	strace $0x9FFFFFFF  }
0xc6: {  	(tm) =	ssettm $0x7FFFFFFF  }
0xc7: {  	_ =	shalt  }
tec
execute0_lowered:
.L_overlay_start_1:
0x0: {  	(tag) =	ssettag $0x1  }
0x1: {  	v0 =	vimm.s32 $0x76543210;
	v1 =	vimm.s32 $0xFEDCBA98;
	v2 =	vimm.s32 $0xBA98FEDC  }
0x2: {  	v3 =	vimm.s32 $0x32107654;
	v4 =	vimm.s32 $0xDCFE98BA;
	v5 =	vimm.s32 $0x54761032  }
0x3: {  	vm0 =	vcmask $0x2F20;
	vm1 =	vcmask $0xF00;
	vm2 =	vcmask $0x1710  }
0x4: {  	vm3 =	vcmask $0x700;
	vm4 =	vcmask $0x300;
	v1 =	vunpack.c.l.s4.s8 v1  }
0x5: {  	v0 =	vunpack.c.l.s4.s8 v0;
	v2 =	vunpack.c.l.s4.s8 v2;
	v3 =	vunpack.c.l.s4.s8 v3  }
0x6: {  	v4 =	vunpack.c.l.s4.s8 v4;
	vm0 =	vmor vm1, vm0;
	v1 =	vunpack.c.0.s8.s32 v1  }
0x7: {  	v0 =	vunpack.c.0.s8.s32 v0;
	v2 =	vunpack.c.0.s8.s32 v2;
	v3 =	vunpack.c.0.s8.s32 v3  }
0x8: {  	vm1 =	vmor vm3, vm2;
	vm3 =	vcmask $0xB08;
	v1 =	vand.u32 $0xF, v1  }
0x9: {  	v0 =	vcombine.low v1, v0;
	v1 =	vcombine.low v3, v2;
	v2 =	vunpack.c.l.s4.s8 v5  }
0xa: {  	s0 =	rddreg [dreg:$0x0];
	vm2 =	vcmask $0x2720;
	vm3 =	vmor vm4, vm3  }
0xb: {  	s2 =	rddreg [dreg:$0x1];
	vm4 =	vcmask $0x1310;
	v3 =	vunpack.c.0.s8.s32 v4;
	v2 =	vunpack.c.0.s8.s32 v2  }
0xc: {  	s3 =	rddreg [dreg:$0x2];
	s5 =	srdreg.scid;
	vm1 =	vmor vm1, vm2;
	vm2 =	vcmask $0x3730;
	vm3 =	vmor vm3, vm4  }
0xd: {  	s9 =	simm.s32 $0x0;
	s1 =	stileid.u32;
	s5 =	sand.u32 $0x1, s5;
	v4 =	vimm.s32 $0x67452301;
	v2 =	vcombine.low v2, v3;
	v3 =	vimm.s32 $0xEFCDAB89  }
0xe: {  	s8 =	sshll.u32 s1, $0x7;
	s6 =	ssub.s32 $0x2, s5;
	s5 =	sshll.u32 s5, $0x6;
	vm4 =	vcmask $0x1B18;
	v4 =	vunpack.c.l.s4.s8 v4;
	v3 =	vunpack.c.l.s4.s8 v3  }
0xf: {  	[smem:$0x7FF] =	sst s9;
	s5 =	sor.u32 s5, s8;
	vm1 =	vmor vm1, vm2;
	vm2 =	vmor vm3, vm4  }
0x10: {  	s4 =	rddreg [dreg:$0x3];
	_ =	strace $0x80000047;
	s0 =	sadd.s32 s0, s5;
	vm3 =	vcmask $0x2320;
	v4 =	vunpack.c.0.s8.s32 v4;
	v3 =	vunpack.c.0.s8.s32 v3  }
0x11: {  	s7 =	sshrl.u32 s6, $0x1;
	s29 =	sadd.s32 s2, s5;
	vm4 =	vcmask $0x2B28;
	[dreg:$0x15] =	wrdreg s0;
	vm3 =	vmor vm2, vm3;
	vm2 =	vmmov $0xff  }
0x12: {  	s6 =	ssub.s32 s6, s7;
	s30 =	sadd.s32 s4, s5;
	[dreg:$0x16] =	wrdreg s29;
	vm3 =	vmor vm3, vm4;
	vm4 =	vcmask $0x3330;
	v3 =	vcombine.low v4, v3  }
0x13: {  	s3 =	sadd.s32 $0x400, s3;
	[dreg:$0x17] =	wrdreg s30;
	s31 =	smax.u32 s6, $0x1;
	vm3 =	vmor vm3, vm4;
	vm4 =	vcmask $0x3B38;
	v1 =	vand.u32 $0xF, v1  }
0x14: {  	s1 =	simm.s32 $0x0;
	s2 =	simm.s32 $0x9;
	[dreg:$0x18] =	wrdreg s31;
	vm3 =	vmor vm3, vm4;
	v2 =	vand.u32 $0xF, v2;
	v3 =	vand.u32 $0xF, v3  }
.LBB2_1:
0x15: {  	[dreg:$0x19] =	wrdreg s1  }
0x16: {  	s0 =	rddreg [dreg:$0x15]  }
0x17: {  	[tilespmem:s9], [sflag:$0x9] =	stream.linear.gather [hbm4b:s0+s9], $0x200, $0x38;
	[tilespmem:$0x10600] =	vst v63  }
0x18: {  	_ =	swait.ge [sflag:s2], $0x200  }
0x19: {  	[sflag:s2] =	ssyncset.done $0x0  }
0x1a: {  	s12 =	simm.s32 $0x200;
	s13 =	rddreg [dreg:$0x16];
	[sflag:s2] =	ssyncadd.s32 $0xFFFFFE00  }
0x1b: {  	[tilespmem:s12], [sflag:$0x9] =	stream.linear.gather [hbm4b:s13+s9], $0x200, $0x38;
	[tilespmem:$0x10600] =	vst v63  }
0x1c: {  	_ =	swait.ge [sflag:s2], $0x200  }
0x1d: {  	[sflag:s2] =	ssyncset.done $0x0  }
0x1e: {  	[sflag:s2] =	ssyncadd.s32 $0xFFFFFE00  }
0x1f: {  	v4 =	vld [tilespmem:s9+$0x0];
	_ =	sdelay $0x1  }
0x20: {  	v6 =	vld [tilespmem:s12+$0x0];
	_ =	sdelay $0x2  }
0x21: {  	v5 =	vshll.u32 v4, $0x4  }
0x22: {  	(v2sf) =	vpush v5, $0x0  }
0x23: {  	v4 =	vshll.u32 v6, $0x4  }
0x24: {  	(v2sf) =	vpush v4, $0x0;
	_ =	sdelay $0x1  }
0x25: {  	(v2sf) =	vpush v5, $0x1  }
0x26: {  	(v2sf) =	vpush v4, $0x1  }
0x27: {  	(v2sf) =	vpush v5, $0x2;
	_ =	sdelay $0x1  }
0x28: {  	(v2sf) =	vpush v4, $0x2;
	_ =	sdelay $0x1  }
0x29: {  	(v2sf) =	vpush v5, $0x3  }
0x2a: {  	s20 =	simm.s32 $0x2000  }
0x2b: {  	s19 =	simm.s32 $0x0;
	s5 =	simm.s32 $0x8400;
	s4 =	simm.s32 $0x680  }
0x2c: {  	s6 =	simm.s32 $0x400;
	s8 =	simm.s32 $0x600;
	s1 =	simm.s32 $0x580  }
0x2d: {  	s16 =	simm.s32 $0x480;
	s21 =	simm.s32 $0x8480;
	s23 =	simm.s32 $0x500  }
0x2e: {  	s26 =	simm.s32 $0x8500;
	s29 =	simm.s32 $0xA00;
	s7 =	spop (v2sf)  }
0x2f: {  	s28 =	simm.s32 $0xB00;
	s0 =	simm.s32 $0x8900;
	(v2sf) =	vpush v4, $0x3;
	s7 =	sand.u32 $0x1FFFFFF0, s7  }
0x30: {  	s2 =	simm.s32 $0x880;
	s10 =	spop (v2sf);
	s7 =	sadd.s32 s3, s7  }
0x31: {  	(v2sf) =	vpush v5, $0x4;
	[tilespmem:s6], [sflag:$0x1] =	stream.linear.gather [hbm4b:s7+s9], $0x80, $0x38;
	[tilespmem:$0x10600] =	vst v63  }
0x32: {  	(v2sf) =	vpush v4, $0x4;
	s14 =	sand.u32 $0x1FFFFFF0, s10;
	s15 =	spop (v2sf);
	s6 =	simm.s32 $0x8580  }
0x33: {  	s7 =	sadd.s32 s3, s14;
	s10 =	sand.u32 $0x1FFFFFF0, s15;
	s11 =	spop (v2sf)  }
0x34: {  	(v2sf) =	vpush v5, $0x5;
	s14 =	simm.s32 $0x8600;
	s17 =	sadd.s32 s3, s10;
	s22 =	spop (v2sf)  }
0x35: {  	(v2sf) =	vpush v4, $0x5;
	[tilespmem:s5], [sflag:$0x2] =	stream.linear.gather [hbm4b:s7+s9], $0x80, $0x38;
	[tilespmem:$0x10600] =	vst v63  }
0x36: {  	s18 =	sand.u32 $0x1FFFFFF0, s11;
	s11 =	simm.s32 $0x8A00;
	s24 =	spop (v2sf)  }
0x37: {  	(v2sf) =	vpush v5, $0x6;
	[tilespmem:s16], [sflag:$0x2] =	stream.linear.gather [hbm4b:s17+s9], $0x80, $0x38;
	[tilespmem:$0x10600] =	vst v63  }
0x38: {  	s10 =	sadd.s32 s3, s18;
	s7 =	sand.u32 $0x1FFFFFF0, s22;
	s25 =	spop (v2sf)  }
0x39: {  	(v2sf) =	vpush v4, $0x6;
	[tilespmem:s21], [sflag:$0x3] =	stream.linear.gather [hbm4b:s10+s9], $0x80, $0x38;
	[tilespmem:$0x10600] =	vst v63  }
0x3a: {  	s7 =	sadd.s32 s3, s7;
	s31 =	sand.u32 $0x1FFFFFF0, s25;
	s10 =	sand.u32 $0x1FFFFFF0, s24  }
0x3b: {  	[tilespmem:s23], [sflag:$0x3] =	stream.linear.gather [hbm4b:s7+s9], $0x80, $0x38;
	[tilespmem:$0x10600] =	vst v63  }
0x3c: {  	s13 =	sadd.s32 s3, s31;
	s21 =	simm.s32 $0x8680;
	s30 =	sadd.s32 s3, s10  }
0x3d: {  	[tilespmem:s26], [sflag:$0x4] =	stream.linear.gather [hbm4b:s30+s9], $0x80, $0x38;
	[tilespmem:$0x10600] =	vst v63  }
0x3e: {  	s10 =	simm.s32 $0x8A80;
	s23 =	simm.s32 $0x700;
	s12 =	spop (v2sf)  }
0x3f: {  	(v2sf) =	vpush v5, $0x7;
	[tilespmem:s1], [sflag:$0x4] =	stream.linear.gather [hbm4b:s13+s9], $0x80, $0x38;
	[tilespmem:$0x10600] =	vst v63  }
0x40: {  	s13 =	simm.s32 $0x8700;
	s5 =	sand.u32 $0x1FFFFFF0, s12;
	s15 =	spop (v2sf)  }
0x41: {  	(v2sf) =	vpush v4, $0x7;
	s5 =	sadd.s32 s3, s5;
	s1 =	sand.u32 $0x1FFFFFF0, s15;
	s16 =	spop (v2sf)  }
0x42: {  	(v2sf) =	vpush v5, $0x8;
	[tilespmem:s6], [sflag:$0x5] =	stream.linear.gather [hbm4b:s5+s9], $0x80, $0x38;
	[tilespmem:$0x10600] =	vst v63  }
0x43: {  	s17 =	sadd.s32 s3, s1;
	s18 =	sand.u32 $0x1FFFFFF0, s16;
	s22 =	spop (v2sf)  }
0x44: {  	(v2sf) =	vpush v4, $0x8;
	s16 =	simm.s32 $0x780;
	s6 =	sadd.s32 s3, s18;
	s25 =	spop (v2sf)  }
0x45: {  	[tilespmem:s8], [sflag:$0x5] =	stream.linear.gather [hbm4b:s17+s9], $0x80, $0x38;
	[tilespmem:$0x10600] =	vst v63  }
0x46: {  	(v2sf) =	vpush v5, $0x9;
	s24 =	sand.u32 $0x1FFFFFF0, s22;
	s8 =	sand.u32 $0x1FFFFFF0, s25;
	s26 =	spop (v2sf)  }
0x47: {  	[tilespmem:s14], [sflag:$0x6] =	stream.linear.gather [hbm4b:s6+s9], $0x80, $0x38;
	[tilespmem:$0x10600] =	vst v63  }
0x48: {  	s7 =	sadd.s32 s3, s24;
	(v2sf) =	vpush v4, $0x9;
	s30 =	sadd.s32 s3, s8;
	s1 =	spop (v2sf)  }
0x49: {  	[tilespmem:s4], [sflag:$0x6] =	stream.linear.gather [hbm4b:s7+s9], $0x80, $0x38;
	[tilespmem:$0x10600] =	vst v63  }
0x4a: {  	s31 =	sand.u32 $0x1FFFFFF0, s26;
	(v2sf) =	vpush v5, $0xA;
	s26 =	simm.s32 $0x8800;
	s5 =	sand.u32 $0x1FFFFFF0, s1  }
0x4b: {  	[tilespmem:s21], [sflag:$0x7] =	stream.linear.gather [hbm4b:s30+s9], $0x80, $0x38;
	[tilespmem:$0x10600] =	vst v63  }
0x4c: {  	s8 =	sadd.s32 s3, s31;
	(v2sf) =	vpush v4, $0xA;
	s1 =	simm.s32 $0x8880;
	s5 =	sadd.s32 s3, s5  }
0x4d: {  	[tilespmem:s23], [sflag:$0x7] =	stream.linear.gather [hbm4b:s8+s9], $0x80, $0x38;
	[tilespmem:$0x10600] =	vst v63  }
0x4e: {  	s21 =	simm.s32 $0x8780;
	s23 =	simm.s32 $0x800;
	s14 =	spop (v2sf);
	(v2sf) =	vpush v5, $0xB  }
0x4f: {  	[tilespmem:s13], [sflag:$0x8] =	stream.linear.gather [hbm4b:s5+s9], $0x80, $0x38;
	[tilespmem:$0x10600] =	vst v63  }
0x50: {  	s13 =	simm.s32 $0x900;
	s7 =	sand.u32 $0x1FFFFFF0, s14;
	s15 =	spop (v2sf);
	(v2sf) =	vpush v4, $0xB  }
0x51: {  	s17 =	sadd.s32 s3, s7;
	s18 =	sand.u32 $0x1FFFFFF0, s15;
	s22 =	spop (v2sf)  }
0x52: {  	[tilespmem:s16], [sflag:$0x8] =	stream.linear.gather [hbm4b:s17+s9], $0x80, $0x38;
	[tilespmem:$0x10600] =	vst v63  }
0x53: {  	s7 =	sadd.s32 s3, s18;
	s6 =	sand.u32 $0x1FFFFFF0, s22;
	s24 =	spop (v2sf)  }
0x54: {  	[tilespmem:s21], [sflag:$0x1] =	stream.linear.gather [hbm4b:s7+s9], $0x80, $0x38;
	[tilespmem:$0x10600] =	vst v63  }
0x55: {  	(v2sf) =	vpush v5, $0xC;
	s6 =	sadd.s32 s3, s6;
	s25 =	spop (v2sf);
	s7 =	sand.u32 $0x1FFFFFF0, s24  }
0x56: {  	(v2sf) =	vpush v4, $0xC;
	[tilespmem:s23], [sflag:$0x1] =	stream.linear.gather [hbm4b:s6+s9], $0x80, $0x38;
	[tilespmem:$0x10600] =	vst v63  }
0x57: {  	s31 =	sand.u32 $0x1FFFFFF0, s25;
	s8 =	spop (v2sf);
	s30 =	sadd.s32 s3, s7  }
0x58: {  	[tilespmem:s26], [sflag:$0x2] =	stream.linear.gather [hbm4b:s30+s9], $0x80, $0x38;
	[tilespmem:$0x10600] =	vst v63  }
0x59: {  	s7 =	sadd.s32 s3, s31;
	s14 =	spop (v2sf);
	s6 =	sand.u32 $0x1FFFFFF0, s8  }
0x5a: {  	[tilespmem:s2], [sflag:$0x2] =	stream.linear.gather [hbm4b:s7+s9], $0x80, $0x38;
	[tilespmem:$0x10600] =	vst v63  }
0x5b: {  	s15 =	spop (v2sf);
	s6 =	sadd.s32 s3, s6;
	s7 =	sand.u32 $0x1FFFFFF0, s14  }
0x5c: {  	[tilespmem:s1], [sflag:$0x3] =	stream.linear.gather [hbm4b:s6+s9], $0x80, $0x38;
	[tilespmem:$0x10600] =	vst v63  }
0x5d: {  	s17 =	sand.u32 $0x1FFFFFF0, s15;
	s16 =	sadd.s32 s3, s7;
	s18 =	spop (v2sf)  }
0x5e: {  	[tilespmem:s13], [sflag:$0x3] =	stream.linear.gather [hbm4b:s16+s9], $0x80, $0x38;
	[tilespmem:$0x10600] =	vst v63  }
0x5f: {  	s12 =	simm.s32 $0xA80;
	s21 =	sadd.s32 s3, s17;
	s23 =	spop (v2sf)  }
0x60: {  	[tilespmem:s0], [sflag:$0x4] =	stream.linear.gather [hbm4b:s21+s9], $0x80, $0x38;
	[tilespmem:$0x10600] =	vst v63  }
0x61: {  	s4 =	simm.s32 $0x8980;
	(v2sf) =	vpush v5, $0xD;
	s22 =	sand.u32 $0x1FFFFFF0, s18;
	s26 =	sand.u32 $0x1FFFFFF0, s23  }
0x62: {  	s24 =	simm.s32 $0x980;
	(v2sf) =	vpush v4, $0xD;
	s25 =	sadd.s32 s3, s22;
	s30 =	sadd.s32 s3, s26  }
0x63: {  	(v2sf) =	vpush v5, $0xE;
	[tilespmem:s24], [sflag:$0x4] =	stream.linear.gather [hbm4b:s25+s9], $0x80, $0x38;
	[tilespmem:$0x10600] =	vst v63  }
0x64: {  	(v2sf) =	vpush v4, $0xE;
	s31 =	spop (v2sf);
	s26 =	simm.s32 $0x8B00;
	s24 =	simm.s32 $0x10  }
0x65: {  	s25 =	simm.s32 $0x210;
	(v2sf) =	vpush v5, $0xF;
	s0 =	sand.u32 $0x1FFFFFF0, s31;
	s2 =	spop (v2sf)  }
0x66: {  	(v2sf) =	vpush v4, $0xF;
	[tilespmem:s4], [sflag:$0x5] =	stream.linear.gather [hbm4b:s30+s9], $0x80, $0x38;
	[tilespmem:$0x10600] =	vst v63  }
.LBB2_2:
0x67: {  	_ =	sdelay $0x4  }
0x68: {  	s0 =	sadd.s32 s3, s0;
	s2 =	sand.u32 $0x1FFFFFF0, s2  }
0x69: {  	[tilespmem:s29], [sflag:$0x5] =	stream.linear.gather [hbm4b:s0+s9], $0x80, $0x38;
	[tilespmem:$0x10600] =	vst v63  }
0x6a: {  	s21 =	sadd.s32 s3, s2  }
0x6b: {  	[tilespmem:s11], [sflag:$0x6] =	stream.linear.gather [hbm4b:s21+s9], $0x80, $0x38;
	[tilespmem:$0x10600] =	vst v63  }
0x6c: {  	s4 =	spop (v2sf)  }
0x6d: {  	s22 =	sand.u32 $0x1FFFFFF0, s4;
	s23 =	spop (v2sf)  }
0x6e: {  	s30 =	sadd.s32 s3, s22;
	s31 =	sand.u32 $0x1FFFFFF0, s23;
	s1 =	spop (v2sf)  }
0x6f: {  	[tilespmem:s12], [sflag:$0x6] =	stream.linear.gather [hbm4b:s30+s9], $0x80, $0x38;
	[tilespmem:$0x10600] =	vst v63  }
0x70: {  	s2 =	sadd.s32 s3, s31;
	s4 =	sand.u32 $0x1FFFFFF0, s1;
	s5 =	spop (v2sf)  }
0x71: {  	[tilespmem:s10], [sflag:$0x7] =	stream.linear.gather [hbm4b:s2+s9], $0x80, $0x38;
	[tilespmem:$0x10600] =	vst v63  }
0x72: {  	s6 =	sadd.s32 s3, s4;
	s7 =	sand.u32 $0x1FFFFFF0, s5;
	s8 =	spop (v2sf)  }
0x73: {  	[tilespmem:s28], [sflag:$0x7] =	stream.linear.gather [hbm4b:s6+s9], $0x80, $0x38;
	[tilespmem:$0x10600] =	vst v63  }
0x74: {  	s10 =	sadd.s32 s3, s7;
	s11 =	sand.u32 $0x1FFFFFF0, s8;
	s12 =	spop (v2sf)  }
0x75: {  	[tilespmem:s26], [sflag:$0x8] =	stream.linear.gather [hbm4b:s10+s9], $0x80, $0x38;
	[tilespmem:$0x10600] =	vst v63  }
0x76: {  	s13 =	sadd.s32 $0xB80, s19;
	s2 =	sadd.s32 s3, s11;
	s4 =	sand.u32 $0x1FFFFFF0, s12  }
0x77: {  	[tilespmem:s13], [sflag:$0x8] =	stream.linear.gather [hbm4b:s2+s9], $0x80, $0x38;
	[tilespmem:$0x10600] =	vst v63  }
0x78: {  	s14 =	sadd.s32 $0x8B80, s19;
	s15 =	sadd.s32 s3, s4  }
0x79: {  	[tilespmem:s14], [sflag:$0x1] =	stream.linear.gather [hbm4b:s15+s9], $0x80, $0x38;
	[tilespmem:$0x10600] =	vst v63  }
0x7a: {  	v4 =	vld [tilespmem:s24+$0x0]  }
0x7b: {  	v6 =	vld [tilespmem:s25+$0x0];
	_ =	sdelay $0x3  }
0x7c: {  	v5 =	vshll.u32 v4, $0x4  }
0x7d: {  	v4 =	vshll.u32 v6, $0x4;
	(v2sf) =	vpush v5, $0x0  }
0x7e: {  	s16 =	smov.u32 s20;
	(v2sf) =	vpush v4, $0x0  }
0x7f: {  	s19 =	sshra.s32 s16, $0x2;
	(v2sf) =	vpush v5, $0x1  }
0x80: {  	p0 =	sne.s32 s20, $0x1E000;
	s0 =	sadd.s32 $0x880, s19  }
0x81: {  	s20 =	sadd.s32 $0x2000, s20;
	s17 =	sadd.s32 $0x8900, s19;
	[dreg:$0x9] =	wrdreg s0;
	(v2sf) =	vpush v4, $0x1  }
0x82: {  	s16 =	sadd.s32 $0x8580, s19;
	s18 =	sadd.s32 $0x8A00, s19;
	[dreg:$0x5] =	wrdreg s17  }
0x83: {  	s29 =	sadd.s32 $0xA00, s19;
	s21 =	sadd.s32 $0x8400, s19;
	[dreg:$0x12] =	wrdreg s18;
	(v2sf) =	vpush v5, $0x2  }
0x84: {  	s0 =	sadd.s32 $0x500, s19;
	s18 =	sadd.s32 $0x8500, s19;
	s22 =	sadd.s32 $0x8880, s19;
	(v2sf) =	vpush v4, $0x2  }
0x85: {  	s17 =	sadd.s32 $0x480, s19;
	s23 =	sadd.s32 $0x900, s19;
	[dreg:$0xd] =	wrdreg s22  }
0x86: {  	s30 =	sadd.s32 $0x400, s19;
	s1 =	sadd.s32 $0x8980, s19;
	[dreg:$0xb] =	wrdreg s23;
	(v2sf) =	vpush v5, $0x3  }
0x87: {  	s31 =	sadd.s32 $0x8480, s19;
	[dreg:$0x7] =	wrdreg s1;
	s5 =	sadd.s32 $0x8780, s19  }
0x88: {  	s7 =	sadd.s32 $0x680, s19;
	s8 =	sadd.s32 $0x580, s19;
	s12 =	sadd.s32 $0x700, s19  }
0x89: {  	s11 =	sadd.s32 $0x8700, s19;
	s6 =	sadd.s32 $0x8A80, s19;
	s4 =	sadd.s32 $0x800, s19  }
0x8a: {  	s28 =	sadd.s32 $0xB00, s19;
	[dreg:$0x14] =	wrdreg s4;
	s26 =	sadd.s32 $0x8800, s19;
	(v2sf) =	vpush v4, $0x3  }
0x8b: {  	s4 =	sadd.s32 $0x980, s19;
	s10 =	sadd.s32 $0x780, s19;
	[dreg:$0xf] =	wrdreg s26  }
0x8c: {  	s26 =	sadd.s32 $0x8B00, s19;
	s2 =	sadd.s32 $0xA80, s19;
	(v2sf) =	vpush v5, $0x4;
	s22 =	spop (v2sf)  }
0x8d: {  	s13 =	sadd.s32 $0x8680, s19;
	s22 =	sand.u32 $0x1FFFFFF0, s22;
	s23 =	spop (v2sf)  }
0x8e: {  	(v2sf) =	vpush v4, $0x4;
	s22 =	sadd.s32 s3, s22;
	s23 =	sand.u32 $0x1FFFFFF0, s23;
	s1 =	spop (v2sf)  }
0x8f: {  	[tilespmem:s30], [sflag:$0x1] =	stream.linear.gather [hbm4b:s22+s9], $0x80, $0x38;
	[tilespmem:$0x10600] =	vst v63  }
0x90: {  	(v2sf) =	vpush v5, $0x5;
	s23 =	sadd.s32 s3, s23;
	s1 =	sand.u32 $0x1FFFFFF0, s1;
	s30 =	spop (v2sf)  }
0x91: {  	(v2sf) =	vpush v4, $0x5;
	[tilespmem:s21], [sflag:$0x2] =	stream.linear.gather [hbm4b:s23+s9], $0x80, $0x38;
	[tilespmem:$0x10600] =	vst v63  }
0x92: {  	s1 =	sadd.s32 s3, s1;
	s23 =	sand.u32 $0x1FFFFFF0, s30;
	s30 =	spop (v2sf)  }
0x93: {  	(v2sf) =	vpush v5, $0x6;
	s21 =	sadd.s32 s3, s23;
	s23 =	sand.u32 $0x1FFFFFF0, s30;
	s30 =	spop (v2sf)  }
0x94: {  	[tilespmem:s17], [sflag:$0x2] =	stream.linear.gather [hbm4b:s1+s9], $0x80, $0x38;
	[tilespmem:$0x10600] =	vst v63  }
0x95: {  	s14 =	sadd.s32 $0x600, s19;
	s15 =	sadd.s32 $0x8600, s19;
	(v2sf) =	vpush v4, $0x6;
	s22 =	spop (v2sf)  }
0x96: {  	(v2sf) =	vpush v5, $0x7;
	[tilespmem:s31], [sflag:$0x3] =	stream.linear.gather [hbm4b:s21+s9], $0x80, $0x38;
	[tilespmem:$0x10600] =	vst v63  }
0x97: {  	s24 =	sadd.s32 $0x10, s24;
	s17 =	sadd.s32 s3, s23;
	s21 =	sand.u32 $0x1FFFFFF0, s30  }
0x98: {  	[tilespmem:s0], [sflag:$0x3] =	stream.linear.gather [hbm4b:s17+s9], $0x80, $0x38;
	[tilespmem:$0x10600] =	vst v63  }
0x99: {  	s30 =	sand.u32 $0x1FFFFFF0, s22;
	s31 =	spop (v2sf);
	s23 =	sadd.s32 s3, s21  }
0x9a: {  	(v2sf) =	vpush v4, $0x7;
	[tilespmem:s18], [sflag:$0x4] =	stream.linear.gather [hbm4b:s23+s9], $0x80, $0x38;
	[tilespmem:$0x10600] =	vst v63  }
0x9b: {  	s21 =	sand.u32 $0x1FFFFFF0, s31;
	s22 =	spop (v2sf);
	s18 =	sadd.s32 s3, s30  }
0x9c: {  	(v2sf) =	vpush v5, $0x8;
	[tilespmem:s8], [sflag:$0x4] =	stream.linear.gather [hbm4b:s18+s9], $0x80, $0x38;
	[tilespmem:$0x10600] =	vst v63  }
0x9d: {  	s23 =	sadd.s32 s3, s21;
	s30 =	sand.u32 $0x1FFFFFF0, s22;
	s31 =	spop (v2sf)  }
0x9e: {  	[tilespmem:s16], [sflag:$0x5] =	stream.linear.gather [hbm4b:s23+s9], $0x80, $0x38;
	[tilespmem:$0x10600] =	vst v63  }
0x9f: {  	s25 =	sadd.s32 $0x10, s25;
	s1 =	sadd.s32 s3, s30;
	s17 =	spop (v2sf)  }
0xa0: {  	(v2sf) =	vpush v4, $0x8;
	s16 =	sand.u32 $0x1FFFFFF0, s31;
	s21 =	sand.u32 $0x1FFFFFF0, s17;
	s22 =	spop (v2sf)  }
0xa1: {  	(v2sf) =	vpush v5, $0x9;
	[tilespmem:s14], [sflag:$0x5] =	stream.linear.gather [hbm4b:s1+s9], $0x80, $0x38;
	[tilespmem:$0x10600] =	vst v63  }
0xa2: {  	s18 =	sadd.s32 s3, s16;
	s23 =	sadd.s32 s3, s21;
	s31 =	spop (v2sf)  }
0xa3: {  	(v2sf) =	vpush v4, $0x9;
	[tilespmem:s15], [sflag:$0x6] =	stream.linear.gather [hbm4b:s18+s9], $0x80, $0x38;
	[tilespmem:$0x10600] =	vst v63  }
0xa4: {  	s30 =	sand.u32 $0x1FFFFFF0, s22;
	s8 =	sand.u32 $0x1FFFFFF0, s31;
	s14 =	spop (v2sf)  }
0xa5: {  	s15 =	sadd.s32 s3, s8;
	s16 =	sand.u32 $0x1FFFFFF0, s14;
	s17 =	spop (v2sf)  }
0xa6: {  	[tilespmem:s7], [sflag:$0x6] =	stream.linear.gather [hbm4b:s23+s9], $0x80, $0x38;
	[tilespmem:$0x10600] =	vst v63  }
0xa7: {  	(v2sf) =	vpush v5, $0xA;
	s7 =	sadd.s32 s3, s30;
	s18 =	sadd.s32 s3, s16;
	s21 =	sand.u32 $0x1FFFFFF0, s17  }
0xa8: {  	[tilespmem:s13], [sflag:$0x7] =	stream.linear.gather [hbm4b:s7+s9], $0x80, $0x38;
	[tilespmem:$0x10600] =	vst v63  }
0xa9: {  	(v2sf) =	vpush v4, $0xA;
	s22 =	spop (v2sf);
	s23 =	sadd.s32 s3, s21;
	s21 =	rddreg [dreg:$0xf]  }
0xaa: {  	[tilespmem:s12], [sflag:$0x7] =	stream.linear.gather [hbm4b:s15+s9], $0x80, $0x38;
	[tilespmem:$0x10600] =	vst v63  }
0xab: {  	(v2sf) =	vpush v5, $0xB;
	s30 =	sand.u32 $0x1FFFFFF0, s22;
	s31 =	spop (v2sf);
	s7 =	rddreg [dreg:$0xd]  }
0xac: {  	[tilespmem:s11], [sflag:$0x8] =	stream.linear.gather [hbm4b:s18+s9], $0x80, $0x38;
	[tilespmem:$0x10600] =	vst v63  }
0xad: {  	s1 =	sadd.s32 s3, s30;
	s12 =	smov.u32 s2;
	s2 =	sand.u32 $0x1FFFFFF0, s31  }
0xae: {  	[tilespmem:s10], [sflag:$0x8] =	stream.linear.gather [hbm4b:s23+s9], $0x80, $0x38;
	[tilespmem:$0x10600] =	vst v63  }
0xaf: {  	(v2sf) =	vpush v4, $0xB;
	s15 =	rddreg [dreg:$0x14];
	s10 =	smov.u32 s6;
	s6 =	spop (v2sf)  }
0xb0: {  	(v2sf) =	vpush v5, $0xC;
	s31 =	rddreg [dreg:$0x9];
	s8 =	sadd.s32 s3, s2;
	s14 =	spop (v2sf)  }
0xb1: {  	[tilespmem:s5], [sflag:$0x1] =	stream.linear.gather [hbm4b:s1+s9], $0x80, $0x38;
	[tilespmem:$0x10600] =	vst v63  }
0xb2: {  	s11 =	rddreg [dreg:$0x12];
	(v2sf) =	vpush v4, $0xC;
	s13 =	sand.u32 $0x1FFFFFF0, s6;
	s18 =	spop (v2sf)  }
0xb3: {  	[tilespmem:s15], [sflag:$0x1] =	stream.linear.gather [hbm4b:s8+s9], $0x80, $0x38;
	[tilespmem:$0x10600] =	vst v63  }
0xb4: {  	s16 =	sadd.s32 s3, s13;
	s17 =	sand.u32 $0x1FFFFFF0, s14;
	s23 =	sand.u32 $0x1FFFFFF0, s18  }
0xb5: {  	[tilespmem:s21], [sflag:$0x2] =	stream.linear.gather [hbm4b:s16+s9], $0x80, $0x38;
	[tilespmem:$0x10600] =	vst v63  }
0xb6: {  	s22 =	sadd.s32 s3, s17;
	s30 =	spop (v2sf);
	s1 =	sadd.s32 s3, s23  }
0xb7: {  	[tilespmem:s31], [sflag:$0x2] =	stream.linear.gather [hbm4b:s22+s9], $0x80, $0x38;
	[tilespmem:$0x10600] =	vst v63  }
0xb8: {  	s15 =	rddreg [dreg:$0xb];
	s2 =	sand.u32 $0x1FFFFFF0, s30;
	s6 =	spop (v2sf)  }
0xb9: {  	[tilespmem:s7], [sflag:$0x3] =	stream.linear.gather [hbm4b:s1+s9], $0x80, $0x38;
	[tilespmem:$0x10600] =	vst v63  }
0xba: {  	s8 =	sadd.s32 s3, s2;
	s13 =	sand.u32 $0x1FFFFFF0, s6;
	s14 =	spop (v2sf)  }
0xbb: {  	[tilespmem:s15], [sflag:$0x3] =	stream.linear.gather [hbm4b:s8+s9], $0x80, $0x38;
	[tilespmem:$0x10600] =	vst v63  }
0xbc: {  	s21 =	rddreg [dreg:$0x5];
	s16 =	sadd.s32 s3, s13;
	s17 =	sand.u32 $0x1FFFFFF0, s14  }
0xbd: {  	(v2sf) =	vpush v5, $0xD;
	[tilespmem:s21], [sflag:$0x4] =	stream.linear.gather [hbm4b:s16+s9], $0x80, $0x38;
	[tilespmem:$0x10600] =	vst v63  }
.Ltmp0:
0xbe: {  	(v2sf) =	vpush v4, $0xD;
	s18 =	spop (v2sf);
	s22 =	sadd.s32 s3, s17;
	(pc) =	sbr.rel @p0 .LBB2_2-.Ltmp0, $4  }
0xbf: {  	(v2sf) =	vpush v5, $0xE;
	s31 =	rddreg [dreg:$0x7];
	s23 =	sand.u32 $0x1FFFFFF0, s18;
	s30 =	spop (v2sf)  }
0xc0: {  	(v2sf) =	vpush v4, $0xE;
	[tilespmem:s4], [sflag:$0x4] =	stream.linear.gather [hbm4b:s22+s9], $0x80, $0x38;
	[tilespmem:$0x10600] =	vst v63  }
0xc1: {  	(v2sf) =	vpush v5, $0xF;
	s1 =	sadd.s32 s3, s23;
	s0 =	sand.u32 $0x1FFFFFF0, s30;
	s2 =	spop (v2sf)  }
0xc2: {  	(v2sf) =	vpush v4, $0xF;
	[tilespmem:s31], [sflag:$0x5] =	stream.linear.gather [hbm4b:s1+s9], $0x80, $0x38;
	[tilespmem:$0x10600] =	vst v63  }
0xc3: {  	_ =	sdelay $0x4  }
0xc4: {  	s0 =	sadd.s32 s3, s0;
	s1 =	sand.u32 $0x1FFFFFF0, s2  }
0xc5: {  	[tilespmem:s29], [sflag:$0x5] =	stream.linear.gather [hbm4b:s0+s9], $0x80, $0x38;
	[tilespmem:$0x10600] =	vst v63  }
0xc6: {  	s29 =	sadd.s32 s3, s1  }
0xc7: {  	[tilespmem:s11], [sflag:$0x6] =	stream.linear.gather [hbm4b:s29+s9], $0x80, $0x38;
	[tilespmem:$0x10600] =	vst v63  }
0xc8: {  	s25 =	spop (v2sf)  }
0xc9: {  	s30 =	sand.u32 $0x1FFFFFF0, s25;
	s31 =	spop (v2sf)  }
0xca: {  	s4 =	sadd.s32 s3, s30;
	s5 =	sand.u32 $0x1FFFFFF0, s31;
	s6 =	spop (v2sf)  }
0xcb: {  	[tilespmem:s12], [sflag:$0x6] =	stream.linear.gather [hbm4b:s4+s9], $0x80, $0x38;
	[tilespmem:$0x10600] =	vst v63  }
0xcc: {  	s7 =	sadd.s32 s3, s5;
	s8 =	sand.u32 $0x1FFFFFF0, s6;
	s11 =	spop (v2sf)  }
0xcd: {  	[tilespmem:s10], [sflag:$0x7] =	stream.linear.gather [hbm4b:s7+s9], $0x80, $0x38;
	[tilespmem:$0x10600] =	vst v63  }
0xce: {  	s12 =	sadd.s32 s3, s8;
	s13 =	sand.u32 $0x1FFFFFF0, s11;
	s14 =	spop (v2sf)  }
0xcf: {  	[tilespmem:s28], [sflag:$0x7] =	stream.linear.gather [hbm4b:s12+s9], $0x80, $0x38;
	[tilespmem:$0x10600] =	vst v63  }
0xd0: {  	s15 =	sadd.s32 s3, s13;
	s16 =	sand.u32 $0x1FFFFFF0, s14;
	s17 =	spop (v2sf)  }
0xd1: {  	[tilespmem:s26], [sflag:$0x8] =	stream.linear.gather [hbm4b:s15+s9], $0x80, $0x38;
	[tilespmem:$0x10600] =	vst v63  }
0xd2: {  	s18 =	sadd.s32 $0xB80, s19;
	s1 =	sadd.s32 s3, s16;
	s2 =	sand.u32 $0x1FFFFFF0, s17  }
0xd3: {  	[tilespmem:s18], [sflag:$0x8] =	stream.linear.gather [hbm4b:s1+s9], $0x80, $0x38;
	[tilespmem:$0x10600] =	vst v63  }
0xd4: {  	s20 =	sadd.s32 $0x8B80, s19;
	s22 =	simm.s32 $0x1;
	s21 =	sadd.s32 s3, s2  }
0xd5: {  	[tilespmem:s20], [sflag:$0x1] =	stream.linear.gather [hbm4b:s21+s9], $0x80, $0x38;
	[tilespmem:$0x10600] =	vst v63  }
0xd6: {  	_ =	swait.ge [sflag:s22], $0x2000  }
0xd7: {  	[sflag:s22] =	ssyncset.done $0x0  }
0xd8: {  	s23 =	simm.s32 $0x2;
	[sflag:s22] =	ssyncadd.s32 $0xFFFFE000  }
0xd9: {  	_ =	swait.ge [sflag:s23], $0x2000  }
0xda: {  	[sflag:s23] =	ssyncset.done $0x0  }
0xdb: {  	s24 =	simm.s32 $0x3;
	[sflag:s23] =	ssyncadd.s32 $0xFFFFE000  }
0xdc: {  	_ =	swait.ge [sflag:s24], $0x2000  }
0xdd: {  	[sflag:s24] =	ssyncset.done $0x0  }
0xde: {  	s25 =	simm.s32 $0x4;
	[sflag:s24] =	ssyncadd.s32 $0xFFFFE000  }
0xdf: {  	_ =	swait.ge [sflag:s25], $0x2000  }
0xe0: {  	[sflag:s25] =	ssyncset.done $0x0  }
0xe1: {  	s26 =	simm.s32 $0x5;
	[sflag:s25] =	ssyncadd.s32 $0xFFFFE000  }
0xe2: {  	_ =	swait.ge [sflag:s26], $0x2000  }
0xe3: {  	[sflag:s26] =	ssyncset.done $0x0  }
0xe4: {  	s28 =	simm.s32 $0x6;
	[sflag:s26] =	ssyncadd.s32 $0xFFFFE000  }
0xe5: {  	_ =	swait.ge [sflag:s28], $0x2000  }
0xe6: {  	[sflag:s28] =	ssyncset.done $0x0  }
0xe7: {  	s29 =	simm.s32 $0x7;
	[sflag:s28] =	ssyncadd.s32 $0xFFFFE000  }
0xe8: {  	_ =	swait.ge [sflag:s29], $0x2000  }
0xe9: {  	[sflag:s29] =	ssyncset.done $0x0  }
0xea: {  	s30 =	simm.s32 $0x8;
	[sflag:s29] =	ssyncadd.s32 $0xFFFFE000  }
0xeb: {  	_ =	swait.ge [sflag:s30], $0x2000  }
0xec: {  	[sflag:s30] =	ssyncset.done $0x0  }
0xed: {  	s31 =	simm.s32 $0x0;
	[sflag:s30] =	ssyncadd.s32 $0xFFFFE000  }
0xee: {  	v4 =	vld [tilespmem:s31+$0x8400]  }
0xef: {  	v5 =	vld [tilespmem:s31+$0x400]  }
0xf0: {  	v6 =	vld [tilespmem:s31+$0x410]  }
0xf1: {  	v7 =	vld [tilespmem:s31+$0x8410]  }
0xf2: {  	v8 =	vld [tilespmem:s31+$0x800]  }
0xf3: {  	v9 =	vld [tilespmem:s31+$0x8800]  }
0xf4: {  	v10 =	vld [tilespmem:s31+$0x810]  }
0xf5: {  	v11 =	vld [tilespmem:s31+$0x8810]  }
0xf6: {  	v12 =	vld [tilespmem:s31+$0x600]  }
0xf7: {  	v13 =	vld [tilespmem:s31+$0x8600]  }
0xf8: {  	v14 =	vld [tilespmem:s31+$0x610]  }
0xf9: {  	v15 =	vld [tilespmem:s31+$0x8610]  }
0xfa: {  	v16 =	vld [tilespmem:s31+$0xA00]  }
0xfb: {  	v17 =	vld [tilespmem:s31+$0x8A00]  }
0xfc: {  	v18 =	vld [tilespmem:s31+$0xA10]  }
0xfd: {  	v19 =	vld [tilespmem:s31+$0x8A10]  }
0xfe: {  	v20 =	vld [tilespmem:s31+$0x500]  }
0xff: {  	v21 =	vld [tilespmem:s31+$0x8500]  }
0x100: {  	v22 =	vld [tilespmem:s31+$0x510]  }
0x101: {  	v23 =	vld [tilespmem:s31+$0x8510]  }
0x102: {  	v24 =	vld [tilespmem:s31+$0x900]  }
0x103: {  	v25 =	vld [tilespmem:s31+$0x8900]  }
0x104: {  	v26 =	vld [tilespmem:s31+$0x910]  }
0x105: {  	v27 =	vld [tilespmem:s31+$0x8910]  }
0x106: {  	v28 =	vld [tilespmem:s31+$0x700]  }
0x107: {  	v29 =	vld [tilespmem:s31+$0x8700]  }
0x108: {  	v30 =	vld [tilespmem:s31+$0x710]  }
0x109: {  	v31 =	vld [tilespmem:s31+$0x8710]  }
0x10a: {  	v32 =	vld [tilespmem:s31+$0xB00]  }
0x10b: {  	v33 =	vld [tilespmem:s31+$0x8B00]  }
0x10c: {  	v34 =	vld [tilespmem:s31+$0xB10]  }
0x10d: {  	v35 =	vld [tilespmem:s31+$0x8B10]  }
0x10e: {  	v36 =	vld [tilespmem:s31+$0x480]  }
0x10f: {  	v37 =	vld [tilespmem:s31+$0x8480]  }
0x110: {  	v38 =	vld [tilespmem:s31+$0x490]  }
0x111: {  	v39 =	vld [tilespmem:s31+$0x8490]  }
0x112: {  	v40 =	vld [tilespmem:s31+$0x880]  }
0x113: {  	v41 =	vld [tilespmem:s31+$0x8880]  }
0x114: {  	v42 =	vld [tilespmem:s31+$0x890]  }
0x115: {  	v43 =	vld [tilespmem:s31+$0x8890]  }
0x116: {  	v44 =	vld [tilespmem:s31+$0x680]  }
0x117: {  	v54 =	vld [tilespmem:s31+$0x8780]  }
0x118: {  	v56 =	vld [tilespmem:s31+$0x790]  }
0x119: {  	v4 =	vmul.f32 v4, v5;
	v5 =	vmul.f32 v7, v6;
	v6 =	vld [tilespmem:s31+$0x8680]  }
0x11a: {  	v7 =	vmul.f32 v9, v8;
	v8 =	vmul.f32 v11, v10;
	v9 =	vld [tilespmem:s31+$0x690]  }
0x11b: {  	v10 =	vmul.f32 v15, v14;
	v11 =	vld [tilespmem:s31+$0x8690];
	v53 =	vmul.f32 v39, v38  }
0x11c: {  	v55 =	vmul.f32 v43, v42;
	v4 =	vadd.f32 v5, v4;
	v5 =	vmul.f32 v13, v12;
	v13 =	vld [tilespmem:s31+$0xA80]  }
0x11d: {  	v7 =	vadd.f32 v8, v7;
	v8 =	vmul.f32 v17, v16;
	v12 =	vmul.f32 v19, v18;
	v16 =	vld [tilespmem:s31+$0x8A90]  }
0x11e: {  	v18 =	vld [tilespmem:s31+$0x580];
	v19 =	vmul.f32 v23, v22;
	v5 =	vadd.f32 v10, v5;
	v14 =	vperm.xlane v4, v0  }
0x11f: {  	v22 =	vld [tilespmem:s31+$0x590];
	v8 =	vadd.f32 v12, v8;
	v15 =	vperm.xlane v7, v0;
	v6 =	vmul.f32 v6, v44  }
0x120: {  	v23 =	vld [tilespmem:s31+$0x990];
	v9 =	vmul.f32 v11, v9;
	v17 =	vperm.xlane v5, v0;
	v4 =	vadd.f32 v14, v4  }
0x121: {  	v10 =	vld [tilespmem:s31+$0x8A80];
	v7 =	vadd.f32 v15, v7;
	v14 =	vperm.xlane v8, v0;
	v15 =	vmul.f32 v21, v20  }
0x122: {  	v12 =	vld [tilespmem:s31+$0xA90];
	v21 =	vmul.f32 v27, v26;
	v26 =	vmul.f32 v29, v28  }
0x123: {  	v11 =	vld [tilespmem:s31+$0x8B90];
	v27 =	vmul.f32 v31, v30;
	v29 =	vmul.f32 v33, v32  }
0x124: {  	v20 =	vld [tilespmem:s31+$0x8580];
	v30 =	vmul.f32 v35, v34;
	v6 =	vadd.f32 v9, v6;
	v5 =	vadd.f32 v17, v5  }
0x125: {  	v31 =	vld [tilespmem:s31+$0x780];
	v17 =	vmul.f32 v25, v24;
	v8 =	vadd.f32 v14, v8;
	v4 =	vsel vm2, v4, v7  }
0x126: {  	v28 =	vld [tilespmem:s31+$0x8990];
	v7 =	vadd.f32 v19, v15;
	v19 =	vperm.xlane v4, v1;
	v10 =	vmul.f32 v10, v13  }
0x127: {  	v14 =	vld [tilespmem:s31+$0x8590];
	v12 =	vmul.f32 v16, v12;
	v15 =	vadd.f32 v21, v17;
	v5 =	vsel vm2, v5, v8  }
0x128: {  	v17 =	vld [tilespmem:s31+$0x980];
	v24 =	vperm.xlane v7, v0;
	v21 =	vperm.xlane v5, v1;
	v4 =	vadd.f32 v19, v4  }
0x129: {  	v8 =	vld [tilespmem:s31+$0x8980];
	v19 =	vadd.f32 v27, v26;
	v26 =	vadd.f32 v30, v29;
	v25 =	vperm.xlane v15, v0  }
0x12a: {  	v27 =	vld [tilespmem:s31+$0x8790];
	v16 =	vmul.f32 v20, v18;
	v9 =	vmul.f32 v54, v31;
	v7 =	vadd.f32 v24, v7  }
0x12b: {  	v30 =	vld [tilespmem:s31+$0x8B80];
	v24 =	vmul.f32 v37, v36;
	v15 =	vadd.f32 v25, v15;
	v25 =	vmul.f32 v41, v40  }
0x12c: {  	v57 =	vperm.xlane v19, v0;
	v5 =	vadd.f32 v21, v5;
	v21 =	vld [tilespmem:s31+$0xB90];
	v14 =	vmul.f32 v14, v22  }
0x12d: {  	v7 =	vsel vm2, v7, v15;
	v15 =	vadd.f32 v53, v24;
	v24 =	vadd.f32 v55, v25;
	v25 =	vld [tilespmem:s31+$0xB80]  }
0x12e: {  	v10 =	vadd.f32 v12, v10;
	v58 =	vperm.xlane v26, v0;
	v19 =	vadd.f32 v57, v19  }
0x12f: {  	v8 =	vmul.f32 v8, v17;
	v14 =	vadd.f32 v14, v16;
	v16 =	vperm.xlane v6, v0  }
0x130: {  	v13 =	vadd.f32 v58, v26;
	v17 =	vmul.f32 v28, v23;
	v20 =	vmul.f32 v27, v56  }
0x131: {  	v29 =	vperm.xlane v7, v1;
	v6 =	vadd.f32 v16, v6;
	v16 =	vperm.xlane v14, v0  }
0x132: {  	v8 =	vadd.f32 v17, v8;
	v11 =	vmul.f32 v11, v21;
	v12 =	vmul.f32 v30, v25  }
0x133: {  	v59 =	vperm.xlane v15, v0;
	v60 =	vperm.xlane v24, v0;
	v9 =	vadd.f32 v20, v9  }
0x134: {  	v7 =	vadd.f32 v29, v7;
	v11 =	vadd.f32 v11, v12;
	v12 =	vperm.xlane v10, v0  }
0x135: {  	v17 =	vperm.xlane v8, v0;
	v15 =	vadd.f32 v59, v15;
	v18 =	vadd.f32 v60, v24  }
0x136: {  	v10 =	vadd.f32 v12, v10;
	v12 =	vperm.xlane v9, v0;
	v20 =	vperm.xlane v11, v0  }
0x137: {  	v13 =	vsel vm2, v19, v13;
	v14 =	vadd.f32 v16, v14;
	v8 =	vadd.f32 v17, v8  }
0x138: {  	v15 =	vsel vm2, v15, v18;
	v9 =	vadd.f32 v12, v9;
	v11 =	vadd.f32 v20, v11  }
0x139: {  	v8 =	vsel vm2, v14, v8;
	v6 =	vsel vm2, v6, v10;
	v10 =	vperm.xlane v13, v1  }
0x13a: {  	v12 =	vperm.xlane v15, v1;
	v9 =	vsel vm2, v9, v11;
	v11 =	vperm.xlane v6, v1  }
0x13b: {  	v10 =	vadd.f32 v10, v13;
	v13 =	vperm.xlane v8, v1;
	v14 =	vperm.xlane v9, v1  }
0x13c: {  	v12 =	vadd.f32 v12, v15;
	v6 =	vadd.f32 v11, v6  }
0x13d: {  	v4 =	vsel vm0, v4, v5;
	v5 =	vadd.f32 v13, v8;
	v8 =	vadd.f32 v14, v9  }
0x13e: {  	v7 =	vsel vm0, v7, v10;
	v9 =	vperm.xlane v4, v2  }
0x13f: {  	v6 =	vsel vm0, v12, v6;
	v5 =	vsel vm0, v5, v8;
	v8 =	vperm.xlane v7, v2  }
0x140: {  	v10 =	vperm.xlane v6, v2;
	v11 =	vperm.xlane v5, v2  }
0x141: {  	v4 =	vadd.f32 v9, v4;
	v7 =	vadd.f32 v8, v7  }
0x142: {  	v6 =	vadd.f32 v10, v6;
	v5 =	vadd.f32 v11, v5;
	_ =	sdelay $0x1  }
0x143: {  	v4 =	vsel vm1, v4, v7;
	v5 =	vsel vm1, v6, v5  }
0x144: {  	v6 =	vperm.xlane v4, v3;
	v7 =	vperm.xlane v5, v3;
	_ =	sdelay $0x1  }
0x145: {  	v4 =	vadd.f32 v6, v4;
	v5 =	vadd.f32 v7, v5;
	_ =	sdelay $0x1  }
0x146: {  	s20 =	simm.s32 $0x10400;
	v4 =	vsel vm3, v4, v5  }
0x147: {  	s21 =	simm.s32 $0x800;
	[tilespmem:s20+$0x0] =	vst v4  }
0x148: {  	v5 =	vld [tilespmem:s21+$0x8400]  }
0x149: {  	v6 =	vld [tilespmem:s21+$0x400]  }
0x14a: {  	v7 =	vld [tilespmem:s21+$0x410]  }
0x14b: {  	v8 =	vld [tilespmem:s21+$0x8410]  }
0x14c: {  	v9 =	vld [tilespmem:s21+$0x800]  }
0x14d: {  	v10 =	vld [tilespmem:s21+$0x8800]  }
0x14e: {  	v11 =	vld [tilespmem:s21+$0x810]  }
0x14f: {  	v12 =	vld [tilespmem:s21+$0x8810]  }
0x150: {  	v13 =	vld [tilespmem:s21+$0x600]  }
0x151: {  	v14 =	vld [tilespmem:s21+$0x8600]  }
0x152: {  	v15 =	vld [tilespmem:s21+$0x610]  }
0x153: {  	v16 =	vld [tilespmem:s21+$0x8610]  }
0x154: {  	v17 =	vld [tilespmem:s21+$0xA00]  }
0x155: {  	v18 =	vld [tilespmem:s21+$0x8A00]  }
0x156: {  	v19 =	vld [tilespmem:s21+$0xA10]  }
0x157: {  	v20 =	vld [tilespmem:s21+$0x8A10]  }
0x158: {  	v21 =	vld [tilespmem:s21+$0x500]  }
0x159: {  	v22 =	vld [tilespmem:s21+$0x8500]  }
0x15a: {  	v23 =	vld [tilespmem:s21+$0x510]  }
0x15b: {  	v24 =	vld [tilespmem:s21+$0x8510]  }
0x15c: {  	v25 =	vld [tilespmem:s21+$0x900]  }
0x15d: {  	v26 =	vld [tilespmem:s21+$0x8900]  }
0x15e: {  	v27 =	vld [tilespmem:s21+$0x910]  }
0x15f: {  	v28 =	vld [tilespmem:s21+$0x8910]  }
0x160: {  	v29 =	vld [tilespmem:s21+$0x700]  }
0x161: {  	v30 =	vld [tilespmem:s21+$0x8700]  }
0x162: {  	v31 =	vld [tilespmem:s21+$0x710]  }
0x163: {  	v61 =	vld [tilespmem:s21+$0x8710]  }
0x164: {  	v62 =	vld [tilespmem:s21+$0xB00]  }
0x165: {  	v63 =	vld [tilespmem:s21+$0x8B00]  }
0x166: {  	v48 =	vld [tilespmem:s21+$0xB10]  }
0x167: {  	v49 =	vld [tilespmem:s21+$0x8B10]  }
0x168: {  	v50 =	vld [tilespmem:s21+$0x480]  }
0x169: {  	v51 =	vld [tilespmem:s21+$0x8480]  }
0x16a: {  	v52 =	vld [tilespmem:s21+$0x490]  }
0x16b: {  	v53 =	vld [tilespmem:s21+$0x8490]  }
0x16c: {  	v54 =	vld [tilespmem:s21+$0x880]  }
0x16d: {  	v55 =	vld [tilespmem:s21+$0x8880]  }
0x16e: {  	v56 =	vld [tilespmem:s21+$0x890]  }
0x16f: {  	v57 =	vld [tilespmem:s21+$0x8890]  }
0x170: {  	v4 =	vld [tilespmem:s21+$0x680];
	v45 =	vmul.f32 v5, v6  }
0x171: {  	v7 =	vmul.f32 v8, v7;
	v5 =	vld [tilespmem:s21+$0x8680];
	v8 =	vmul.f32 v10, v9  }
0x172: {  	v9 =	vmul.f32 v12, v11;
	v6 =	vld [tilespmem:s21+$0x690];
	v11 =	vmul.f32 v14, v13  }
0x173: {  	v12 =	vmul.f32 v16, v15;
	v13 =	vmul.f32 v18, v17;
	v10 =	vadd.f32 v7, v45;
	v7 =	vld [tilespmem:s21+$0x8690]  }
0x174: {  	v15 =	vmul.f32 v20, v19;
	v20 =	vmul.f32 v22, v21;
	v14 =	vadd.f32 v9, v8;
	v8 =	vld [tilespmem:s21+$0xA80]  }
0x175: {  	v21 =	vmul.f32 v24, v23;
	v23 =	vmul.f32 v28, v27;
	v9 =	vld [tilespmem:s21+$0x8A80]  }
0x176: {  	v28 =	vmul.f32 v30, v29;
	v29 =	vmul.f32 v61, v31;
	v16 =	vadd.f32 v12, v11;
	v11 =	vld [tilespmem:s21+$0xA90]  }
0x177: {  	v30 =	vmul.f32 v63, v62;
	v31 =	vmul.f32 v49, v48;
	v12 =	vld [tilespmem:s21+$0x8A90]  }
0x178: {  	v15 =	vadd.f32 v15, v13;
	v13 =	vld [tilespmem:s21+$0x580];
	v17 =	vperm.xlane v10, v0;
	v18 =	vperm.xlane v14, v0  }
0x179: {  	v33 =	vadd.f32 v29, v28;
	v31 =	vadd.f32 v31, v30;
	v28 =	vld [tilespmem:s21+$0x8B80];
	v19 =	vperm.xlane v16, v0  }
0x17a: {  	v30 =	vld [tilespmem:s21+$0xB90];
	v10 =	vadd.f32 v17, v10;
	v17 =	vadd.f32 v18, v14;
	v18 =	vperm.xlane v15, v0  }
0x17b: {  	v14 =	vld [tilespmem:s21+$0x8580];
	v22 =	vadd.f32 v19, v16;
	v19 =	vmul.f32 v26, v25  }
0x17c: {  	v16 =	vld [tilespmem:s21+$0x590];
	v15 =	vadd.f32 v18, v15  }
0x17d: {  	v18 =	vld [tilespmem:s21+$0x8590];
	v10 =	vsel vm2, v10, v17;
	v17 =	vadd.f32 v21, v20;
	v25 =	vadd.f32 v23, v19  }
0x17e: {  	v59 =	vmul.f32 v51, v50;
	v19 =	vld [tilespmem:s21+$0x980]  }
0x17f: {  	v20 =	vld [tilespmem:s21+$0x8980];
	v24 =	vperm.xlane v17, v0;
	v27 =	vperm.xlane v25, v0  }
0x180: {  	v60 =	vmul.f32 v53, v52;
	v61 =	vmul.f32 v55, v54;
	v21 =	vld [tilespmem:s21+$0x990]  }
0x181: {  	v23 =	vld [tilespmem:s21+$0x780];
	v26 =	vperm.xlane v10, v1;
	v17 =	vadd.f32 v24, v17;
	v27 =	vadd.f32 v27, v25  }
0x182: {  	v62 =	vmul.f32 v57, v56;
	v32 =	vadd.f32 v60, v59;
	v15 =	vsel vm2, v22, v15;
	v22 =	vld [tilespmem:s21+$0x8990]  }
0x183: {  	v37 =	vperm.xlane v33, v0;
	v10 =	vadd.f32 v26, v10;
	v26 =	vld [tilespmem:s21+$0x8790];
	v17 =	vsel vm2, v17, v27  }
0x184: {  	v29 =	vadd.f32 v62, v61;
	v58 =	vperm.xlane v15, v1;
	v24 =	vld [tilespmem:s21+$0x8780];
	v63 =	vperm.xlane v17, v1  }
0x185: {  	v35 =	vperm.xlane v31, v0;
	v36 =	vperm.xlane v32, v0;
	v25 =	vld [tilespmem:s21+$0x790]  }
0x186: {  	s12 =	simm.s32 $0x2000;
	s22 =	simm.s32 $0x4000;
	v34 =	vperm.xlane v29, v0;
	v15 =	vadd.f32 v58, v15;
	v27 =	vld [tilespmem:s21+$0xB80];
	v17 =	vadd.f32 v63, v17  }
.LBB2_4:
0x187: {  	p0 =	sne.s32 s22, $0x1E000;
	v4 =	vmul.f32 v5, v4;
	v5 =	vmul.f32 v7, v6;
	v6 =	vld [tilespmem:s21+$0x8B90];
	v7 =	vadd.f32 v37, v33  }
0x188: {  	v8 =	vmul.f32 v9, v8;
	v9 =	vmul.f32 v12, v11;
	v11 =	vadd.f32 v35, v31  }
0x189: {  	v12 =	vmul.f32 v14, v13;
	v13 =	vmul.f32 v18, v16;
	v14 =	vadd.f32 v36, v32  }
0x18a: {  	v16 =	vmul.f32 v20, v19;
	v18 =	vmul.f32 v22, v21;
	v19 =	vadd.f32 v34, v29  }
0x18b: {  	v20 =	vmul.f32 v26, v25;
	v4 =	vadd.f32 v5, v4;
	v5 =	vmul.f32 v24, v23  }
0x18c: {  	v8 =	vadd.f32 v9, v8;
	v9 =	vmul.f32 v28, v27;
	v6 =	vmul.f32 v6, v30  }
0x18d: {  	v12 =	vadd.f32 v13, v12;
	v13 =	vadd.f32 v18, v16;
	v16 =	vperm.xlane v4, v0  }
0x18e: {  	v5 =	vadd.f32 v20, v5;
	v6 =	vadd.f32 v6, v9;
	v9 =	vperm.xlane v8, v0  }
0x18f: {  	v18 =	vperm.xlane v13, v0;
	v4 =	vadd.f32 v16, v4;
	v16 =	vperm.xlane v12, v0  }
0x190: {  	v8 =	vadd.f32 v9, v8;
	v9 =	vperm.xlane v5, v0;
	v20 =	vperm.xlane v6, v0  }
0x191: {  	v7 =	vsel vm2, v7, v11;
	v11 =	vadd.f32 v16, v12;
	v12 =	vadd.f32 v18, v13  }
0x192: {  	v13 =	vsel vm2, v14, v19;
	v5 =	vadd.f32 v9, v5;
	v6 =	vadd.f32 v20, v6  }
0x193: {  	v4 =	vsel vm2, v4, v8;
	v8 =	vperm.xlane v7, v1;
	v9 =	vperm.xlane v13, v1  }
0x194: {  	v11 =	vsel vm2, v11, v12;
	v5 =	vsel vm2, v5, v6;
	v6 =	vperm.xlane v4, v1  }
0x195: {  	v7 =	vadd.f32 v8, v7;
	v8 =	vperm.xlane v11, v1;
	v12 =	vperm.xlane v5, v1  }
0x196: {  	v9 =	vadd.f32 v9, v13;
	v4 =	vadd.f32 v6, v4  }
0x197: {  	v6 =	vsel vm0, v10, v15;
	v8 =	vadd.f32 v8, v11;
	v5 =	vadd.f32 v12, v5  }
0x198: {  	v7 =	vsel vm0, v17, v7;
	v10 =	vperm.xlane v6, v2  }
0x199: {  	v4 =	vsel vm0, v9, v4;
	v5 =	vsel vm0, v8, v5;
	v8 =	vperm.xlane v7, v2  }
0x19a: {  	v9 =	vperm.xlane v4, v2;
	v11 =	vperm.xlane v5, v2  }
0x19b: {  	v6 =	vadd.f32 v10, v6;
	v7 =	vadd.f32 v8, v7  }
0x19c: {  	v4 =	vadd.f32 v9, v4;
	v5 =	vadd.f32 v11, v5;
	_ =	sdelay $0x1  }
0x19d: {  	v6 =	vsel vm1, v6, v7;
	v4 =	vsel vm1, v4, v5  }
0x19e: {  	v5 =	vperm.xlane v6, v3;
	v7 =	vperm.xlane v4, v3;
	_ =	sdelay $0x1  }
0x19f: {  	v5 =	vadd.f32 v5, v6;
	v4 =	vadd.f32 v7, v4;
	_ =	sdelay $0x1  }
0x1a0: {  	s20 =	sadd.s32 $0x10, s20;
	v4 =	vsel vm3, v5, v4  }
0x1a1: {  	s21 =	sshra.s32 s22, $0x2;
	[tilespmem:s20+$0x0] =	vst v4  }
0x1a2: {  	v5 =	vld [tilespmem:s21+$0x8400]  }
0x1a3: {  	v6 =	vld [tilespmem:s21+$0x400]  }
0x1a4: {  	v7 =	vld [tilespmem:s21+$0x410]  }
0x1a5: {  	v8 =	vld [tilespmem:s21+$0x8410]  }
0x1a6: {  	v9 =	vld [tilespmem:s21+$0x800]  }
0x1a7: {  	v10 =	vld [tilespmem:s21+$0x8800]  }
0x1a8: {  	v11 =	vld [tilespmem:s21+$0x810]  }
0x1a9: {  	v12 =	vld [tilespmem:s21+$0x8810]  }
0x1aa: {  	v13 =	vld [tilespmem:s21+$0x600]  }
0x1ab: {  	v14 =	vld [tilespmem:s21+$0x8600]  }
0x1ac: {  	v15 =	vld [tilespmem:s21+$0x610]  }
0x1ad: {  	v16 =	vld [tilespmem:s21+$0x8610]  }
0x1ae: {  	v17 =	vld [tilespmem:s21+$0xA00]  }
0x1af: {  	v18 =	vld [tilespmem:s21+$0x8A00]  }
0x1b0: {  	v19 =	vld [tilespmem:s21+$0xA10]  }
0x1b1: {  	v20 =	vld [tilespmem:s21+$0x8A10]  }
0x1b2: {  	v21 =	vld [tilespmem:s21+$0x500]  }
0x1b3: {  	v22 =	vld [tilespmem:s21+$0x8500]  }
0x1b4: {  	v23 =	vld [tilespmem:s21+$0x510]  }
0x1b5: {  	v24 =	vld [tilespmem:s21+$0x8510]  }
0x1b6: {  	v25 =	vld [tilespmem:s21+$0x900]  }
0x1b7: {  	v26 =	vld [tilespmem:s21+$0x8900]  }
0x1b8: {  	v27 =	vld [tilespmem:s21+$0x910]  }
0x1b9: {  	v28 =	vld [tilespmem:s21+$0x8910]  }
0x1ba: {  	v29 =	vld [tilespmem:s21+$0x700]  }
0x1bb: {  	v30 =	vld [tilespmem:s21+$0x8700]  }
0x1bc: {  	v31 =	vld [tilespmem:s21+$0x710]  }
0x1bd: {  	v32 =	vld [tilespmem:s21+$0x8710]  }
0x1be: {  	v33 =	vld [tilespmem:s21+$0xB00]  }
0x1bf: {  	v34 =	vld [tilespmem:s21+$0x8B00]  }
0x1c0: {  	v35 =	vld [tilespmem:s21+$0xB10]  }
0x1c1: {  	v36 =	vld [tilespmem:s21+$0x8B10]  }
0x1c2: {  	v37 =	vld [tilespmem:s21+$0x480]  }
0x1c3: {  	v38 =	vld [tilespmem:s21+$0x8480]  }
0x1c4: {  	v39 =	vld [tilespmem:s21+$0x490]  }
0x1c5: {  	v40 =	vld [tilespmem:s21+$0x8490]  }
0x1c6: {  	v41 =	vld [tilespmem:s21+$0x880]  }
0x1c7: {  	v42 =	vld [tilespmem:s21+$0x8880]  }
0x1c8: {  	v43 =	vld [tilespmem:s21+$0x890]  }
0x1c9: {  	v44 =	vld [tilespmem:s21+$0x8890]  }
0x1ca: {  	v4 =	vld [tilespmem:s21+$0x680]  }
0x1cb: {  	v45 =	vmul.f32 v5, v6;
	v7 =	vmul.f32 v8, v7;
	v5 =	vld [tilespmem:s21+$0x8680]  }
0x1cc: {  	v8 =	vmul.f32 v10, v9;
	v9 =	vmul.f32 v12, v11;
	v6 =	vld [tilespmem:s21+$0x690]  }
0x1cd: {  	v10 =	vadd.f32 v7, v45;
	v11 =	vmul.f32 v14, v13;
	v12 =	vmul.f32 v16, v15;
	v7 =	vld [tilespmem:s21+$0x8690]  }
0x1ce: {  	v14 =	vadd.f32 v9, v8;
	v13 =	vmul.f32 v18, v17;
	v15 =	vmul.f32 v20, v19;
	v8 =	vld [tilespmem:s21+$0xA80]  }
0x1cf: {  	v16 =	vadd.f32 v12, v11;
	v9 =	vld [tilespmem:s21+$0x8A80]  }
0x1d0: {  	v17 =	vperm.xlane v10, v0;
	v18 =	vperm.xlane v14, v0;
	v15 =	vadd.f32 v15, v13;
	v11 =	vld [tilespmem:s21+$0xA90]  }
0x1d1: {  	v19 =	vperm.xlane v16, v0;
	v12 =	vld [tilespmem:s21+$0x8A90]  }
0x1d2: {  	v10 =	vadd.f32 v17, v10;
	v17 =	vadd.f32 v18, v14;
	v18 =	vperm.xlane v15, v0;
	v13 =	vld [tilespmem:s21+$0x580]  }
0x1d3: {  	v20 =	vmul.f32 v22, v21;
	v22 =	vadd.f32 v19, v16;
	v21 =	vmul.f32 v24, v23;
	v14 =	vld [tilespmem:s21+$0x8580]  }
0x1d4: {  	v19 =	vmul.f32 v26, v25;
	v15 =	vadd.f32 v18, v15;
	v23 =	vmul.f32 v28, v27;
	v16 =	vld [tilespmem:s21+$0x590]  }
0x1d5: {  	v10 =	vsel vm2, v10, v17;
	v18 =	vld [tilespmem:s21+$0x8590]  }
0x1d6: {  	v17 =	vadd.f32 v21, v20;
	v15 =	vsel vm2, v22, v15;
	v25 =	vadd.f32 v23, v19;
	v19 =	vld [tilespmem:s21+$0x980]  }
0x1d7: {  	v26 =	vperm.xlane v10, v1;
	v45 =	vperm.xlane v15, v1;
	v20 =	vld [tilespmem:s21+$0x8980]  }
0x1d8: {  	v24 =	vperm.xlane v17, v0;
	v27 =	vperm.xlane v25, v0;
	v21 =	vld [tilespmem:s21+$0x990]  }
0x1d9: {  	v28 =	vmul.f32 v30, v29;
	v29 =	vmul.f32 v32, v31;
	v22 =	vld [tilespmem:s21+$0x8990]  }
0x1da: {  	v17 =	vadd.f32 v24, v17;
	v30 =	vmul.f32 v34, v33;
	v31 =	vmul.f32 v36, v35;
	v23 =	vld [tilespmem:s21+$0x780]  }
0x1db: {  	v27 =	vadd.f32 v27, v25;
	v32 =	vmul.f32 v38, v37;
	v34 =	vmul.f32 v40, v39;
	v24 =	vld [tilespmem:s21+$0x8780]  }
.Ltmp1:
0x1dc: {  	v10 =	vadd.f32 v26, v10;
	v35 =	vmul.f32 v42, v41;
	v36 =	vmul.f32 v44, v43;
	v25 =	vld [tilespmem:s21+$0x790];
	(pc) =	sbr.rel @p0 .LBB2_4-.Ltmp1, $4  }
0x1dd: {  	v33 =	vadd.f32 v29, v28;
	v17 =	vsel vm2, v17, v27;
	v31 =	vadd.f32 v31, v30;
	v26 =	vld [tilespmem:s21+$0x8790]  }
0x1de: {  	v38 =	vperm.xlane v17, v1;
	v32 =	vadd.f32 v34, v32;
	v29 =	vadd.f32 v36, v35;
	v27 =	vld [tilespmem:s21+$0xB80]  }
0x1df: {  	v15 =	vadd.f32 v45, v15;
	v37 =	vperm.xlane v33, v0;
	v35 =	vperm.xlane v31, v0;
	v28 =	vld [tilespmem:s21+$0x8B80]  }
0x1e0: {  	s22 =	sadd.s32 $0x2000, s22;
	v17 =	vadd.f32 v38, v17;
	v36 =	vperm.xlane v32, v0;
	v34 =	vperm.xlane v29, v0;
	v30 =	vld [tilespmem:s21+$0xB90]  }
0x1e1: {  	v4 =	vmul.f32 v5, v4  }
0x1e2: {  	v5 =	vmul.f32 v7, v6;
	v62 =	vld [tilespmem:s21+$0x8B90];
	v8 =	vmul.f32 v9, v8  }
0x1e3: {  	v63 =	vadd.f32 v37, v33;
	v33 =	vmul.f32 v12, v11;
	v37 =	vmul.f32 v14, v13  }
0x1e4: {  	v35 =	vadd.f32 v35, v31;
	v38 =	vmul.f32 v18, v16;
	v40 =	vmul.f32 v20, v19  }
0x1e5: {  	v41 =	vmul.f32 v22, v21;
	v39 =	vadd.f32 v36, v32;
	v42 =	vadd.f32 v34, v29  }
0x1e6: {  	v43 =	vmul.f32 v26, v25;
	v4 =	vadd.f32 v5, v4;
	v5 =	vmul.f32 v24, v23  }
0x1e7: {  	v8 =	vadd.f32 v33, v8;
	v44 =	vmul.f32 v28, v27;
	v6 =	vmul.f32 v62, v30  }
0x1e8: {  	v12 =	vadd.f32 v38, v37;
	v45 =	vadd.f32 v41, v40;
	v46 =	vperm.xlane v4, v0  }
0x1e9: {  	v5 =	vadd.f32 v43, v5;
	v47 =	vperm.xlane v8, v0;
	v6 =	vadd.f32 v6, v44  }
0x1ea: {  	v48 =	vperm.xlane v12, v0;
	v18 =	vperm.xlane v45, v0;
	v4 =	vadd.f32 v46, v4  }
0x1eb: {  	v8 =	vadd.f32 v47, v8;
	v49 =	vperm.xlane v5, v0;
	v50 =	vperm.xlane v6, v0  }
0x1ec: {  	v7 =	vsel vm2, v63, v35;
	v51 =	vadd.f32 v48, v12;
	v52 =	vadd.f32 v18, v45  }
0x1ed: {  	v53 =	vsel vm2, v39, v42;
	v5 =	vadd.f32 v49, v5;
	v6 =	vadd.f32 v50, v6  }
0x1ee: {  	v54 =	vperm.xlane v7, v1;
	v55 =	vperm.xlane v53, v1;
	v4 =	vsel vm2, v4, v8  }
0x1ef: {  	v11 =	vsel vm2, v51, v52;
	v56 =	vperm.xlane v4, v1;
	v5 =	vsel vm2, v5, v6  }
0x1f0: {  	v7 =	vadd.f32 v54, v7;
	v57 =	vperm.xlane v11, v1;
	v58 =	vperm.xlane v5, v1  }
0x1f1: {  	v9 =	vadd.f32 v55, v53;
	v4 =	vadd.f32 v56, v4  }
0x1f2: {  	v59 =	vsel vm0, v10, v15;
	v8 =	vadd.f32 v57, v11;
	v5 =	vadd.f32 v58, v5  }
0x1f3: {  	v10 =	vperm.xlane v59, v2;
	v7 =	vsel vm0, v17, v7  }
0x1f4: {  	v60 =	vperm.xlane v7, v2;
	v4 =	vsel vm0, v9, v4;
	v5 =	vsel vm0, v8, v5  }
0x1f5: {  	v9 =	vperm.xlane v4, v2;
	v61 =	vperm.xlane v5, v2  }
0x1f6: {  	v7 =	vadd.f32 v60, v7;
	v6 =	vadd.f32 v10, v59  }
0x1f7: {  	v4 =	vadd.f32 v9, v4;
	v5 =	vadd.f32 v61, v5;
	_ =	sdelay $0x1  }
0x1f8: {  	v6 =	vsel vm1, v6, v7;
	v4 =	vsel vm1, v4, v5  }
0x1f9: {  	v5 =	vperm.xlane v6, v3;
	v62 =	vperm.xlane v4, v3;
	_ =	sdelay $0x1  }
0x1fa: {  	v5 =	vadd.f32 v5, v6;
	v4 =	vadd.f32 v62, v4;
	_ =	sdelay $0x1  }
0x1fb: {  	s0 =	sadd.s32 $0x10, s20;
	v4 =	vsel vm3, v5, v4  }
0x1fc: {  	s11 =	simm.s32 $0x100;
	[tilespmem:s0+$0x0] =	vst v4  }
0x1fd: {  	v4 =	vld [tilespmem:s11+$0x0]  }
0x1fe: {  	s13 =	simm.s32 $0x300  }
0x1ff: {  	v63 =	vld [tilespmem:s13+$0x0];
	_ =	sdelay $0x2  }
0x200: {  	v5 =	vshll.u32 v4, $0x4  }
0x201: {  	(v2sf) =	vpush v5, $0x0  }
0x202: {  	v4 =	vshll.u32 v63, $0x4  }
0x203: {  	(v2sf) =	vpush v4, $0x0;
	_ =	sdelay $0x1  }
0x204: {  	(v2sf) =	vpush v5, $0x1  }
0x205: {  	(v2sf) =	vpush v4, $0x1;
	_ =	sdelay $0x1  }
0x206: {  	(v2sf) =	vpush v5, $0x2;
	_ =	sdelay $0x1  }
0x207: {  	(v2sf) =	vpush v4, $0x2;
	_ =	sdelay $0x1  }
0x208: {  	(v2sf) =	vpush v5, $0x3  }
0x209: {  	s20 =	simm.s32 $0x0;
	s1 =	simm.s32 $0x8400;
	s4 =	simm.s32 $0x680  }
0x20a: {  	s2 =	simm.s32 $0x880;
	s5 =	simm.s32 $0x400;
	s7 =	simm.s32 $0x600  }
0x20b: {  	s8 =	simm.s32 $0x580;
	s16 =	simm.s32 $0x480;
	s19 =	simm.s32 $0x8480  }
0x20c: {  	s22 =	simm.s32 $0x500;
	s25 =	simm.s32 $0x8500;
	s6 =	spop (v2sf);
	(v2sf) =	vpush v4, $0x3  }
0x20d: {  	s29 =	simm.s32 $0xA00;
	s28 =	simm.s32 $0xB00;
	s6 =	sand.u32 $0x1FFFFFF0, s6  }
0x20e: {  	s0 =	simm.s32 $0x8900;
	s10 =	spop (v2sf);
	(v2sf) =	vpush v5, $0x4;
	s6 =	sadd.s32 s3, s6  }
0x20f: {  	(v2sf) =	vpush v4, $0x4;
	[tilespmem:s5], [sflag:$0x1] =	stream.linear.gather [hbm4b:s6+s9], $0x80, $0x38;
	[tilespmem:$0x10600] =	vst v63  }
0x210: {  	s14 =	sand.u32 $0x1FFFFFF0, s10;
	s15 =	spop (v2sf);
	s5 =	simm.s32 $0x8580  }
0x211: {  	s6 =	sadd.s32 s3, s14;
	s10 =	sand.u32 $0x1FFFFFF0, s15;
	s11 =	spop (v2sf)  }
0x212: {  	(v2sf) =	vpush v5, $0x5;
	[tilespmem:s1], [sflag:$0x2] =	stream.linear.gather [hbm4b:s6+s9], $0x80, $0x38;
	[tilespmem:$0x10600] =	vst v63  }
0x213: {  	s17 =	sadd.s32 s3, s10;
	s18 =	sand.u32 $0x1FFFFFF0, s11;
	s21 =	spop (v2sf);
	(v2sf) =	vpush v4, $0x5  }
0x214: {  	[tilespmem:s16], [sflag:$0x2] =	stream.linear.gather [hbm4b:s17+s9], $0x80, $0x38;
	[tilespmem:$0x10600] =	vst v63  }
0x215: {  	s10 =	sadd.s32 s3, s18;
	(v2sf) =	vpush v5, $0x6;
	s6 =	sand.u32 $0x1FFFFFF0, s21;
	s23 =	spop (v2sf)  }
0x216: {  	[tilespmem:s19], [sflag:$0x3] =	stream.linear.gather [hbm4b:s10+s9], $0x80, $0x38;
	[tilespmem:$0x10600] =	vst v63  }
0x217: {  	s6 =	sadd.s32 s3, s6;
	s24 =	spop (v2sf);
	s10 =	sand.u32 $0x1FFFFFF0, s23  }
0x218: {  	[tilespmem:s22], [sflag:$0x3] =	stream.linear.gather [hbm4b:s6+s9], $0x80, $0x38;
	[tilespmem:$0x10600] =	vst v63  }
0x219: {  	s14 =	simm.s32 $0x8600;
	(v2sf) =	vpush v4, $0x6;
	s30 =	sand.u32 $0x1FFFFFF0, s24;
	s26 =	sadd.s32 s3, s10  }
0x21a: {  	[tilespmem:s25], [sflag:$0x4] =	stream.linear.gather [hbm4b:s26+s9], $0x80, $0x38;
	[tilespmem:$0x10600] =	vst v63  }
0x21b: {  	s11 =	simm.s32 $0x8A00;
	s13 =	sadd.s32 s3, s30;
	s31 =	spop (v2sf)  }
0x21c: {  	[tilespmem:s8], [sflag:$0x4] =	stream.linear.gather [hbm4b:s13+s9], $0x80, $0x38;
	[tilespmem:$0x10600] =	vst v63  }
0x21d: {  	s19 =	simm.s32 $0x8680;
	(v2sf) =	vpush v5, $0x7;
	s1 =	sand.u32 $0x1FFFFFF0, s31;
	s15 =	spop (v2sf)  }
0x21e: {  	s22 =	simm.s32 $0x700;
	s1 =	sadd.s32 s3, s1;
	s16 =	spop (v2sf)  }
0x21f: {  	(v2sf) =	vpush v4, $0x7;
	[tilespmem:s5], [sflag:$0x5] =	stream.linear.gather [hbm4b:s1+s9], $0x80, $0x38;
	[tilespmem:$0x10600] =	vst v63  }
0x220: {  	s13 =	simm.s32 $0xA80;
	s8 =	sand.u32 $0x1FFFFFF0, s15;
	(v2sf) =	vpush v5, $0x8;
	s18 =	sand.u32 $0x1FFFFFF0, s16  }
0x221: {  	s17 =	sadd.s32 s3, s8;
	s21 =	spop (v2sf);
	s5 =	sadd.s32 s3, s18  }
0x222: {  	(v2sf) =	vpush v4, $0x8;
	s23 =	sand.u32 $0x1FFFFFF0, s21;
	s24 =	spop (v2sf);
	s21 =	simm.s32 $0x8780  }
0x223: {  	[tilespmem:s7], [sflag:$0x5] =	stream.linear.gather [hbm4b:s17+s9], $0x80, $0x38;
	[tilespmem:$0x10600] =	vst v63  }
0x224: {  	(v2sf) =	vpush v5, $0x9;
	s6 =	sadd.s32 s3, s23;
	s7 =	sand.u32 $0x1FFFFFF0, s24;
	s25 =	spop (v2sf)  }
0x225: {  	[tilespmem:s14], [sflag:$0x6] =	stream.linear.gather [hbm4b:s5+s9], $0x80, $0x38;
	[tilespmem:$0x10600] =	vst v63  }
0x226: {  	(v2sf) =	vpush v4, $0x9;
	s17 =	simm.s32 $0x780;
	s23 =	simm.s32 $0x800;
	s26 =	sadd.s32 s3, s7  }
0x227: {  	[tilespmem:s4], [sflag:$0x6] =	stream.linear.gather [hbm4b:s6+s9], $0x80, $0x38;
	[tilespmem:$0x10600] =	vst v63  }
0x228: {  	s30 =	sand.u32 $0x1FFFFFF0, s25;
	s31 =	spop (v2sf);
	(v2sf) =	vpush v5, $0xA;
	s7 =	simm.s32 $0x8880  }
0x229: {  	[tilespmem:s19], [sflag:$0x7] =	stream.linear.gather [hbm4b:s26+s9], $0x80, $0x38;
	[tilespmem:$0x10600] =	vst v63  }
0x22a: {  	s10 =	sadd.s32 s3, s30;
	s14 =	simm.s32 $0x8700;
	(v2sf) =	vpush v4, $0xA;
	s1 =	sand.u32 $0x1FFFFFF0, s31  }
0x22b: {  	[tilespmem:s22], [sflag:$0x7] =	stream.linear.gather [hbm4b:s10+s9], $0x80, $0x38;
	[tilespmem:$0x10600] =	vst v63  }
0x22c: {  	s1 =	sadd.s32 s3, s1;
	s26 =	simm.s32 $0x8800;
	s15 =	spop (v2sf);
	(v2sf) =	vpush v5, $0xB  }
0x22d: {  	[tilespmem:s14], [sflag:$0x8] =	stream.linear.gather [hbm4b:s1+s9], $0x80, $0x38;
	[tilespmem:$0x10600] =	vst v63  }
0x22e: {  	s14 =	simm.s32 $0x900;
	s6 =	sand.u32 $0x1FFFFFF0, s15;
	s16 =	spop (v2sf);
	(v2sf) =	vpush v4, $0xB  }
0x22f: {  	s18 =	sadd.s32 s3, s6;
	s19 =	sand.u32 $0x1FFFFFF0, s16;
	s22 =	spop (v2sf)  }
0x230: {  	[tilespmem:s17], [sflag:$0x8] =	stream.linear.gather [hbm4b:s18+s9], $0x80, $0x38;
	[tilespmem:$0x10600] =	vst v63  }
0x231: {  	s6 =	sadd.s32 s3, s19;
	s5 =	sand.u32 $0x1FFFFFF0, s22;
	s24 =	spop (v2sf)  }
0x232: {  	[tilespmem:s21], [sflag:$0x1] =	stream.linear.gather [hbm4b:s6+s9], $0x80, $0x38;
	[tilespmem:$0x10600] =	vst v63  }
0x233: {  	(v2sf) =	vpush v5, $0xC;
	s5 =	sadd.s32 s3, s5;
	s25 =	spop (v2sf);
	s6 =	sand.u32 $0x1FFFFFF0, s24  }
0x234: {  	(v2sf) =	vpush v4, $0xC;
	[tilespmem:s23], [sflag:$0x1] =	stream.linear.gather [hbm4b:s5+s9], $0x80, $0x38;
	[tilespmem:$0x10600] =	vst v63  }
0x235: {  	s31 =	sand.u32 $0x1FFFFFF0, s25;
	s10 =	spop (v2sf);
	s30 =	sadd.s32 s3, s6  }
0x236: {  	[tilespmem:s26], [sflag:$0x2] =	stream.linear.gather [hbm4b:s30+s9], $0x80, $0x38;
	[tilespmem:$0x10600] =	vst v63  }
0x237: {  	s6 =	sadd.s32 s3, s31;
	s15 =	spop (v2sf);
	s5 =	sand.u32 $0x1FFFFFF0, s10  }
0x238: {  	[tilespmem:s2], [sflag:$0x2] =	stream.linear.gather [hbm4b:s6+s9], $0x80, $0x38;
	[tilespmem:$0x10600] =	vst v63  }
0x239: {  	s16 =	spop (v2sf);
	s5 =	sadd.s32 s3, s5;
	s6 =	sand.u32 $0x1FFFFFF0, s15  }
0x23a: {  	[tilespmem:s7], [sflag:$0x3] =	stream.linear.gather [hbm4b:s5+s9], $0x80, $0x38;
	[tilespmem:$0x10600] =	vst v63  }
0x23b: {  	s18 =	sand.u32 $0x1FFFFFF0, s16;
	s17 =	sadd.s32 s3, s6;
	s19 =	spop (v2sf)  }
0x23c: {  	[tilespmem:s14], [sflag:$0x3] =	stream.linear.gather [hbm4b:s17+s9], $0x80, $0x38;
	[tilespmem:$0x10600] =	vst v63  }
0x23d: {  	s8 =	simm.s32 $0x8A80;
	s21 =	sadd.s32 s3, s18;
	s23 =	spop (v2sf)  }
0x23e: {  	[tilespmem:s0], [sflag:$0x4] =	stream.linear.gather [hbm4b:s21+s9], $0x80, $0x38;
	[tilespmem:$0x10600] =	vst v63  }
0x23f: {  	s4 =	simm.s32 $0x8980;
	(v2sf) =	vpush v5, $0xD;
	s22 =	sand.u32 $0x1FFFFFF0, s19;
	s26 =	sand.u32 $0x1FFFFFF0, s23  }
0x240: {  	s24 =	simm.s32 $0x980;
	(v2sf) =	vpush v4, $0xD;
	s25 =	sadd.s32 s3, s22;
	s30 =	sadd.s32 s3, s26  }
0x241: {  	(v2sf) =	vpush v5, $0xE;
	[tilespmem:s24], [sflag:$0x4] =	stream.linear.gather [hbm4b:s25+s9], $0x80, $0x38;
	[tilespmem:$0x10600] =	vst v63  }
0x242: {  	(v2sf) =	vpush v4, $0xE;
	s31 =	spop (v2sf);
	s26 =	simm.s32 $0x8B00;
	s24 =	simm.s32 $0x110  }
0x243: {  	s25 =	simm.s32 $0x310;
	(v2sf) =	vpush v5, $0xF;
	s0 =	sand.u32 $0x1FFFFFF0, s31;
	s2 =	spop (v2sf)  }
0x244: {  	(v2sf) =	vpush v4, $0xF;
	[tilespmem:s4], [sflag:$0x5] =	stream.linear.gather [hbm4b:s30+s9], $0x80, $0x38;
	[tilespmem:$0x10600] =	vst v63  }
.LBB2_6:
0x245: {  	_ =	sdelay $0x4  }
0x246: {  	s0 =	sadd.s32 s3, s0;
	s1 =	sand.u32 $0x1FFFFFF0, s2  }
0x247: {  	[tilespmem:s29], [sflag:$0x5] =	stream.linear.gather [hbm4b:s0+s9], $0x80, $0x38;
	[tilespmem:$0x10600] =	vst v63  }
0x248: {  	s6 =	sadd.s32 s3, s1  }
0x249: {  	[tilespmem:s11], [sflag:$0x6] =	stream.linear.gather [hbm4b:s6+s9], $0x80, $0x38;
	[tilespmem:$0x10600] =	vst v63  }
0x24a: {  	s5 =	spop (v2sf)  }
0x24b: {  	s7 =	sand.u32 $0x1FFFFFF0, s5;
	s10 =	spop (v2sf)  }
0x24c: {  	s11 =	sadd.s32 s3, s7;
	s14 =	sand.u32 $0x1FFFFFF0, s10;
	s15 =	spop (v2sf)  }
0x24d: {  	[tilespmem:s13], [sflag:$0x6] =	stream.linear.gather [hbm4b:s11+s9], $0x80, $0x38;
	[tilespmem:$0x10600] =	vst v63  }
0x24e: {  	s16 =	sadd.s32 s3, s14;
	s17 =	sand.u32 $0x1FFFFFF0, s15;
	s18 =	spop (v2sf)  }
0x24f: {  	[tilespmem:s8], [sflag:$0x7] =	stream.linear.gather [hbm4b:s16+s9], $0x80, $0x38;
	[tilespmem:$0x10600] =	vst v63  }
0x250: {  	s19 =	sadd.s32 s3, s17;
	s21 =	sand.u32 $0x1FFFFFF0, s18;
	s22 =	spop (v2sf)  }
0x251: {  	[tilespmem:s28], [sflag:$0x7] =	stream.linear.gather [hbm4b:s19+s9], $0x80, $0x38;
	[tilespmem:$0x10600] =	vst v63  }
0x252: {  	s23 =	sadd.s32 s3, s21;
	s30 =	sand.u32 $0x1FFFFFF0, s22;
	s31 =	spop (v2sf)  }
0x253: {  	[tilespmem:s26], [sflag:$0x8] =	stream.linear.gather [hbm4b:s23+s9], $0x80, $0x38;
	[tilespmem:$0x10600] =	vst v63  }
0x254: {  	s4 =	sadd.s32 $0xB80, s20;
	s1 =	sadd.s32 s3, s30;
	s2 =	sand.u32 $0x1FFFFFF0, s31  }
0x255: {  	[tilespmem:s4], [sflag:$0x8] =	stream.linear.gather [hbm4b:s1+s9], $0x80, $0x38;
	[tilespmem:$0x10600] =	vst v63  }
0x256: {  	s5 =	sadd.s32 $0x8B80, s20;
	s6 =	sadd.s32 s3, s2  }
0x257: {  	[tilespmem:s5], [sflag:$0x1] =	stream.linear.gather [hbm4b:s6+s9], $0x80, $0x38;
	[tilespmem:$0x10600] =	vst v63  }
0x258: {  	v4 =	vld [tilespmem:s24+$0x0]  }
0x259: {  	v6 =	vld [tilespmem:s25+$0x0];
	_ =	sdelay $0x3  }
0x25a: {  	v5 =	vshll.u32 v4, $0x4  }
0x25b: {  	v4 =	vshll.u32 v6, $0x4;
	(v2sf) =	vpush v5, $0x0  }
0x25c: {  	s7 =	smov.u32 s12;
	(v2sf) =	vpush v4, $0x0  }
0x25d: {  	p0 =	sne.s32 s12, $0x1E000;
	s20 =	sshra.s32 s7, $0x2;
	(v2sf) =	vpush v5, $0x1  }
0x25e: {  	s12 =	sadd.s32 $0x2000, s12;
	s7 =	sadd.s32 $0x680, s20;
	s0 =	sadd.s32 $0x880, s20  }
0x25f: {  	s14 =	sadd.s32 $0x600, s20;
	s10 =	sadd.s32 $0x8A00, s20;
	s15 =	sadd.s32 $0x8600, s20;
	(v2sf) =	vpush v4, $0x1  }
0x260: {  	s18 =	sadd.s32 $0x8500, s20;
	s13 =	sadd.s32 $0x8680, s20;
	s11 =	sadd.s32 $0x8A80, s20  }
0x261: {  	s17 =	sadd.s32 $0x8880, s20;
	s29 =	sadd.s32 $0xA00, s20;
	[dreg:$0xa] =	wrdreg s0;
	(v2sf) =	vpush v5, $0x2  }
0x262: {  	s0 =	sadd.s32 $0x400, s20;
	s8 =	sadd.s32 $0x8900, s20;
	[dreg:$0x13] =	wrdreg s10  }
0x263: {  	s16 =	sadd.s32 $0x8580, s20;
	[dreg:$0x11] =	wrdreg s11;
	s11 =	sadd.s32 $0x8700, s20;
	(v2sf) =	vpush v4, $0x2  }
0x264: {  	[dreg:$0xe] =	wrdreg s17;
	s21 =	sadd.s32 $0x900, s20;
	s10 =	sadd.s32 $0x780, s20  }
0x265: {  	s22 =	sadd.s32 $0x8800, s20;
	s30 =	sadd.s32 $0x8400, s20;
	[dreg:$0x6] =	wrdreg s8;
	(v2sf) =	vpush v5, $0x3  }
0x266: {  	s8 =	sadd.s32 $0x580, s20;
	s31 =	sadd.s32 $0x8480, s20;
	[dreg:$0xc] =	wrdreg s21  }
0x267: {  	[dreg:$0x10] =	wrdreg s22;
	s21 =	sadd.s32 $0x480, s20;
	s19 =	sadd.s32 $0x500, s20;
	(v2sf) =	vpush v4, $0x3  }
0x268: {  	s2 =	sadd.s32 $0x700, s20;
	s28 =	sadd.s32 $0xB00, s20;
	s4 =	sadd.s32 $0x8980, s20  }
0x269: {  	s26 =	sadd.s32 $0x8B00, s20;
	s1 =	sadd.s32 $0xA80, s20;
	[dreg:$0x8] =	wrdreg s4;
	(v2sf) =	vpush v5, $0x4  }
0x26a: {  	s4 =	sadd.s32 $0x980, s20;
	s5 =	sadd.s32 $0x8780, s20;
	s23 =	spop (v2sf)  }
0x26b: {  	s6 =	sadd.s32 $0x800, s20;
	s17 =	sand.u32 $0x1FFFFFF0, s23;
	s22 =	spop (v2sf);
	(v2sf) =	vpush v4, $0x4  }
0x26c: {  	s17 =	sadd.s32 s3, s17;
	s22 =	sand.u32 $0x1FFFFFF0, s22;
	s23 =	spop (v2sf)  }
0x26d: {  	(v2sf) =	vpush v5, $0x5;
	[tilespmem:s0], [sflag:$0x1] =	stream.linear.gather [hbm4b:s17+s9], $0x80, $0x38;
	[tilespmem:$0x10600] =	vst v63  }
0x26e: {  	s17 =	sadd.s32 s3, s22;
	s22 =	sand.u32 $0x1FFFFFF0, s23;
	s23 =	spop (v2sf);
	(v2sf) =	vpush v4, $0x5  }
0x26f: {  	[tilespmem:s30], [sflag:$0x2] =	stream.linear.gather [hbm4b:s17+s9], $0x80, $0x38;
	[tilespmem:$0x10600] =	vst v63  }
0x270: {  	s23 =	sand.u32 $0x1FFFFFF0, s23;
	s17 =	sadd.s32 s3, s22;
	s30 =	spop (v2sf);
	(v2sf) =	vpush v5, $0x6  }
0x271: {  	[tilespmem:s21], [sflag:$0x2] =	stream.linear.gather [hbm4b:s17+s9], $0x80, $0x38;
	[tilespmem:$0x10600] =	vst v63  }
0x272: {  	s21 =	sadd.s32 s3, s23;
	s23 =	sand.u32 $0x1FFFFFF0, s30;
	s30 =	spop (v2sf);
	(v2sf) =	vpush v4, $0x6  }
0x273: {  	[tilespmem:s31], [sflag:$0x3] =	stream.linear.gather [hbm4b:s21+s9], $0x80, $0x38;
	[tilespmem:$0x10600] =	vst v63  }
0x274: {  	s17 =	sadd.s32 s3, s23;
	s22 =	spop (v2sf);
	s21 =	sand.u32 $0x1FFFFFF0, s30  }
0x275: {  	(v2sf) =	vpush v5, $0x7;
	[tilespmem:s19], [sflag:$0x3] =	stream.linear.gather [hbm4b:s17+s9], $0x80, $0x38;
	[tilespmem:$0x10600] =	vst v63  }
0x276: {  	s30 =	sand.u32 $0x1FFFFFF0, s22;
	s31 =	spop (v2sf);
	s23 =	sadd.s32 s3, s21  }
0x277: {  	(v2sf) =	vpush v4, $0x7;
	[tilespmem:s18], [sflag:$0x4] =	stream.linear.gather [hbm4b:s23+s9], $0x80, $0x38;
	[tilespmem:$0x10600] =	vst v63  }
0x278: {  	s21 =	sand.u32 $0x1FFFFFF0, s31;
	s22 =	spop (v2sf);
	s18 =	sadd.s32 s3, s30  }
0x279: {  	(v2sf) =	vpush v5, $0x8;
	[tilespmem:s8], [sflag:$0x4] =	stream.linear.gather [hbm4b:s18+s9], $0x80, $0x38;
	[tilespmem:$0x10600] =	vst v63  }
0x27a: {  	s24 =	sadd.s32 $0x10, s24;
	s23 =	sadd.s32 s3, s21;
	s31 =	spop (v2sf)  }
0x27b: {  	[tilespmem:s16], [sflag:$0x5] =	stream.linear.gather [hbm4b:s23+s9], $0x80, $0x38;
	[tilespmem:$0x10600] =	vst v63  }
0x27c: {  	s25 =	sadd.s32 $0x10, s25;
	s30 =	sand.u32 $0x1FFFFFF0, s22;
	s18 =	spop (v2sf)  }
0x27d: {  	(v2sf) =	vpush v4, $0x8;
	s16 =	sadd.s32 s3, s30;
	s17 =	sand.u32 $0x1FFFFFF0, s31;
	s22 =	spop (v2sf)  }
0x27e: {  	[tilespmem:s14], [sflag:$0x5] =	stream.linear.gather [hbm4b:s16+s9], $0x80, $0x38;
	[tilespmem:$0x10600] =	vst v63  }
0x27f: {  	s19 =	sadd.s32 s3, s17;
	s21 =	sand.u32 $0x1FFFFFF0, s18;
	s31 =	spop (v2sf)  }
0x280: {  	(v2sf) =	vpush v5, $0x9;
	[tilespmem:s15], [sflag:$0x6] =	stream.linear.gather [hbm4b:s19+s9], $0x80, $0x38;
	[tilespmem:$0x10600] =	vst v63  }
0x281: {  	s23 =	sadd.s32 s3, s21;
	s30 =	sand.u32 $0x1FFFFFF0, s22;
	s17 =	spop (v2sf)  }
0x282: {  	(v2sf) =	vpush v4, $0x9;
	[tilespmem:s7], [sflag:$0x6] =	stream.linear.gather [hbm4b:s23+s9], $0x80, $0x38;
	[tilespmem:$0x10600] =	vst v63  }
0x283: {  	s15 =	sadd.s32 s3, s30;
	s16 =	sand.u32 $0x1FFFFFF0, s31;
	s19 =	sand.u32 $0x1FFFFFF0, s17  }
0x284: {  	(v2sf) =	vpush v5, $0xA;
	s18 =	sadd.s32 s3, s16;
	s21 =	spop (v2sf);
	s22 =	sadd.s32 s3, s19  }
0x285: {  	[tilespmem:s13], [sflag:$0x7] =	stream.linear.gather [hbm4b:s15+s9], $0x80, $0x38;
	[tilespmem:$0x10600] =	vst v63  }
0x286: {  	(v2sf) =	vpush v4, $0xA;
	s23 =	sand.u32 $0x1FFFFFF0, s21;
	s30 =	spop (v2sf);
	s21 =	rddreg [dreg:$0x10]  }
0x287: {  	[tilespmem:s2], [sflag:$0x7] =	stream.linear.gather [hbm4b:s18+s9], $0x80, $0x38;
	[tilespmem:$0x10600] =	vst v63  }
0x288: {  	(v2sf) =	vpush v5, $0xB;
	s13 =	smov.u32 s1;
	s31 =	sadd.s32 s3, s23;
	s2 =	spop (v2sf)  }
0x289: {  	[tilespmem:s11], [sflag:$0x8] =	stream.linear.gather [hbm4b:s22+s9], $0x80, $0x38;
	[tilespmem:$0x10600] =	vst v63  }
0x28a: {  	(v2sf) =	vpush v4, $0xB;
	s1 =	sand.u32 $0x1FFFFFF0, s30;
	s8 =	sand.u32 $0x1FFFFFF0, s2;
	s11 =	rddreg [dreg:$0x13]  }
0x28b: {  	[tilespmem:s10], [sflag:$0x8] =	stream.linear.gather [hbm4b:s31+s9], $0x80, $0x38;
	[tilespmem:$0x10600] =	vst v63  }
0x28c: {  	s14 =	sadd.s32 s3, s8;
	s8 =	rddreg [dreg:$0x11];
	s10 =	spop (v2sf)  }
0x28d: {  	s7 =	sadd.s32 s3, s1;
	(v2sf) =	vpush v5, $0xC;
	s31 =	rddreg [dreg:$0xa];
	s15 =	sand.u32 $0x1FFFFFF0, s10  }
0x28e: {  	[tilespmem:s5], [sflag:$0x1] =	stream.linear.gather [hbm4b:s7+s9], $0x80, $0x38;
	[tilespmem:$0x10600] =	vst v63  }
0x28f: {  	(v2sf) =	vpush v4, $0xC;
	s16 =	spop (v2sf);
	s17 =	sadd.s32 s3, s15;
	s7 =	rddreg [dreg:$0xe]  }
0x290: {  	[tilespmem:s6], [sflag:$0x1] =	stream.linear.gather [hbm4b:s14+s9], $0x80, $0x38;
	[tilespmem:$0x10600] =	vst v63  }
0x291: {  	s18 =	sand.u32 $0x1FFFFFF0, s16;
	s19 =	spop (v2sf);
	s16 =	rddreg [dreg:$0xc]  }
0x292: {  	[tilespmem:s21], [sflag:$0x2] =	stream.linear.gather [hbm4b:s17+s9], $0x80, $0x38;
	[tilespmem:$0x10600] =	vst v63  }
0x293: {  	s22 =	sadd.s32 s3, s18;
	s23 =	sand.u32 $0x1FFFFFF0, s19;
	s30 =	spop (v2sf)  }
0x294: {  	[tilespmem:s31], [sflag:$0x2] =	stream.linear.gather [hbm4b:s22+s9], $0x80, $0x38;
	[tilespmem:$0x10600] =	vst v63  }
0x295: {  	s2 =	sadd.s32 s3, s23;
	s5 =	sand.u32 $0x1FFFFFF0, s30;
	s6 =	spop (v2sf)  }
0x296: {  	[tilespmem:s7], [sflag:$0x3] =	stream.linear.gather [hbm4b:s2+s9], $0x80, $0x38;
	[tilespmem:$0x10600] =	vst v63  }
0x297: {  	s10 =	sadd.s32 s3, s5;
	s14 =	sand.u32 $0x1FFFFFF0, s6;
	s15 =	spop (v2sf)  }
0x298: {  	[tilespmem:s16], [sflag:$0x3] =	stream.linear.gather [hbm4b:s10+s9], $0x80, $0x38;
	[tilespmem:$0x10600] =	vst v63  }
0x299: {  	s21 =	rddreg [dreg:$0x6];
	s17 =	sadd.s32 s3, s14;
	s19 =	spop (v2sf)  }
0x29a: {  	(v2sf) =	vpush v5, $0xD;
	[tilespmem:s21], [sflag:$0x4] =	stream.linear.gather [hbm4b:s17+s9], $0x80, $0x38;
	[tilespmem:$0x10600] =	vst v63  }
.Ltmp2:
0x29b: {  	(v2sf) =	vpush v4, $0xD;
	s18 =	sand.u32 $0x1FFFFFF0, s15;
	s31 =	rddreg [dreg:$0x8];
	(pc) =	sbr.rel @p0 .LBB2_6-.Ltmp2, $4  }
0x29c: {  	(v2sf) =	vpush v5, $0xE;
	s22 =	sadd.s32 s3, s18;
	s23 =	sand.u32 $0x1FFFFFF0, s19;
	s30 =	spop (v2sf)  }
0x29d: {  	(v2sf) =	vpush v4, $0xE;
	[tilespmem:s4], [sflag:$0x4] =	stream.linear.gather [hbm4b:s22+s9], $0x80, $0x38;
	[tilespmem:$0x10600] =	vst v63  }
0x29e: {  	(v2sf) =	vpush v5, $0xF;
	s1 =	sadd.s32 s3, s23;
	s0 =	sand.u32 $0x1FFFFFF0, s30;
	s2 =	spop (v2sf)  }
0x29f: {  	(v2sf) =	vpush v4, $0xF;
	[tilespmem:s31], [sflag:$0x5] =	stream.linear.gather [hbm4b:s1+s9], $0x80, $0x38;
	[tilespmem:$0x10600] =	vst v63  }
0x2a0: {  	_ =	sdelay $0x4  }
0x2a1: {  	s0 =	sadd.s32 s3, s0;
	s1 =	sand.u32 $0x1FFFFFF0, s2  }
0x2a2: {  	[tilespmem:s29], [sflag:$0x5] =	stream.linear.gather [hbm4b:s0+s9], $0x80, $0x38;
	[tilespmem:$0x10600] =	vst v63  }
0x2a3: {  	s1 =	sadd.s32 s3, s1  }
0x2a4: {  	[tilespmem:s11], [sflag:$0x6] =	stream.linear.gather [hbm4b:s1+s9], $0x80, $0x38;
	[tilespmem:$0x10600] =	vst v63  }
0x2a5: {  	s31 =	spop (v2sf)  }
0x2a6: {  	s2 =	sand.u32 $0x1FFFFFF0, s31;
	s4 =	spop (v2sf)  }
0x2a7: {  	s5 =	sadd.s32 s3, s2;
	s6 =	sand.u32 $0x1FFFFFF0, s4;
	s7 =	spop (v2sf)  }
0x2a8: {  	[tilespmem:s13], [sflag:$0x6] =	stream.linear.gather [hbm4b:s5+s9], $0x80, $0x38;
	[tilespmem:$0x10600] =	vst v63  }
0x2a9: {  	s10 =	sadd.s32 s3, s6;
	s11 =	sand.u32 $0x1FFFFFF0, s7;
	s12 =	spop (v2sf)  }
0x2aa: {  	[tilespmem:s8], [sflag:$0x7] =	stream.linear.gather [hbm4b:s10+s9], $0x80, $0x38;
	[tilespmem:$0x10600] =	vst v63  }
0x2ab: {  	s13 =	sadd.s32 s3, s11;
	s14 =	sand.u32 $0x1FFFFFF0, s12;
	s15 =	spop (v2sf)  }
0x2ac: {  	[tilespmem:s28], [sflag:$0x7] =	stream.linear.gather [hbm4b:s13+s9], $0x80, $0x38;
	[tilespmem:$0x10600] =	vst v63  }
0x2ad: {  	s16 =	sadd.s32 s3, s14;
	s17 =	sand.u32 $0x1FFFFFF0, s15;
	s18 =	spop (v2sf)  }
0x2ae: {  	[tilespmem:s26], [sflag:$0x8] =	stream.linear.gather [hbm4b:s16+s9], $0x80, $0x38;
	[tilespmem:$0x10600] =	vst v63  }
0x2af: {  	s19 =	sadd.s32 $0xB80, s20;
	s1 =	sadd.s32 s3, s17;
	s2 =	sand.u32 $0x1FFFFFF0, s18  }
0x2b0: {  	[tilespmem:s19], [sflag:$0x8] =	stream.linear.gather [hbm4b:s1+s9], $0x80, $0x38;
	[tilespmem:$0x10600] =	vst v63  }
0x2b1: {  	s21 =	sadd.s32 $0x8B80, s20;
	s23 =	simm.s32 $0x1;
	s22 =	sadd.s32 s3, s2  }
0x2b2: {  	[tilespmem:s21], [sflag:$0x1] =	stream.linear.gather [hbm4b:s22+s9], $0x80, $0x38;
	[tilespmem:$0x10600] =	vst v63  }
0x2b3: {  	_ =	swait.ge [sflag:s23], $0x2000  }
0x2b4: {  	[sflag:s23] =	ssyncset.done $0x0  }
0x2b5: {  	s24 =	simm.s32 $0x2;
	[sflag:s23] =	ssyncadd.s32 $0xFFFFE000  }
0x2b6: {  	_ =	swait.ge [sflag:s24], $0x2000  }
0x2b7: {  	[sflag:s24] =	ssyncset.done $0x0  }
0x2b8: {  	s25 =	simm.s32 $0x3;
	[sflag:s24] =	ssyncadd.s32 $0xFFFFE000  }
0x2b9: {  	_ =	swait.ge [sflag:s25], $0x2000  }
0x2ba: {  	[sflag:s25] =	ssyncset.done $0x0  }
0x2bb: {  	s26 =	simm.s32 $0x4;
	[sflag:s25] =	ssyncadd.s32 $0xFFFFE000  }
0x2bc: {  	_ =	swait.ge [sflag:s26], $0x2000  }
0x2bd: {  	[sflag:s26] =	ssyncset.done $0x0  }
0x2be: {  	s28 =	simm.s32 $0x5;
	[sflag:s26] =	ssyncadd.s32 $0xFFFFE000  }
0x2bf: {  	_ =	swait.ge [sflag:s28], $0x2000  }
0x2c0: {  	[sflag:s28] =	ssyncset.done $0x0  }
0x2c1: {  	s29 =	simm.s32 $0x6;
	[sflag:s28] =	ssyncadd.s32 $0xFFFFE000  }
0x2c2: {  	_ =	swait.ge [sflag:s29], $0x2000  }
0x2c3: {  	[sflag:s29] =	ssyncset.done $0x0  }
0x2c4: {  	s30 =	simm.s32 $0x7;
	[sflag:s29] =	ssyncadd.s32 $0xFFFFE000  }
0x2c5: {  	_ =	swait.ge [sflag:s30], $0x2000  }
0x2c6: {  	[sflag:s30] =	ssyncset.done $0x0  }
0x2c7: {  	s31 =	simm.s32 $0x8;
	[sflag:s30] =	ssyncadd.s32 $0xFFFFE000  }
0x2c8: {  	_ =	swait.ge [sflag:s31], $0x2000  }
0x2c9: {  	[sflag:s31] =	ssyncset.done $0x0  }
0x2ca: {  	s19 =	simm.s32 $0x8800;
	[sflag:s31] =	ssyncadd.s32 $0xFFFFE000  }
0x2cb: {  	s20 =	simm.s32 $0x800;
	v4 =	vld [tilespmem:s19+$0xFFFFFC00]  }
0x2cc: {  	v5 =	vld [tilespmem:s20+$0xFFFFFC00]  }
0x2cd: {  	v6 =	vld [tilespmem:s20+$0xFFFFFC10]  }
0x2ce: {  	v7 =	vld [tilespmem:s19+$0xFFFFFC10]  }
0x2cf: {  	v8 =	vld [tilespmem:s20+$0x0]  }
0x2d0: {  	v9 =	vld [tilespmem:s19+$0x0]  }
0x2d1: {  	v10 =	vld [tilespmem:s20+$0x10]  }
0x2d2: {  	v11 =	vld [tilespmem:s19+$0x10]  }
0x2d3: {  	v12 =	vld [tilespmem:s20+$0xFFFFFE00]  }
0x2d4: {  	v13 =	vld [tilespmem:s19+$0xFFFFFE00]  }
0x2d5: {  	v14 =	vld [tilespmem:s20+$0xFFFFFE10]  }
0x2d6: {  	v15 =	vld [tilespmem:s19+$0xFFFFFE10]  }
0x2d7: {  	v16 =	vld [tilespmem:s20+$0x200]  }
0x2d8: {  	v17 =	vld [tilespmem:s19+$0x200]  }
0x2d9: {  	v18 =	vld [tilespmem:s20+$0x210]  }
0x2da: {  	v19 =	vld [tilespmem:s19+$0x210]  }
0x2db: {  	v20 =	vld [tilespmem:s20+$0xFFFFFD00]  }
0x2dc: {  	v21 =	vld [tilespmem:s19+$0xFFFFFD00]  }
0x2dd: {  	v22 =	vld [tilespmem:s20+$0xFFFFFD10]  }
0x2de: {  	v23 =	vld [tilespmem:s19+$0xFFFFFD10]  }
0x2df: {  	v24 =	vld [tilespmem:s20+$0x100]  }
0x2e0: {  	v25 =	vld [tilespmem:s19+$0x100]  }
0x2e1: {  	v26 =	vld [tilespmem:s20+$0x110]  }
0x2e2: {  	v27 =	vld [tilespmem:s19+$0x110]  }
0x2e3: {  	v28 =	vld [tilespmem:s20+$0xFFFFFF00]  }
0x2e4: {  	v29 =	vld [tilespmem:s19+$0xFFFFFF00]  }
0x2e5: {  	v30 =	vld [tilespmem:s20+$0xFFFFFF10]  }
0x2e6: {  	v31 =	vld [tilespmem:s19+$0xFFFFFF10]  }
0x2e7: {  	v32 =	vld [tilespmem:s20+$0x300]  }
0x2e8: {  	v33 =	vld [tilespmem:s19+$0x300]  }
0x2e9: {  	v34 =	vld [tilespmem:s20+$0x310]  }
0x2ea: {  	v35 =	vld [tilespmem:s19+$0x310]  }
0x2eb: {  	v36 =	vld [tilespmem:s20+$0xFFFFFC80]  }
0x2ec: {  	v37 =	vld [tilespmem:s19+$0xFFFFFC80]  }
0x2ed: {  	v38 =	vld [tilespmem:s20+$0xFFFFFC90]  }
0x2ee: {  	v39 =	vld [tilespmem:s19+$0xFFFFFC90]  }
0x2ef: {  	v40 =	vld [tilespmem:s20+$0x80]  }
0x2f0: {  	v41 =	vld [tilespmem:s19+$0x80]  }
0x2f1: {  	v42 =	vld [tilespmem:s20+$0x90]  }
0x2f2: {  	v43 =	vld [tilespmem:s19+$0x90]  }
0x2f3: {  	v44 =	vld [tilespmem:s20+$0xFFFFFE80]  }
0x2f4: {  	v45 =	vld [tilespmem:s19+$0xFFFFFE80];
	v4 =	vmul.f32 v4, v5;
	v5 =	vmul.f32 v7, v6  }
0x2f5: {  	v46 =	vld [tilespmem:s20+$0xFFFFFE90];
	v6 =	vmul.f32 v9, v8;
	v7 =	vmul.f32 v11, v10  }
0x2f6: {  	v47 =	vld [tilespmem:s19+$0xFFFFFE90];
	v8 =	vmul.f32 v15, v14;
	v10 =	vadd.f32 v5, v4;
	v5 =	vmul.f32 v13, v12  }
0x2f7: {  	v9 =	vmul.f32 v19, v18;
	v6 =	vadd.f32 v7, v6;
	v7 =	vmul.f32 v17, v16;
	v4 =	vld [tilespmem:s20+$0x280]  }
0x2f8: {  	v11 =	vadd.f32 v8, v5;
	v5 =	vld [tilespmem:s19+$0x280]  }
0x2f9: {  	v12 =	vadd.f32 v9, v7;
	v7 =	vld [tilespmem:s20+$0x290]  }
0x2fa: {  	v18 =	vmul.f32 v23, v22;
	v17 =	vmul.f32 v21, v20;
	v8 =	vld [tilespmem:s19+$0x290]  }
0x2fb: {  	v19 =	vmul.f32 v27, v26;
	v9 =	vld [tilespmem:s20+$0xFFFFFD80]  }
0x2fc: {  	v13 =	vperm.xlane v10, v0;
	v14 =	vperm.xlane v6, v0;
	v20 =	vadd.f32 v18, v17;
	v17 =	vld [tilespmem:s20+$0x190]  }
0x2fd: {  	v26 =	vmul.f32 v31, v30;
	v18 =	vld [tilespmem:s19+$0x190];
	v15 =	vperm.xlane v11, v0  }
0x2fe: {  	v16 =	vadd.f32 v13, v10;
	v6 =	vadd.f32 v14, v6;
	v14 =	vperm.xlane v12, v0;
	v10 =	vld [tilespmem:s19+$0xFFFFFD80]  }
0x2ff: {  	v27 =	vmul.f32 v33, v32;
	v13 =	vld [tilespmem:s20+$0xFFFFFD90];
	v11 =	vadd.f32 v15, v11;
	v15 =	vmul.f32 v25, v24  }
0x300: {  	v30 =	vmul.f32 v37, v36;
	v22 =	vperm.xlane v20, v0;
	v12 =	vadd.f32 v14, v12;
	v14 =	vld [tilespmem:s19+$0xFFFFFD90]  }
0x301: {  	v31 =	vmul.f32 v39, v38;
	v6 =	vsel vm2, v16, v6;
	v16 =	vld [tilespmem:s19+$0x180];
	v21 =	vadd.f32 v19, v15  }
0x302: {  	v60 =	vmul.f32 v41, v40;
	v25 =	vmul.f32 v29, v28;
	v29 =	vadd.f32 v22, v20;
	v20 =	vld [tilespmem:s19+$0xFFFFFF80]  }
0x303: {  	v61 =	vmul.f32 v43, v42;
	v22 =	vld [tilespmem:s19+$0xFFFFFF90];
	v24 =	vperm.xlane v21, v0  }
0x304: {  	v32 =	vmul.f32 v45, v44;
	v28 =	vmul.f32 v35, v34;
	v15 =	vld [tilespmem:s20+$0x180];
	v11 =	vsel vm2, v11, v12  }
0x305: {  	v12 =	vperm.xlane v6, v1;
	v19 =	vld [tilespmem:s20+$0xFFFFFF80];
	v62 =	vadd.f32 v26, v25;
	v24 =	vadd.f32 v24, v21  }
0x306: {  	v35 =	vmul.f32 v47, v46;
	v28 =	vadd.f32 v28, v27;
	v25 =	vld [tilespmem:s19+$0x380];
	v23 =	vperm.xlane v11, v1  }
0x307: {  	v27 =	vld [tilespmem:s20+$0x390];
	v6 =	vadd.f32 v12, v6;
	v63 =	vperm.xlane v62, v0;
	v12 =	vsel vm2, v29, v24  }
0x308: {  	v26 =	vadd.f32 v61, v60;
	v21 =	vld [tilespmem:s20+$0xFFFFFF90];
	v29 =	vadd.f32 v31, v30;
	v30 =	vperm.xlane v12, v1  }
0x309: {  	v33 =	vperm.xlane v28, v0;
	v11 =	vadd.f32 v23, v11;
	v23 =	vadd.f32 v63, v62;
	v24 =	vld [tilespmem:s20+$0x380]  }
0x30a: {  	s21 =	simm.s32 $0x0;
	s22 =	simm.s32 $0x10;
	v31 =	vperm.xlane v26, v0;
	v34 =	vperm.xlane v29, v0;
	v12 =	vadd.f32 v30, v12;
	v30 =	vld [tilespmem:s19+$0x390]  }
.LBB2_8:
0x30b: {  	p0 =	sne.s32 s22, $0xF0;
	v4 =	vmul.f32 v5, v4;
	v5 =	vmul.f32 v8, v7;
	v7 =	vadd.f32 v33, v28  }
0x30c: {  	v8 =	vmul.f32 v10, v9;
	v9 =	vmul.f32 v14, v13;
	v10 =	vadd.f32 v34, v29  }
0x30d: {  	v13 =	vmul.f32 v16, v15;
	v14 =	vmul.f32 v18, v17;
	v15 =	vadd.f32 v31, v26  }
0x30e: {  	v17 =	vmul.f32 v20, v19;
	v18 =	vmul.f32 v22, v21;
	v16 =	vadd.f32 v35, v32  }
0x30f: {  	v4 =	vadd.f32 v5, v4;
	v5 =	vmul.f32 v25, v24;
	v19 =	vmul.f32 v30, v27  }
0x310: {  	v8 =	vadd.f32 v9, v8;
	v9 =	vadd.f32 v14, v13;
	v13 =	vperm.xlane v16, v0  }
0x311: {  	v14 =	vadd.f32 v18, v17;
	v17 =	vperm.xlane v4, v0;
	v5 =	vadd.f32 v19, v5  }
0x312: {  	v18 =	vperm.xlane v9, v0;
	v13 =	vadd.f32 v13, v16;
	v16 =	vperm.xlane v8, v0  }
0x313: {  	v4 =	vadd.f32 v17, v4;
	v17 =	vperm.xlane v14, v0;
	v19 =	vperm.xlane v5, v0  }
0x314: {  	v7 =	vsel vm2, v23, v7;
	v9 =	vadd.f32 v18, v9;
	v8 =	vadd.f32 v16, v8  }
0x315: {  	v10 =	vsel vm2, v10, v15;
	v14 =	vadd.f32 v17, v14;
	v5 =	vadd.f32 v19, v5  }
0x316: {  	v15 =	vperm.xlane v10, v1;
	v4 =	vsel vm2, v13, v4;
	v13 =	vperm.xlane v7, v1  }
0x317: {  	v8 =	vsel vm2, v8, v9;
	v9 =	vperm.xlane v4, v1;
	v5 =	vsel vm2, v14, v5  }
0x318: {  	v7 =	vadd.f32 v13, v7;
	v13 =	vperm.xlane v8, v1;
	v14 =	vperm.xlane v5, v1  }
0x319: {  	v10 =	vadd.f32 v15, v10;
	v4 =	vadd.f32 v9, v4  }
0x31a: {  	v6 =	vsel vm0, v6, v11;
	v8 =	vadd.f32 v13, v8;
	v5 =	vadd.f32 v14, v5  }
0x31b: {  	v9 =	vperm.xlane v6, v2;
	v7 =	vsel vm0, v12, v7  }
0x31c: {  	v4 =	vsel vm0, v10, v4;
	v5 =	vsel vm0, v8, v5;
	v8 =	vperm.xlane v7, v2  }
0x31d: {  	v10 =	vperm.xlane v4, v2;
	v11 =	vperm.xlane v5, v2  }
0x31e: {  	v6 =	vadd.f32 v9, v6;
	v7 =	vadd.f32 v8, v7  }
0x31f: {  	v4 =	vadd.f32 v10, v4;
	v5 =	vadd.f32 v11, v5;
	_ =	sdelay $0x1  }
0x320: {  	v6 =	vsel vm1, v6, v7;
	v4 =	vsel vm1, v4, v5  }
0x321: {  	v5 =	vperm.xlane v6, v3;
	v7 =	vperm.xlane v4, v3;
	_ =	sdelay $0x1  }
0x322: {  	v5 =	vadd.f32 v5, v6;
	v4 =	vadd.f32 v7, v4;
	_ =	sdelay $0x1  }
0x323: {  	s0 =	sand.u32 $0xF0, s21;
	s21 =	smov.u32 s22;
	v4 =	vsel vm3, v5, v4  }
0x324: {  	s19 =	sadd.s32 $0x800, s19;
	[tilespmem:s0+$0x10500] =	vst v4  }
0x325: {  	s20 =	sadd.s32 $0x800, s20;
	v4 =	vld [tilespmem:s19+$0xFFFFFC00]  }
0x326: {  	v5 =	vld [tilespmem:s20+$0xFFFFFC00]  }
0x327: {  	v6 =	vld [tilespmem:s20+$0xFFFFFC10]  }
0x328: {  	v7 =	vld [tilespmem:s19+$0xFFFFFC10]  }
0x329: {  	v8 =	vld [tilespmem:s20+$0x0]  }
0x32a: {  	v9 =	vld [tilespmem:s19+$0x0]  }
0x32b: {  	v10 =	vld [tilespmem:s20+$0x10]  }
0x32c: {  	v11 =	vld [tilespmem:s19+$0x10]  }
0x32d: {  	v12 =	vld [tilespmem:s20+$0xFFFFFE00]  }
0x32e: {  	v13 =	vld [tilespmem:s19+$0xFFFFFE00]  }
0x32f: {  	v14 =	vld [tilespmem:s20+$0xFFFFFE10]  }
0x330: {  	v15 =	vld [tilespmem:s19+$0xFFFFFE10]  }
0x331: {  	v16 =	vld [tilespmem:s20+$0x200]  }
0x332: {  	v17 =	vld [tilespmem:s19+$0x200]  }
0x333: {  	v18 =	vld [tilespmem:s20+$0x210]  }
0x334: {  	v19 =	vld [tilespmem:s19+$0x210]  }
0x335: {  	v20 =	vld [tilespmem:s20+$0xFFFFFD00]  }
0x336: {  	v21 =	vld [tilespmem:s19+$0xFFFFFD00]  }
0x337: {  	v22 =	vld [tilespmem:s20+$0xFFFFFD10]  }
0x338: {  	v23 =	vld [tilespmem:s19+$0xFFFFFD10]  }
0x339: {  	v24 =	vld [tilespmem:s20+$0x100]  }
0x33a: {  	v25 =	vld [tilespmem:s19+$0x100]  }
0x33b: {  	v26 =	vld [tilespmem:s20+$0x110]  }
0x33c: {  	v27 =	vld [tilespmem:s19+$0x110]  }
0x33d: {  	v28 =	vld [tilespmem:s20+$0xFFFFFF00]  }
0x33e: {  	v29 =	vld [tilespmem:s19+$0xFFFFFF00]  }
0x33f: {  	v30 =	vld [tilespmem:s20+$0xFFFFFF10]  }
0x340: {  	v31 =	vld [tilespmem:s19+$0xFFFFFF10]  }
0x341: {  	v32 =	vld [tilespmem:s20+$0x300]  }
0x342: {  	v33 =	vld [tilespmem:s19+$0x300]  }
0x343: {  	v34 =	vld [tilespmem:s20+$0x310]  }
0x344: {  	v35 =	vld [tilespmem:s19+$0x310]  }
0x345: {  	v36 =	vld [tilespmem:s20+$0xFFFFFC80]  }
0x346: {  	v37 =	vld [tilespmem:s19+$0xFFFFFC80]  }
0x347: {  	v38 =	vld [tilespmem:s20+$0xFFFFFC90]  }
0x348: {  	v39 =	vld [tilespmem:s19+$0xFFFFFC90]  }
0x349: {  	v40 =	vld [tilespmem:s20+$0x80]  }
0x34a: {  	v41 =	vld [tilespmem:s19+$0x80]  }
0x34b: {  	v42 =	vld [tilespmem:s20+$0x90]  }
0x34c: {  	v43 =	vld [tilespmem:s19+$0x90]  }
0x34d: {  	v44 =	vld [tilespmem:s20+$0xFFFFFE80]  }
0x34e: {  	v4 =	vmul.f32 v4, v5;
	v5 =	vmul.f32 v7, v6;
	v45 =	vld [tilespmem:s19+$0xFFFFFE80]  }
0x34f: {  	v6 =	vmul.f32 v9, v8;
	v7 =	vmul.f32 v11, v10;
	v46 =	vld [tilespmem:s20+$0xFFFFFE90]  }
0x350: {  	v10 =	vadd.f32 v5, v4;
	v5 =	vmul.f32 v13, v12;
	v8 =	vmul.f32 v15, v14;
	v47 =	vld [tilespmem:s19+$0xFFFFFE90]  }
0x351: {  	v6 =	vadd.f32 v7, v6;
	v7 =	vmul.f32 v17, v16;
	v9 =	vmul.f32 v19, v18;
	v4 =	vld [tilespmem:s20+$0x280]  }
0x352: {  	v11 =	vadd.f32 v8, v5;
	v5 =	vld [tilespmem:s19+$0x280]  }
0x353: {  	v13 =	vperm.xlane v10, v0;
	v14 =	vperm.xlane v6, v0;
	v12 =	vadd.f32 v9, v7;
	v7 =	vld [tilespmem:s20+$0x290]  }
0x354: {  	v15 =	vperm.xlane v11, v0;
	v8 =	vld [tilespmem:s19+$0x290]  }
0x355: {  	v16 =	vadd.f32 v13, v10;
	v6 =	vadd.f32 v14, v6;
	v14 =	vperm.xlane v12, v0;
	v9 =	vld [tilespmem:s20+$0xFFFFFD80]  }
0x356: {  	v17 =	vmul.f32 v21, v20;
	v11 =	vadd.f32 v15, v11;
	v18 =	vmul.f32 v23, v22;
	v10 =	vld [tilespmem:s19+$0xFFFFFD80]  }
0x357: {  	v15 =	vmul.f32 v25, v24;
	v12 =	vadd.f32 v14, v12;
	v19 =	vmul.f32 v27, v26;
	v13 =	vld [tilespmem:s20+$0xFFFFFD90]  }
0x358: {  	v6 =	vsel vm2, v16, v6;
	v14 =	vld [tilespmem:s19+$0xFFFFFD90]  }
0x359: {  	v20 =	vadd.f32 v18, v17;
	v11 =	vsel vm2, v11, v12;
	v21 =	vadd.f32 v19, v15;
	v15 =	vld [tilespmem:s20+$0x180]  }
0x35a: {  	v12 =	vperm.xlane v6, v1;
	v23 =	vperm.xlane v11, v1;
	v16 =	vld [tilespmem:s19+$0x180]  }
0x35b: {  	v22 =	vperm.xlane v20, v0;
	v24 =	vperm.xlane v21, v0;
	v17 =	vld [tilespmem:s20+$0x190]  }
0x35c: {  	v25 =	vmul.f32 v29, v28;
	v26 =	vmul.f32 v31, v30;
	v18 =	vld [tilespmem:s19+$0x190]  }
0x35d: {  	v29 =	vadd.f32 v22, v20;
	v27 =	vmul.f32 v33, v32;
	v28 =	vmul.f32 v35, v34;
	v19 =	vld [tilespmem:s20+$0xFFFFFF80]  }
0x35e: {  	v24 =	vadd.f32 v24, v21;
	v30 =	vmul.f32 v37, v36;
	v31 =	vmul.f32 v39, v38;
	v20 =	vld [tilespmem:s19+$0xFFFFFF80]  }
0x35f: {  	v6 =	vadd.f32 v12, v6;
	v32 =	vmul.f32 v41, v40;
	v33 =	vmul.f32 v43, v42;
	v21 =	vld [tilespmem:s20+$0xFFFFFF90]  }
.Ltmp3:
0x360: {  	v12 =	vsel vm2, v29, v24;
	v36 =	vadd.f32 v26, v25;
	v28 =	vadd.f32 v28, v27;
	v22 =	vld [tilespmem:s19+$0xFFFFFF90];
	(pc) =	sbr.rel @p0 .LBB2_8-.Ltmp3, $4  }
0x361: {  	v29 =	vadd.f32 v31, v30;
	v30 =	vperm.xlane v12, v1;
	v26 =	vadd.f32 v33, v32;
	v24 =	vld [tilespmem:s20+$0x380]  }
0x362: {  	v11 =	vadd.f32 v23, v11;
	v37 =	vperm.xlane v36, v0;
	v33 =	vperm.xlane v28, v0;
	v25 =	vld [tilespmem:s19+$0x380]  }
0x363: {  	v34 =	vperm.xlane v29, v0;
	v12 =	vadd.f32 v30, v12;
	v31 =	vperm.xlane v26, v0;
	v27 =	vld [tilespmem:s20+$0x390]  }
0x364: {  	s22 =	sadd.s32 $0x10, s22;
	v23 =	vadd.f32 v37, v36;
	v32 =	vmul.f32 v45, v44;
	v35 =	vmul.f32 v47, v46;
	v30 =	vld [tilespmem:s19+$0x390]  }
0x365: {  	v4 =	vmul.f32 v5, v4  }
0x366: {  	v5 =	vmul.f32 v8, v7;
	v40 =	vmul.f32 v10, v9  }
0x367: {  	v39 =	vadd.f32 v33, v28;
	v41 =	vmul.f32 v14, v13;
	v43 =	vmul.f32 v16, v15  }
0x368: {  	v42 =	vadd.f32 v34, v29;
	v44 =	vmul.f32 v18, v17;
	v47 =	vmul.f32 v20, v19  }
0x369: {  	v48 =	vmul.f32 v22, v21;
	v46 =	vadd.f32 v35, v32;
	v4 =	vadd.f32 v5, v4  }
0x36a: {  	v5 =	vmul.f32 v25, v24;
	v8 =	vadd.f32 v41, v40;
	v49 =	vmul.f32 v30, v27  }
0x36b: {  	v50 =	vadd.f32 v44, v43;
	v52 =	vadd.f32 v48, v47;
	v51 =	vperm.xlane v46, v0  }
0x36c: {  	v53 =	vperm.xlane v4, v0;
	v54 =	vperm.xlane v8, v0;
	v5 =	vadd.f32 v49, v5  }
0x36d: {  	v45 =	vadd.f32 v31, v26;
	v55 =	vperm.xlane v50, v0;
	v56 =	vperm.xlane v52, v0  }
0x36e: {  	v13 =	vadd.f32 v51, v46;
	v4 =	vadd.f32 v53, v4;
	v19 =	vperm.xlane v5, v0  }
0x36f: {  	v7 =	vsel vm2, v23, v39;
	v8 =	vadd.f32 v54, v8;
	v9 =	vadd.f32 v55, v50  }
0x370: {  	v10 =	vsel vm2, v42, v45;
	v14 =	vadd.f32 v56, v52;
	v5 =	vadd.f32 v19, v5  }
0x371: {  	v57 =	vperm.xlane v7, v1;
	v15 =	vperm.xlane v10, v1;
	v4 =	vsel vm2, v13, v4  }
0x372: {  	v8 =	vsel vm2, v8, v9;
	v58 =	vperm.xlane v4, v1;
	v5 =	vsel vm2, v14, v5  }
0x373: {  	v7 =	vadd.f32 v57, v7;
	v59 =	vperm.xlane v8, v1;
	v14 =	vperm.xlane v5, v1  }
0x374: {  	v10 =	vadd.f32 v15, v10;
	v4 =	vadd.f32 v58, v4  }
0x375: {  	v6 =	vsel vm0, v6, v11;
	v8 =	vadd.f32 v59, v8;
	v5 =	vadd.f32 v14, v5  }
0x376: {  	v60 =	vperm.xlane v6, v2;
	v7 =	vsel vm0, v12, v7  }
0x377: {  	v61 =	vperm.xlane v7, v2;
	v4 =	vsel vm0, v10, v4;
	v5 =	vsel vm0, v8, v5  }
0x378: {  	v10 =	vperm.xlane v4, v2;
	v62 =	vperm.xlane v5, v2  }
0x379: {  	v6 =	vadd.f32 v60, v6;
	v7 =	vadd.f32 v61, v7  }
0x37a: {  	v4 =	vadd.f32 v10, v4;
	v5 =	vadd.f32 v62, v5;
	_ =	sdelay $0x1  }
0x37b: {  	v6 =	vsel vm1, v6, v7;
	v4 =	vsel vm1, v4, v5  }
0x37c: {  	v5 =	vperm.xlane v6, v3;
	v63 =	vperm.xlane v4, v3;
	_ =	sdelay $0x1  }
0x37d: {  	v5 =	vadd.f32 v5, v6;
	v4 =	vadd.f32 v63, v4;
	_ =	sdelay $0x1  }
0x37e: {  	s0 =	sand.u32 $0xF0, s21;
	v4 =	vsel vm3, v5, v4  }
0x37f: {  	s29 =	rddreg [dreg:$0x17];
	s1 =	simm.s32 $0x10400;
	s2 =	simm.s32 $0x9;
	[tilespmem:s0+$0x10500] =	vst v4  }
0x380: {  	[hbm4b:s29+s9] =	stream.linear.scatter [tilespmem:s1], [sflag:$0x9], $0x200, $0x38;
	[tilespmem:$0x10600] =	vst v63  }
0x381: {  	_ =	swait.ge [sflag:s2], $0x200  }
0x382: {  	s30 =	rddreg [dreg:$0x19]  }
0x383: {  	s31 =	rddreg [dreg:$0x18];
	s1 =	sadd.s32 $0x1, s30  }
0x384: {  	p0 =	sne.s32 s1, s31  }
.Ltmp4:
0x385: {  	_ = 	snop;
	(pc) =	sbr.rel @p0 .LBB2_1-.Ltmp4, $3  }
0x386: {  	_ =	sdelay $0x1  }
0x387: {  	[sflag:s2] =	ssyncset.done $0x0  }
0x388: {  	[sflag:s2] =	ssyncadd.s32 $0xFFFFFE00  }
0x389: {  	_ =	sfence.sel $0x180000  }
0x38a: {  	[bflag:$0x0] =	sbarrier.arrive $0xFFFF  }
0x38b: {  	_ =	strace $0x90000047  }
0x38c: {  	s0 =	stileid.u32;
	[bflag:$0x2] =	sbarrier.arrive $0xFFFF  }
0x38d: {  	p0 =	sne.s32 s0, $0x0;
	s0 =	rddreg [dreg:$0x4]  }
0x38e: {  	s0 =	sadd.s32 @!p0 $0x100000, s0  }
0x38f: {  	[sflag:s0] =	ssyncadd.tile.s32 @!p0 $0x1;
	_ =	shalt  }
.Lfunc_end2:
_tile_overlayer_lowered:
.L_overlay_start_2:
0x390: {  	(tag) =	ssettag $0x2  }
0x391: {  	s0 =	rddreg [dreg:$0x0];
	s2 =	stileid.u32  }
0x392: {  	s1 =	rddreg [dreg:$0x1];
	p0 =	sne.s32 s2, $0x0  }
0x393: {  	s3 =	rddreg [dreg:$0x2];
	[bflag:$0x3] =	sbarrier.arrive $0xFFFF;
	s2 =	simm.s32 @!p0 $0x1C09  }
0x394: {  	[timem:s3], [sflag:s2] =	dma.local @!p0 [hbm:s0], s1  }
0x395: {  	s0 =	simm.s32 @!p0 $0x9  }
0x396: {  	_ =	swait.ge @!p0 [sflag:s0], s1  }
0x397: {  	s1 =	ssub.s32 @!p0 $0x0, s1;
	[sflag:s0] =	ssyncset.done @!p0 $0x0  }
0x398: {  	[sflag:s0] =	ssyncadd.s32 @!p0 s1  }
0x399: {  	[bflag:$0x3] =	sbarrier.arrive $0xFFFF  }
0x39a: {  	_ =	shalt  }

</sc_bundles>
